<compile_context>
chip_gen: v7x
topology: tpu7x:2x2x1
jax: 0.10.2.dev20260603
libtpu: 0.0.44.dev20260713+nightly
codegen_flags: <defaults>
</compile_context>

<pallas_src>
import functools

import jax
import jax.numpy as jnp
from jax import lax
from jax.experimental import pallas as pl
from jax.experimental.pallas import tpu as pltpu
from jax.experimental.pallas import tpu_sc as plsc

_N = 10000
_E = 320000
_D = 128

_NC = 2
_NS = 16
_NW = _NC * _NS
_CH = 128
_NR = _E // _CH
_WCH = 80
_WLAST = _NR - (_NW - 1) * _WCH
_TCH = 160
_TLAST = _NR - (_NS - 1) * _TCH
_RA = 624
_RREM = _N - _NS * _RA
_L = 16

_mesh = plsc.VectorSubcoreMesh(core_axis_name="c", subcore_axis_name="s")



def _sc_norm_body(ei3, zeros1, ones_h, out_s, out_d,
                  idx_v, ones_v, dv, nv, deg_sh, sem):
    c = lax.axis_index("c")
    s = lax.axis_index("s")
    nch = jnp.where(s == _NS - 1, _TLAST, _TCH)

    @pl.when(s < _NS - 1)
    def _():
        pltpu.sync_copy(ei3.at[c, pl.ds(s * _TCH, _TCH)], idx_v)

    @pl.when(s == _NS - 1)
    def _():
        pltpu.sync_copy(ei3.at[c, pl.ds((_NS - 1) * _TCH, _TLAST)],
                        idx_v.at[pl.ds(0, _TLAST)])

    pltpu.sync_copy(ones_h, ones_v)

    @pl.when(s == 0)
    def _():
        pltpu.sync_copy(zeros1, deg_sh)

    plsc.subcore_barrier()

    def body(j, carry):
        pltpu.async_copy(ones_v, deg_sh.at[idx_v.at[j]], sem, add=True)
        return carry

    lax.fori_loop(0, nch, body, 0)

    def drain(j, carry):
        pltpu.make_async_copy(ones_v, deg_sh.at[idx_v.at[0]], sem).wait()
        return carry

    lax.fori_loop(0, nch, drain, 0)
    plsc.subcore_barrier()

    def rsqrt16(x):
        xi = lax.bitcast_convert_type(x, jnp.int32)
        y = lax.bitcast_convert_type(0x5F3759DF - (xi >> 1), jnp.float32)
        for _ in range(3):
            y = y * (1.5 - 0.5 * x * y * y)
        return y

    off = s * _RA
    pltpu.sync_copy(deg_sh.at[pl.ds(off, _RA)], dv)

    def nbody(i, carry):
        x = jnp.maximum(dv[pl.ds(i * _L, _L)], 1.0)
        nv[pl.ds(i * _L, _L)] = rsqrt16(x)
        return carry

    lax.fori_loop(0, _RA // _L, nbody, 0)

    @pl.when(c == 0)
    def _():
        pltpu.sync_copy(nv, out_s.at[pl.ds(off, _RA)])

    @pl.when(c == 1)
    def _():
        pltpu.sync_copy(nv, out_d.at[pl.ds(off, _RA)])

    @pl.when(s == 0)
    def _():
        pltpu.sync_copy(deg_sh.at[pl.ds(_NS * _RA, _RREM)],
                        dv.at[pl.ds(0, _RREM)])

        def rbody(i, carry):
            x = jnp.maximum(dv[pl.ds(i * _L, _L)], 1.0)
            nv[pl.ds(i * _L, _L)] = rsqrt16(x)
            return carry

        lax.fori_loop(0, _RREM // _L, rbody, 0)

        @pl.when(c == 0)
        def _():
            pltpu.sync_copy(nv.at[pl.ds(0, _RREM)],
                            out_s.at[pl.ds(_NS * _RA, _RREM)])

        @pl.when(c == 1)
        def _():
            pltpu.sync_copy(nv.at[pl.ds(0, _RREM)],
                            out_d.at[pl.ds(_NS * _RA, _RREM)])


_sc_norm = functools.partial(
    pl.kernel,
    _sc_norm_body,
    out_type=[jax.ShapeDtypeStruct((_N,), jnp.float32),
              jax.ShapeDtypeStruct((_N,), jnp.float32)],
    mesh=_mesh,
    scratch_types=[
        pltpu.VMEM((_TCH, _CH), jnp.int32),
        pltpu.VMEM((_CH,), jnp.float32),
        pltpu.VMEM((_RA,), jnp.float32),
        pltpu.VMEM((_RA,), jnp.float32),
        pltpu.VMEM_SHARED((_N,), jnp.float32),
        pltpu.SemaphoreType.DMA,
    ],
)()


def _sc_agg_body(h, pk, zeros, out,
                 pk_v, sa, da, sb, db, rows_a, rows_b, agg_sh,
                 sg_a, sg_b):
    c = lax.axis_index("c")
    s = lax.axis_index("s")
    wid = s * _NC + c
    nch = jnp.where(wid == _NW - 1, _WLAST, _WCH)

    @pl.when(wid < _NW - 1)
    def _():
        pltpu.sync_copy(pk.at[pl.ds(wid * _WCH, _WCH)], pk_v)

    @pl.when(wid == _NW - 1)
    def _():
        pltpu.sync_copy(pk.at[pl.ds((_NW - 1) * _WCH, _WLAST)],
                        pk_v.at[pl.ds(0, _WLAST)])

    pltpu.sync_copy(zeros.at[pl.ds(s * _RA, _RA)],
                    agg_sh.at[pl.ds(s * _RA, _RA)])

    @pl.when(s == 0)
    def _():
        pltpu.sync_copy(zeros.at[pl.ds(_NS * _RA, _RREM)],
                        agg_sh.at[pl.ds(_NS * _RA, _RREM)])

    plsc.subcore_barrier()

    def unpack(j, s_ref, d_ref):
        def ub(k, carry):
            v = pk_v[j, pl.ds(k * _L, _L)]
            s_ref[pl.ds(k * _L, _L)] = v & 0xFFFF
            d_ref[pl.ds(k * _L, _L)] = v >> 16
            return carry
        lax.fori_loop(0, _CH // _L, ub, 0)

    unpack(0, sa, da)
    pltpu.async_copy(h.at[sa], rows_a, sg_a)
    unpack(1, sb, db)
    pltpu.async_copy(h.at[sb], rows_b, sg_b)

    def body(g, carry):
        j0 = 2 * g
        pltpu.make_async_copy(h.at[sa], rows_a, sg_a).wait()
        pltpu.sync_copy(rows_a, agg_sh.at[da], add=True)

        @pl.when(j0 + 2 < nch)
        def _():
            unpack(j0 + 2, sa, da)
            pltpu.async_copy(h.at[sa], rows_a, sg_a)

        pltpu.make_async_copy(h.at[sb], rows_b, sg_b).wait()
        pltpu.sync_copy(rows_b, agg_sh.at[db], add=True)

        @pl.when(j0 + 3 < nch)
        def _():
            unpack(j0 + 3, sb, db)
            pltpu.async_copy(h.at[sb], rows_b, sg_b)

        return carry

    lax.fori_loop(0, nch // 2, body, 0)
    plsc.subcore_barrier()
    pltpu.sync_copy(agg_sh.at[pl.ds(s * _RA, _RA)],
                    out.at[c].at[pl.ds(s * _RA, _RA)])

    @pl.when(s == 0)
    def _():
        pltpu.sync_copy(agg_sh.at[pl.ds(_NS * _RA, _RREM)],
                        out.at[c].at[pl.ds(_NS * _RA, _RREM)])


_sc_agg = functools.partial(
    pl.kernel,
    _sc_agg_body,
    out_type=jax.ShapeDtypeStruct((_NC, _N, _D), jnp.float32),
    mesh=_mesh,
    scratch_types=[
        pltpu.VMEM((_WCH, _CH), jnp.int32),
        pltpu.VMEM((_CH,), jnp.int32),
        pltpu.VMEM((_CH,), jnp.int32),
        pltpu.VMEM((_CH,), jnp.int32),
        pltpu.VMEM((_CH,), jnp.int32),
        pltpu.VMEM((_CH, _D), jnp.float32),
        pltpu.VMEM((_CH, _D), jnp.float32),
        pltpu.VMEM_SHARED((_N, _D), jnp.float32),
        pltpu.SemaphoreType.DMA,
        pltpu.SemaphoreType.DMA,
    ],
)()



def _tc_mm_body(x_ref, ns_ref, w_ref, o_ref):
    o_ref[...] = jnp.dot(x_ref[...] * ns_ref[...], w_ref[...],
                         preferred_element_type=jnp.float32)


def _tc_mm(x, ns, w):
    blk = 2000
    return pl.pallas_call(
        _tc_mm_body,
        grid=(_N // blk,),
        in_specs=[
            pl.BlockSpec((blk, _D), lambda i: (i, 0)),
            pl.BlockSpec((blk, 1), lambda i: (i, 0)),
            pl.BlockSpec((_D, _D), lambda i: (0, 0)),
        ],
        out_specs=pl.BlockSpec((blk, _D), lambda i: (i, 0)),
        out_shape=jax.ShapeDtypeStruct((_N, _D), jnp.float32),
    )(x, ns, w)


def _tc_mid_body(p_ref, nd_ref, b_ref, a_ref, ns_ref, w_ref, o_ref):
    o = (p_ref[0] + p_ref[1]) * nd_ref[...] + b_ref[...]
    o = jnp.maximum(o, 0.0) + a_ref[...] * jnp.minimum(o, 0.0)
    o_ref[...] = jnp.dot(o * ns_ref[...], w_ref[...],
                         preferred_element_type=jnp.float32)


def _tc_mid(p, nd, b, a, ns, w):
    blk = 2000
    return pl.pallas_call(
        _tc_mid_body,
        grid=(_N // blk,),
        in_specs=[
            pl.BlockSpec((_NC, blk, _D), lambda i: (0, i, 0)),
            pl.BlockSpec((blk, 1), lambda i: (i, 0)),
            pl.BlockSpec((1, _D), lambda i: (0, 0)),
            pl.BlockSpec((1, _D), lambda i: (0, 0)),
            pl.BlockSpec((blk, 1), lambda i: (i, 0)),
            pl.BlockSpec((_D, _D), lambda i: (0, 0)),
        ],
        out_specs=pl.BlockSpec((blk, _D), lambda i: (i, 0)),
        out_shape=jax.ShapeDtypeStruct((_N, _D), jnp.float32),
    )(p, nd, b, a, ns, w)


def _tc_out_body(p_ref, nd_ref, b_ref, a_ref, o_ref):
    o = (p_ref[0] + p_ref[1]) * nd_ref[...] + b_ref[...]
    o_ref[...] = jnp.maximum(o, 0.0) + a_ref[...] * jnp.minimum(o, 0.0)


def _tc_out(p, nd, b, a):
    blk = 2000
    return pl.pallas_call(
        _tc_out_body,
        grid=(_N // blk,),
        in_specs=[
            pl.BlockSpec((_NC, blk, _D), lambda i: (0, i, 0)),
            pl.BlockSpec((blk, 1), lambda i: (i, 0)),
            pl.BlockSpec((1, _D), lambda i: (0, 0)),
            pl.BlockSpec((1, _D), lambda i: (0, 0)),
        ],
        out_specs=pl.BlockSpec((blk, _D), lambda i: (i, 0)),
        out_shape=jax.ShapeDtypeStruct((_N, _D), jnp.float32),
    )(p, nd, b, a)



def kernel(features, edge_index, W1, b1, a1, W2, b2, a2):
    ei3 = edge_index.reshape(2, _NR, _CH)
    packed = ei3[0] | (ei3[1] << 16)

    zeros_nd = jnp.zeros((_N, _D), jnp.float32)
    zeros_deg = jnp.zeros((_N,), jnp.float32)
    ones_ch = jnp.ones((_CH,), jnp.float32)

    ns_arr, nd_arr = _sc_norm(ei3, zeros_deg, ones_ch)
    ns = ns_arr[:, None]
    nd = nd_arr[:, None]

    h1 = _tc_mm(features, ns, W1)
    p1 = _sc_agg(h1, packed, zeros_nd)
    h2 = _tc_mid(p1, nd, b1[None], a1[None], ns, W2)
    p2 = _sc_agg(h2, packed, zeros_nd)
    return _tc_out(p2, nd, b2[None], a2[None])

# --- scband reference (transcript-rebuilt; emitter-appended) ---
"""Pipeline reference for scband-encoder-19026705121764 (READ-ONLY COPY).

The authoritative reference and input builder live on the scoring server;
editing this copy changes nothing except your own understanding.
"""

import jax, jax.numpy as jnp
import numpy as np

N = 10000
E = 320000
D_IN = 128
D_H = 128


def setup_inputs(seed: int = 0) -> dict:
    key = jax.random.key(seed)
    k1, k2, k3, k4 = jax.random.split(key, 4)
    features = jax.random.normal(k1, (N, D_IN), dtype=jnp.float32)
    edge_index = jax.random.randint(k2, (2, E), 0, N, dtype=jnp.int32)
    W1 = jax.random.normal(k3, (D_IN, D_H), dtype=jnp.float32) * (1.0 / np.sqrt(D_IN))
    b1 = jnp.zeros((D_H,), dtype=jnp.float32)
    a1 = jnp.full((D_H,), 0.25, dtype=jnp.float32)
    W2 = jax.random.normal(k4, (D_H, D_H), dtype=jnp.float32) * (1.0 / np.sqrt(D_H))
    b2 = jnp.zeros((D_H,), dtype=jnp.float32)
    a2 = jnp.full((D_H,), 0.25, dtype=jnp.float32)
    return {"features": features, "edge_index": edge_index,
            "W1": W1, "b1": b1, "a1": a1,
            "W2": W2, "b2": b2, "a2": a2}


def _graph_conv(x, src, dst, W, b, a):
    # DGL GraphConv with norm='both', weight=True, bias=True, activation=PReLU(a)
    ones = jnp.ones((src.shape[0],), dtype=x.dtype)
    deg_out = jax.ops.segment_sum(ones, src, num_segments=N)
    deg_in = jax.ops.segment_sum(ones, dst, num_segments=N)
    norm_src = jnp.maximum(deg_out, 1.0) ** -0.5
    norm_dst = jnp.maximum(deg_in, 1.0) ** -0.5
    h = x * norm_src[:, None]
    h = h @ W  # in_feats >= out_feats: multiply W before aggregation (DGL optimization; same math)
    m = jnp.take(h, src, axis=0)
    agg = jax.ops.segment_sum(m, dst, num_segments=N)
    out = agg * norm_dst[:, None] + b
    # PReLU with per-channel slope a
    out = jnp.maximum(out, 0.0) + a * jnp.minimum(out, 0.0)
    return out


def reference(features, edge_index, W1, b1, a1, W2, b2, a2):
    src = edge_index[0]
    dst = edge_index[1]
    h = features  # squeeze(0) is a no-op for 2D [N, d]
    h = _graph_conv(h, src, dst, W1, b1, a1)
    h = _graph_conv(h, src, dst, W2, b2, a2)
    return h

if __name__ == "__main__":
    import jax
    _d = setup_inputs()
    print(jax.jit(kernel)(*tuple(_d.values())))

</pallas_src>

<mosaic_0001>
#map = affine_map<(d0, d1) -> (0, 0, 0)>
#map1 = affine_map<(d0, d1) -> (0)>
module attributes {stable_mosaic.version = 14 : i64} {
  func.func @_sc_norm_body(%arg0: i32, %arg1: i32, %arg2: memref<2x2500x128xi32, #tpu.memory_space<hbm>>, %arg3: memref<10000xf32, #tpu.memory_space<hbm>>, %arg4: memref<128xf32, #tpu.memory_space<hbm>>, %arg5: memref<10000xf32, #tpu.memory_space<hbm>>, %arg6: memref<10000xf32, #tpu.memory_space<hbm>>, %arg7: memref<160x128xi32, #tpu.memory_space<vmem>>, %arg8: memref<128xf32, #tpu.memory_space<vmem>>, %arg9: memref<624xf32, #tpu.memory_space<vmem>>, %arg10: memref<624xf32, #tpu.memory_space<vmem>>, %arg11: memref<10000xf32, #tpu.memory_space<vmem_shared>>, %arg12: memref<!tpu.dma_semaphore, #tpu.memory_space<semaphore_mem>>) attributes {dimension_semantics = [#tpu.dimension_semantics<core_parallel>, #tpu.dimension_semantics<subcore_parallel>], iteration_bounds = array<i64: 2, 16>, scalar_prefetch = 0 : i64, scratch_operands = 6 : i64, tpu.core_type = #tpu.core_type<sc_vector_subcore>, window_params = [{transform_indices = #map}, {transform_indices = #map1}, {transform_indices = #map1}, {transform_indices = #map1}, {transform_indices = #map1}]} {
    %eq3A = arith.constant 15 : i32
    %eq3A_0 = arith.cmpi eq, %arg1, %eq3A : i32
    %jit3A = arith.constant 100 : i32
    %jit3A_1 = arith.constant 160 : i32
    %select_n3A = arith.select %eq3A_0, %jit3A, %jit3A_1 : i32
    %lt3A = arith.constant 15 : i32
    %lt3A_2 = arith.cmpi slt, %arg1, %lt3A : i32
    %convert_element_type3A = arith.extui %lt3A_2 : i1 to i32
    %cond3A = arith.constant 0 : i32
    %cond3A_3 = arith.cmpi ne, %convert_element_type3A, %cond3A : i32
    scf.if %cond3A_3 {
      %mul3A_55 = arith.constant 160 : i32
      %mul3A_56 = arith.muli %arg1, %mul3A_55 : i32
      "tpu.region"() ({
        %run_scoped3A = tpu.sem_alloc : memref<!tpu.dma_semaphore, #tpu.memory_space<semaphore_mem>>
        %dma_start3A = arith.constant 0 : i32
        %dma_start3A_57 = tpu.memref_slice %arg2[%arg0, %mul3A_56, %dma_start3A] : memref<2x2500x128xi32, #tpu.memory_space<hbm>> -> memref<1x160x128xi32, #tpu.memory_space<hbm>>
        %dma_start3A_58 = tpu.memref_squeeze %dma_start3A_57 : memref<1x160x128xi32, #tpu.memory_space<hbm>> -> memref<160x128xi32, #tpu.memory_space<hbm>>
        %dma_start3A_59 = arith.constant 0 : i32
        %dma_start3A_60 = tpu.memref_slice %arg2[%arg0, %mul3A_56, %dma_start3A_59] : memref<2x2500x128xi32, #tpu.memory_space<hbm>> -> memref<1x160x128xi32, #tpu.memory_space<hbm>>
        %dma_start3A_61 = tpu.memref_squeeze %dma_start3A_60 : memref<1x160x128xi32, #tpu.memory_space<hbm>> -> memref<160x128xi32, #tpu.memory_space<hbm>>
        tpu.enqueue_dma source(%dma_start3A_61 : memref<160x128xi32, #tpu.memory_space<hbm>>) target(%arg7 : memref<160x128xi32, #tpu.memory_space<vmem>>) target_semaphore(%run_scoped3A : memref<!tpu.dma_semaphore, #tpu.memory_space<semaphore_mem>>)
        %dma_wait3A = arith.constant 0 : i32
        %dma_wait3A_62 = tpu.memref_slice %arg2[%arg0, %mul3A_56, %dma_wait3A] : memref<2x2500x128xi32, #tpu.memory_space<hbm>> -> memref<1x160x128xi32, #tpu.memory_space<hbm>>
        %dma_wait3A_63 = tpu.memref_squeeze %dma_wait3A_62 : memref<1x160x128xi32, #tpu.memory_space<hbm>> -> memref<160x128xi32, #tpu.memory_space<hbm>>
        %dma_wait3A_64 = arith.constant 0 : i32
        %dma_wait3A_65 = tpu.memref_slice %arg2[%arg0, %mul3A_56, %dma_wait3A_64] : memref<2x2500x128xi32, #tpu.memory_space<hbm>> -> memref<1x160x128xi32, #tpu.memory_space<hbm>>
        %dma_wait3A_66 = tpu.memref_squeeze %dma_wait3A_65 : memref<1x160x128xi32, #tpu.memory_space<hbm>> -> memref<160x128xi32, #tpu.memory_space<hbm>>
        tpu.wait_dma2 semaphore(%run_scoped3A : memref<!tpu.dma_semaphore, #tpu.memory_space<semaphore_mem>>) src(%dma_wait3A_66 : memref<160x128xi32, #tpu.memory_space<hbm>>) dst(%arg7 : memref<160x128xi32, #tpu.memory_space<vmem>>)
        tpu.yield
      }) : () -> ()
    } else {
    }
    %eq3A_4 = arith.constant 15 : i32
    %eq3A_5 = arith.cmpi eq, %arg1, %eq3A_4 : i32
    %convert_element_type3A_6 = arith.extui %eq3A_5 : i1 to i32
    %cond3A_7 = arith.constant 0 : i32
    %cond3A_8 = arith.cmpi ne, %convert_element_type3A_6, %cond3A_7 : i32
    scf.if %cond3A_8 {
      "tpu.region"() ({
        %run_scoped3A = tpu.sem_alloc : memref<!tpu.dma_semaphore, #tpu.memory_space<semaphore_mem>>
        %dma_start3A = arith.constant 0 : i32
        %dma_start3A_55 = arith.constant 0 : i32
        %dma_start3A_56 = tpu.memref_slice %arg7[%dma_start3A, %dma_start3A_55] : memref<160x128xi32, #tpu.memory_space<vmem>> -> memref<100x128xi32, #tpu.memory_space<vmem>>
        %dma_start3A_57 = arith.constant 2400 : i32
        %dma_start3A_58 = arith.constant 0 : i32
        %dma_start3A_59 = tpu.memref_slice %arg2[%arg0, %dma_start3A_57, %dma_start3A_58] : memref<2x2500x128xi32, #tpu.memory_space<hbm>> -> memref<1x100x128xi32, #tpu.memory_space<hbm>>
        %dma_start3A_60 = tpu.memref_squeeze %dma_start3A_59 : memref<1x100x128xi32, #tpu.memory_space<hbm>> -> memref<100x128xi32, #tpu.memory_space<hbm>>
        %dma_start3A_61 = arith.constant 0 : i32
        %dma_start3A_62 = arith.constant 0 : i32
        %dma_start3A_63 = tpu.memref_slice %arg7[%dma_start3A_61, %dma_start3A_62] : memref<160x128xi32, #tpu.memory_space<vmem>> -> memref<100x128xi32, #tpu.memory_space<vmem>>
        %dma_start3A_64 = arith.constant 2400 : i32
        %dma_start3A_65 = arith.constant 0 : i32
        %dma_start3A_66 = tpu.memref_slice %arg2[%arg0, %dma_start3A_64, %dma_start3A_65] : memref<2x2500x128xi32, #tpu.memory_space<hbm>> -> memref<1x100x128xi32, #tpu.memory_space<hbm>>
        %dma_start3A_67 = tpu.memref_squeeze %dma_start3A_66 : memref<1x100x128xi32, #tpu.memory_space<hbm>> -> memref<100x128xi32, #tpu.memory_space<hbm>>
        tpu.enqueue_dma source(%dma_start3A_67 : memref<100x128xi32, #tpu.memory_space<hbm>>) target(%dma_start3A_63 : memref<100x128xi32, #tpu.memory_space<vmem>>) target_semaphore(%run_scoped3A : memref<!tpu.dma_semaphore, #tpu.memory_space<semaphore_mem>>)
        %dma_wait3A = arith.constant 0 : i32
        %dma_wait3A_68 = arith.constant 0 : i32
        %dma_wait3A_69 = tpu.memref_slice %arg7[%dma_wait3A, %dma_wait3A_68] : memref<160x128xi32, #tpu.memory_space<vmem>> -> memref<100x128xi32, #tpu.memory_space<vmem>>
        %dma_wait3A_70 = arith.constant 2400 : i32
        %dma_wait3A_71 = arith.constant 0 : i32
        %dma_wait3A_72 = tpu.memref_slice %arg2[%arg0, %dma_wait3A_70, %dma_wait3A_71] : memref<2x2500x128xi32, #tpu.memory_space<hbm>> -> memref<1x100x128xi32, #tpu.memory_space<hbm>>
        %dma_wait3A_73 = tpu.memref_squeeze %dma_wait3A_72 : memref<1x100x128xi32, #tpu.memory_space<hbm>> -> memref<100x128xi32, #tpu.memory_space<hbm>>
        %dma_wait3A_74 = arith.constant 0 : i32
        %dma_wait3A_75 = arith.constant 0 : i32
        %dma_wait3A_76 = tpu.memref_slice %arg7[%dma_wait3A_74, %dma_wait3A_75] : memref<160x128xi32, #tpu.memory_space<vmem>> -> memref<100x128xi32, #tpu.memory_space<vmem>>
        %dma_wait3A_77 = arith.constant 2400 : i32
        %dma_wait3A_78 = arith.constant 0 : i32
        %dma_wait3A_79 = tpu.memref_slice %arg2[%arg0, %dma_wait3A_77, %dma_wait3A_78] : memref<2x2500x128xi32, #tpu.memory_space<hbm>> -> memref<1x100x128xi32, #tpu.memory_space<hbm>>
        %dma_wait3A_80 = tpu.memref_squeeze %dma_wait3A_79 : memref<1x100x128xi32, #tpu.memory_space<hbm>> -> memref<100x128xi32, #tpu.memory_space<hbm>>
        tpu.wait_dma2 semaphore(%run_scoped3A : memref<!tpu.dma_semaphore, #tpu.memory_space<semaphore_mem>>) src(%dma_wait3A_80 : memref<100x128xi32, #tpu.memory_space<hbm>>) dst(%dma_wait3A_76 : memref<100x128xi32, #tpu.memory_space<vmem>>)
        tpu.yield
      }) : () -> ()
    } else {
    }
    "tpu.region"() ({
      %run_scoped3A = tpu.sem_alloc : memref<!tpu.dma_semaphore, #tpu.memory_space<semaphore_mem>>
      tpu.enqueue_dma source(%arg4 : memref<128xf32, #tpu.memory_space<hbm>>) target(%arg8 : memref<128xf32, #tpu.memory_space<vmem>>) target_semaphore(%run_scoped3A : memref<!tpu.dma_semaphore, #tpu.memory_space<semaphore_mem>>)
      tpu.wait_dma2 semaphore(%run_scoped3A : memref<!tpu.dma_semaphore, #tpu.memory_space<semaphore_mem>>) src(%arg4 : memref<128xf32, #tpu.memory_space<hbm>>) dst(%arg8 : memref<128xf32, #tpu.memory_space<vmem>>)
      tpu.yield
    }) : () -> ()
    %eq3A_9 = arith.constant 0 : i32
    %eq3A_10 = arith.cmpi eq, %arg1, %eq3A_9 : i32
    %convert_element_type3A_11 = arith.extui %eq3A_10 : i1 to i32
    %cond3A_12 = arith.constant 0 : i32
    %cond3A_13 = arith.cmpi ne, %convert_element_type3A_11, %cond3A_12 : i32
    scf.if %cond3A_13 {
      "tpu.region"() ({
        %run_scoped3A = tpu.sem_alloc : memref<!tpu.dma_semaphore, #tpu.memory_space<semaphore_mem>>
        tpu.enqueue_dma source(%arg3 : memref<10000xf32, #tpu.memory_space<hbm>>) target(%arg11 : memref<10000xf32, #tpu.memory_space<vmem_shared>>) target_semaphore(%run_scoped3A : memref<!tpu.dma_semaphore, #tpu.memory_space<semaphore_mem>>)
        tpu.wait_dma2 semaphore(%run_scoped3A : memref<!tpu.dma_semaphore, #tpu.memory_space<semaphore_mem>>) src(%arg3 : memref<10000xf32, #tpu.memory_space<hbm>>) dst(%arg11 : memref<10000xf32, #tpu.memory_space<vmem_shared>>)
        tpu.yield
      }) : () -> ()
    } else {
    }
    %barrier3A = arith.constant 0 : index
    tpu.barrier barrier_id(%barrier3A)
    %while3A = arith.constant 0 : i32
    %while3A_14 = arith.constant 0 : i32
    %while3A_15 = arith.subi %select_n3A, %while3A_14 : i32
    %while3A_16 = arith.addi %while3A_14, %while3A_15 : i32
    %while3A_17 = arith.constant 1 : i32
    %while3A_18 = arith.divsi %while3A_15, %while3A_17 : i32
    %while3A_19 = arith.muli %while3A_18, %while3A_17 : i32
    %while3A_20 = arith.addi %while3A_14, %while3A_19 : i32
    %while3A_21 = arith.constant 1 : i32
    scf.for %while3A_55 = %while3A_14 to %while3A_20 step %while3A_21  : i32 {
      %dma_start3A = arith.constant 0 : i32
      %dma_start3A_56 = tpu.memref_slice %arg7[%while3A_55, %dma_start3A] : memref<160x128xi32, #tpu.memory_space<vmem>> -> memref<1x128xi32, #tpu.memory_space<vmem>>
      %dma_start3A_57 = tpu.memref_squeeze %dma_start3A_56 : memref<1x128xi32, #tpu.memory_space<vmem>> -> memref<128xi32, #tpu.memory_space<vmem>>
      %dma_start3A_58 = arith.constant 0 : i32
      %dma_start3A_59 = tpu.memref_slice %arg11[%dma_start3A_58] : memref<10000xf32, #tpu.memory_space<vmem_shared>> -> memref<10000xf32, #tpu.memory_space<vmem_shared>>
      tpu.enqueue_indirect_dma source(%arg8 : memref<128xf32, #tpu.memory_space<vmem>>) target(%dma_start3A_59 : memref<10000xf32, #tpu.memory_space<vmem_shared>>) offsets(%dma_start3A_57 : memref<128xi32, #tpu.memory_space<vmem>>) semaphore(%arg12 : memref<!tpu.dma_semaphore, #tpu.memory_space<semaphore_mem>>) {add = true}
    }
    %while3A_22 = arith.constant 1 : i32
    scf.for %while3A_55 = %while3A_20 to %while3A_16 step %while3A_22  : i32 {
      %dma_start3A = arith.constant 0 : i32
      %dma_start3A_56 = tpu.memref_slice %arg7[%while3A_55, %dma_start3A] : memref<160x128xi32, #tpu.memory_space<vmem>> -> memref<1x128xi32, #tpu.memory_space<vmem>>
      %dma_start3A_57 = tpu.memref_squeeze %dma_start3A_56 : memref<1x128xi32, #tpu.memory_space<vmem>> -> memref<128xi32, #tpu.memory_space<vmem>>
      %dma_start3A_58 = arith.constant 0 : i32
      %dma_start3A_59 = tpu.memref_slice %arg11[%dma_start3A_58] : memref<10000xf32, #tpu.memory_space<vmem_shared>> -> memref<10000xf32, #tpu.memory_space<vmem_shared>>
      tpu.enqueue_indirect_dma source(%arg8 : memref<128xf32, #tpu.memory_space<vmem>>) target(%dma_start3A_59 : memref<10000xf32, #tpu.memory_space<vmem_shared>>) offsets(%dma_start3A_57 : memref<128xi32, #tpu.memory_space<vmem>>) semaphore(%arg12 : memref<!tpu.dma_semaphore, #tpu.memory_space<semaphore_mem>>) {add = true}
    }
    %while3A_23 = arith.constant 0 : i32
    %while3A_24 = arith.constant 0 : i32
    %while3A_25 = arith.subi %select_n3A, %while3A_24 : i32
    %while3A_26 = arith.addi %while3A_24, %while3A_25 : i32
    %while3A_27 = arith.constant 1 : i32
    %while3A_28 = arith.divsi %while3A_25, %while3A_27 : i32
    %while3A_29 = arith.muli %while3A_28, %while3A_27 : i32
    %while3A_30 = arith.addi %while3A_24, %while3A_29 : i32
    %while3A_31 = arith.constant 1 : i32
    scf.for %while3A_55 = %while3A_24 to %while3A_30 step %while3A_31  : i32 {
      %dma_wait3A = arith.constant 0 : i32
      %dma_wait3A_56 = arith.constant 0 : i32
      %dma_wait3A_57 = tpu.memref_slice %arg7[%dma_wait3A, %dma_wait3A_56] : memref<160x128xi32, #tpu.memory_space<vmem>> -> memref<1x128xi32, #tpu.memory_space<vmem>>
      %dma_wait3A_58 = tpu.memref_squeeze %dma_wait3A_57 : memref<1x128xi32, #tpu.memory_space<vmem>> -> memref<128xi32, #tpu.memory_space<vmem>>
      %dma_wait3A_59 = arith.constant 0 : i32
      %dma_wait3A_60 = tpu.memref_slice %arg11[%dma_wait3A_59] : memref<10000xf32, #tpu.memory_space<vmem_shared>> -> memref<10000xf32, #tpu.memory_space<vmem_shared>>
      tpu.wait_indirect_dma semaphore(%arg12 : memref<!tpu.dma_semaphore, #tpu.memory_space<semaphore_mem>>) src(%arg8 : memref<128xf32, #tpu.memory_space<vmem>>) dst(%dma_wait3A_60 : memref<10000xf32, #tpu.memory_space<vmem_shared>>)
    }
    %while3A_32 = arith.constant 1 : i32
    scf.for %while3A_55 = %while3A_30 to %while3A_26 step %while3A_32  : i32 {
      %dma_wait3A = arith.constant 0 : i32
      %dma_wait3A_56 = arith.constant 0 : i32
      %dma_wait3A_57 = tpu.memref_slice %arg7[%dma_wait3A, %dma_wait3A_56] : memref<160x128xi32, #tpu.memory_space<vmem>> -> memref<1x128xi32, #tpu.memory_space<vmem>>
      %dma_wait3A_58 = tpu.memref_squeeze %dma_wait3A_57 : memref<1x128xi32, #tpu.memory_space<vmem>> -> memref<128xi32, #tpu.memory_space<vmem>>
      %dma_wait3A_59 = arith.constant 0 : i32
      %dma_wait3A_60 = tpu.memref_slice %arg11[%dma_wait3A_59] : memref<10000xf32, #tpu.memory_space<vmem_shared>> -> memref<10000xf32, #tpu.memory_space<vmem_shared>>
      tpu.wait_indirect_dma semaphore(%arg12 : memref<!tpu.dma_semaphore, #tpu.memory_space<semaphore_mem>>) src(%arg8 : memref<128xf32, #tpu.memory_space<vmem>>) dst(%dma_wait3A_60 : memref<10000xf32, #tpu.memory_space<vmem_shared>>)
    }
    %barrier3A_33 = arith.constant 0 : index
    tpu.barrier barrier_id(%barrier3A_33)
    %mul3A = arith.constant 624 : i32
    %mul3A_34 = arith.muli %arg1, %mul3A : i32
    "tpu.region"() ({
      %run_scoped3A = tpu.sem_alloc : memref<!tpu.dma_semaphore, #tpu.memory_space<semaphore_mem>>
      %dma_start3A = tpu.memref_slice %arg11[%mul3A_34] : memref<10000xf32, #tpu.memory_space<vmem_shared>> -> memref<624xf32, #tpu.memory_space<vmem_shared>>
      %dma_start3A_55 = tpu.memref_slice %arg11[%mul3A_34] : memref<10000xf32, #tpu.memory_space<vmem_shared>> -> memref<624xf32, #tpu.memory_space<vmem_shared>>
      tpu.enqueue_dma source(%dma_start3A_55 : memref<624xf32, #tpu.memory_space<vmem_shared>>) target(%arg9 : memref<624xf32, #tpu.memory_space<vmem>>) target_semaphore(%run_scoped3A : memref<!tpu.dma_semaphore, #tpu.memory_space<semaphore_mem>>)
      %dma_wait3A = tpu.memref_slice %arg11[%mul3A_34] : memref<10000xf32, #tpu.memory_space<vmem_shared>> -> memref<624xf32, #tpu.memory_space<vmem_shared>>
      %dma_wait3A_56 = tpu.memref_slice %arg11[%mul3A_34] : memref<10000xf32, #tpu.memory_space<vmem_shared>> -> memref<624xf32, #tpu.memory_space<vmem_shared>>
      tpu.wait_dma2 semaphore(%run_scoped3A : memref<!tpu.dma_semaphore, #tpu.memory_space<semaphore_mem>>) src(%dma_wait3A_56 : memref<624xf32, #tpu.memory_space<vmem_shared>>) dst(%arg9 : memref<624xf32, #tpu.memory_space<vmem>>)
      tpu.yield
    }) : () -> ()
    %scan3A = arith.constant 0 : i32
    %scan3A_35 = arith.constant 0 : i32
    %scan3A_36 = arith.constant 39 : i32
    %scan3A_37 = arith.addi %scan3A_35, %scan3A_36 : i32
    %scan3A_38 = arith.constant 1 : i32
    scf.for %scan3A_55 = %scan3A_35 to %scan3A_37 step %scan3A_38  : i32 {
      %mul3A_56 = arith.constant 16 : i32
      %mul3A_57 = arith.muli %scan3A_55, %mul3A_56 : i32
      %get3A = arith.index_cast %mul3A_57 : i32 to index
      %get3A_58 = tpu.vector_load %arg9[%get3A] {strides = array<i32>} : memref<624xf32, #tpu.memory_space<vmem>>, vector<16xf32>,
      %get3A_59 = vector.shape_cast %get3A_58 : vector<16xf32> to vector<16xf32>
      %max3A = arith.constant 1.000000e+00 : f32
      %max3A_60 = vector.broadcast %max3A : f32 to vector<16xf32>
      %max3A_61 = arith.maximumf %get3A_59, %max3A_60 : vector<16xf32>
      %bitcast_convert_type3A = tpu.bitcast %max3A_61 : vector<16xf32> -> vector<16xi32>
      %shift_right_arithmetic3A = arith.constant 1 : i32
      %shift_right_arithmetic3A_62 = vector.broadcast %shift_right_arithmetic3A : i32 to vector<16xi32>
      %shift_right_arithmetic3A_63 = arith.shrsi %bitcast_convert_type3A, %shift_right_arithmetic3A_62 : vector<16xi32>
      %sub3A = arith.constant 1597463007 : i32
      %sub3A_64 = vector.broadcast %sub3A : i32 to vector<16xi32>
      %sub3A_65 = arith.subi %sub3A_64, %shift_right_arithmetic3A_63 : vector<16xi32>
      %bitcast_convert_type3A_66 = tpu.bitcast %sub3A_65 : vector<16xi32> -> vector<16xf32>
      %mul3A_67 = arith.constant 5.000000e-01 : f32
      %mul3A_68 = vector.broadcast %mul3A_67 : f32 to vector<16xf32>
      %mul3A_69 = arith.mulf %mul3A_68, %max3A_61 : vector<16xf32>
      %mul3A_70 = arith.mulf %mul3A_69, %bitcast_convert_type3A_66 : vector<16xf32>
      %mul3A_71 = arith.mulf %mul3A_70, %bitcast_convert_type3A_66 : vector<16xf32>
      %sub3A_72 = arith.constant 1.500000e+00 : f32
      %sub3A_73 = vector.broadcast %sub3A_72 : f32 to vector<16xf32>
      %sub3A_74 = arith.subf %sub3A_73, %mul3A_71 : vector<16xf32>
      %mul3A_75 = arith.mulf %bitcast_convert_type3A_66, %sub3A_74 : vector<16xf32>
      %mul3A_76 = arith.constant 5.000000e-01 : f32
      %mul3A_77 = vector.broadcast %mul3A_76 : f32 to vector<16xf32>
      %mul3A_78 = arith.mulf %mul3A_77, %max3A_61 : vector<16xf32>
      %mul3A_79 = arith.mulf %mul3A_78, %mul3A_75 : vector<16xf32>
      %mul3A_80 = arith.mulf %mul3A_79, %mul3A_75 : vector<16xf32>
      %sub3A_81 = arith.constant 1.500000e+00 : f32
      %sub3A_82 = vector.broadcast %sub3A_81 : f32 to vector<16xf32>
      %sub3A_83 = arith.subf %sub3A_82, %mul3A_80 : vector<16xf32>
      %mul3A_84 = arith.mulf %mul3A_75, %sub3A_83 : vector<16xf32>
      %mul3A_85 = arith.constant 5.000000e-01 : f32
      %mul3A_86 = vector.broadcast %mul3A_85 : f32 to vector<16xf32>
      %mul3A_87 = arith.mulf %mul3A_86, %max3A_61 : vector<16xf32>
      %mul3A_88 = arith.mulf %mul3A_87, %mul3A_84 : vector<16xf32>
      %mul3A_89 = arith.mulf %mul3A_88, %mul3A_84 : vector<16xf32>
      %sub3A_90 = arith.constant 1.500000e+00 : f32
      %sub3A_91 = vector.broadcast %sub3A_90 : f32 to vector<16xf32>
      %sub3A_92 = arith.subf %sub3A_91, %mul3A_89 : vector<16xf32>
      %mul3A_93 = arith.mulf %mul3A_84, %sub3A_92 : vector<16xf32>
      %mul3A_94 = arith.constant 16 : i32
      %mul3A_95 = arith.muli %scan3A_55, %mul3A_94 : i32
      %swap3A = arith.index_cast %mul3A_95 : i32 to index
      %swap3A_96 = tpu.vector_load %arg10[%swap3A] {strides = array<i32>} : memref<624xf32, #tpu.memory_space<vmem>>, vector<16xf32>,
      %swap3A_97 = vector.shape_cast %swap3A_96 : vector<16xf32> to vector<16xf32>
      %swap3A_98 = vector.shape_cast %mul3A_93 : vector<16xf32> to vector<16xf32>
      tpu.vector_store %arg10[%swap3A], %swap3A_98 {strides = array<i32>} : memref<624xf32, #tpu.memory_space<vmem>>, vector<16xf32>,
    }
    %scan3A_39 = arith.constant 39 : i32
    %eq3A_40 = arith.constant 0 : i32
    %eq3A_41 = arith.cmpi eq, %arg0, %eq3A_40 : i32
    %convert_element_type3A_42 = arith.extui %eq3A_41 : i1 to i32
    %cond3A_43 = arith.constant 0 : i32
    %cond3A_44 = arith.cmpi ne, %convert_element_type3A_42, %cond3A_43 : i32
    scf.if %cond3A_44 {
      "tpu.region"() ({
        %run_scoped3A = tpu.sem_alloc : memref<!tpu.dma_semaphore, #tpu.memory_space<semaphore_mem>>
        %dma_start3A = tpu.memref_slice %arg5[%mul3A_34] : memref<10000xf32, #tpu.memory_space<hbm>> -> memref<624xf32, #tpu.memory_space<hbm>>
        %dma_start3A_55 = tpu.memref_slice %arg5[%mul3A_34] : memref<10000xf32, #tpu.memory_space<hbm>> -> memref<624xf32, #tpu.memory_space<hbm>>
        tpu.enqueue_dma source(%arg10 : memref<624xf32, #tpu.memory_space<vmem>>) target(%dma_start3A_55 : memref<624xf32, #tpu.memory_space<hbm>>) target_semaphore(%run_scoped3A : memref<!tpu.dma_semaphore, #tpu.memory_space<semaphore_mem>>)
        %dma_wait3A = tpu.memref_slice %arg5[%mul3A_34] : memref<10000xf32, #tpu.memory_space<hbm>> -> memref<624xf32, #tpu.memory_space<hbm>>
        %dma_wait3A_56 = tpu.memref_slice %arg5[%mul3A_34] : memref<10000xf32, #tpu.memory_space<hbm>> -> memref<624xf32, #tpu.memory_space<hbm>>
        tpu.wait_dma2 semaphore(%run_scoped3A : memref<!tpu.dma_semaphore, #tpu.memory_space<semaphore_mem>>) src(%arg10 : memref<624xf32, #tpu.memory_space<vmem>>) dst(%dma_wait3A_56 : memref<624xf32, #tpu.memory_space<hbm>>)
        tpu.yield
      }) : () -> ()
    } else {
    }
    %eq3A_45 = arith.constant 1 : i32
    %eq3A_46 = arith.cmpi eq, %arg0, %eq3A_45 : i32
    %convert_element_type3A_47 = arith.extui %eq3A_46 : i1 to i32
    %cond3A_48 = arith.constant 0 : i32
    %cond3A_49 = arith.cmpi ne, %convert_element_type3A_47, %cond3A_48 : i32
    scf.if %cond3A_49 {
      "tpu.region"() ({
        %run_scoped3A = tpu.sem_alloc : memref<!tpu.dma_semaphore, #tpu.memory_space<semaphore_mem>>
        %dma_start3A = tpu.memref_slice %arg6[%mul3A_34] : memref<10000xf32, #tpu.memory_space<hbm>> -> memref<624xf32, #tpu.memory_space<hbm>>
        %dma_start3A_55 = tpu.memref_slice %arg6[%mul3A_34] : memref<10000xf32, #tpu.memory_space<hbm>> -> memref<624xf32, #tpu.memory_space<hbm>>
        tpu.enqueue_dma source(%arg10 : memref<624xf32, #tpu.memory_space<vmem>>) target(%dma_start3A_55 : memref<624xf32, #tpu.memory_space<hbm>>) target_semaphore(%run_scoped3A : memref<!tpu.dma_semaphore, #tpu.memory_space<semaphore_mem>>)
        %dma_wait3A = tpu.memref_slice %arg6[%mul3A_34] : memref<10000xf32, #tpu.memory_space<hbm>> -> memref<624xf32, #tpu.memory_space<hbm>>
        %dma_wait3A_56 = tpu.memref_slice %arg6[%mul3A_34] : memref<10000xf32, #tpu.memory_space<hbm>> -> memref<624xf32, #tpu.memory_space<hbm>>
        tpu.wait_dma2 semaphore(%run_scoped3A : memref<!tpu.dma_semaphore, #tpu.memory_space<semaphore_mem>>) src(%arg10 : memref<624xf32, #tpu.memory_space<vmem>>) dst(%dma_wait3A_56 : memref<624xf32, #tpu.memory_space<hbm>>)
        tpu.yield
      }) : () -> ()
    } else {
    }
    %eq3A_50 = arith.constant 0 : i32
    %eq3A_51 = arith.cmpi eq, %arg1, %eq3A_50 : i32
    %convert_element_type3A_52 = arith.extui %eq3A_51 : i1 to i32
    %cond3A_53 = arith.constant 0 : i32
    %cond3A_54 = arith.cmpi ne, %convert_element_type3A_52, %cond3A_53 : i32
    scf.if %cond3A_54 {
      "tpu.region"() ({
        %run_scoped3A = tpu.sem_alloc : memref<!tpu.dma_semaphore, #tpu.memory_space<semaphore_mem>>
        %dma_start3A = arith.constant 0 : i32
        %dma_start3A_111 = tpu.memref_slice %arg9[%dma_start3A] : memref<624xf32, #tpu.memory_space<vmem>> -> memref<16xf32, #tpu.memory_space<vmem>>
        %dma_start3A_112 = arith.constant 9984 : i32
        %dma_start3A_113 = tpu.memref_slice %arg11[%dma_start3A_112] : memref<10000xf32, #tpu.memory_space<vmem_shared>> -> memref<16xf32, #tpu.memory_space<vmem_shared>>
        %dma_start3A_114 = arith.constant 0 : i32
        %dma_start3A_115 = tpu.memref_slice %arg9[%dma_start3A_114] : memref<624xf32, #tpu.memory_space<vmem>> -> memref<16xf32, #tpu.memory_space<vmem>>
        %dma_start3A_116 = arith.constant 9984 : i32
        %dma_start3A_117 = tpu.memref_slice %arg11[%dma_start3A_116] : memref<10000xf32, #tpu.memory_space<vmem_shared>> -> memref<16xf32, #tpu.memory_space<vmem_shared>>
        tpu.enqueue_dma source(%dma_start3A_117 : memref<16xf32, #tpu.memory_space<vmem_shared>>) target(%dma_start3A_115 : memref<16xf32, #tpu.memory_space<vmem>>) target_semaphore(%run_scoped3A : memref<!tpu.dma_semaphore, #tpu.memory_space<semaphore_mem>>)
        %dma_wait3A = arith.constant 0 : i32
        %dma_wait3A_118 = tpu.memref_slice %arg9[%dma_wait3A] : memref<624xf32, #tpu.memory_space<vmem>> -> memref<16xf32, #tpu.memory_space<vmem>>
        %dma_wait3A_119 = arith.constant 9984 : i32
        %dma_wait3A_120 = tpu.memref_slice %arg11[%dma_wait3A_119] : memref<10000xf32, #tpu.memory_space<vmem_shared>> -> memref<16xf32, #tpu.memory_space<vmem_shared>>
        %dma_wait3A_121 = arith.constant 0 : i32
        %dma_wait3A_122 = tpu.memref_slice %arg9[%dma_wait3A_121] : memref<624xf32, #tpu.memory_space<vmem>> -> memref<16xf32, #tpu.memory_space<vmem>>
        %dma_wait3A_123 = arith.constant 9984 : i32
        %dma_wait3A_124 = tpu.memref_slice %arg11[%dma_wait3A_123] : memref<10000xf32, #tpu.memory_space<vmem_shared>> -> memref<16xf32, #tpu.memory_space<vmem_shared>>
        tpu.wait_dma2 semaphore(%run_scoped3A : memref<!tpu.dma_semaphore, #tpu.memory_space<semaphore_mem>>) src(%dma_wait3A_124 : memref<16xf32, #tpu.memory_space<vmem_shared>>) dst(%dma_wait3A_122 : memref<16xf32, #tpu.memory_space<vmem>>)
        tpu.yield
      }) : () -> ()
      %scan3A_55 = arith.constant 0 : i32
      %scan3A_56 = arith.constant 0 : i32
      %mul3A_57 = arith.constant 16 : i32
      %mul3A_58 = arith.muli %scan3A_56, %mul3A_57 : i32
      %get3A = arith.index_cast %mul3A_58 : i32 to index
      %get3A_59 = tpu.vector_load %arg9[%get3A] {strides = array<i32>} : memref<624xf32, #tpu.memory_space<vmem>>, vector<16xf32>,
      %get3A_60 = vector.shape_cast %get3A_59 : vector<16xf32> to vector<16xf32>
      %max3A = arith.constant 1.000000e+00 : f32
      %max3A_61 = vector.broadcast %max3A : f32 to vector<16xf32>
      %max3A_62 = arith.maximumf %get3A_60, %max3A_61 : vector<16xf32>
      %bitcast_convert_type3A = tpu.bitcast %max3A_62 : vector<16xf32> -> vector<16xi32>
      %shift_right_arithmetic3A = arith.constant 1 : i32
      %shift_right_arithmetic3A_63 = vector.broadcast %shift_right_arithmetic3A : i32 to vector<16xi32>
      %shift_right_arithmetic3A_64 = arith.shrsi %bitcast_convert_type3A, %shift_right_arithmetic3A_63 : vector<16xi32>
      %sub3A = arith.constant 1597463007 : i32
      %sub3A_65 = vector.broadcast %sub3A : i32 to vector<16xi32>
      %sub3A_66 = arith.subi %sub3A_65, %shift_right_arithmetic3A_64 : vector<16xi32>
      %bitcast_convert_type3A_67 = tpu.bitcast %sub3A_66 : vector<16xi32> -> vector<16xf32>
      %mul3A_68 = arith.constant 5.000000e-01 : f32
      %mul3A_69 = vector.broadcast %mul3A_68 : f32 to vector<16xf32>
      %mul3A_70 = arith.mulf %mul3A_69, %max3A_62 : vector<16xf32>
      %mul3A_71 = arith.mulf %mul3A_70, %bitcast_convert_type3A_67 : vector<16xf32>
      %mul3A_72 = arith.mulf %mul3A_71, %bitcast_convert_type3A_67 : vector<16xf32>
      %sub3A_73 = arith.constant 1.500000e+00 : f32
      %sub3A_74 = vector.broadcast %sub3A_73 : f32 to vector<16xf32>
      %sub3A_75 = arith.subf %sub3A_74, %mul3A_72 : vector<16xf32>
      %mul3A_76 = arith.mulf %bitcast_convert_type3A_67, %sub3A_75 : vector<16xf32>
      %mul3A_77 = arith.constant 5.000000e-01 : f32
      %mul3A_78 = vector.broadcast %mul3A_77 : f32 to vector<16xf32>
      %mul3A_79 = arith.mulf %mul3A_78, %max3A_62 : vector<16xf32>
      %mul3A_80 = arith.mulf %mul3A_79, %mul3A_76 : vector<16xf32>
      %mul3A_81 = arith.mulf %mul3A_80, %mul3A_76 : vector<16xf32>
      %sub3A_82 = arith.constant 1.500000e+00 : f32
      %sub3A_83 = vector.broadcast %sub3A_82 : f32 to vector<16xf32>
      %sub3A_84 = arith.subf %sub3A_83, %mul3A_81 : vector<16xf32>
      %mul3A_85 = arith.mulf %mul3A_76, %sub3A_84 : vector<16xf32>
      %mul3A_86 = arith.constant 5.000000e-01 : f32
      %mul3A_87 = vector.broadcast %mul3A_86 : f32 to vector<16xf32>
      %mul3A_88 = arith.mulf %mul3A_87, %max3A_62 : vector<16xf32>
      %mul3A_89 = arith.mulf %mul3A_88, %mul3A_85 : vector<16xf32>
      %mul3A_90 = arith.mulf %mul3A_89, %mul3A_85 : vector<16xf32>
      %sub3A_91 = arith.constant 1.500000e+00 : f32
      %sub3A_92 = vector.broadcast %sub3A_91 : f32 to vector<16xf32>
      %sub3A_93 = arith.subf %sub3A_92, %mul3A_90 : vector<16xf32>
      %mul3A_94 = arith.mulf %mul3A_85, %sub3A_93 : vector<16xf32>
      %mul3A_95 = arith.constant 16 : i32
      %mul3A_96 = arith.muli %scan3A_56, %mul3A_95 : i32
      %swap3A = arith.index_cast %mul3A_96 : i32 to index
      %swap3A_97 = tpu.vector_load %arg10[%swap3A] {strides = array<i32>} : memref<624xf32, #tpu.memory_space<vmem>>, vector<16xf32>,
      %swap3A_98 = vector.shape_cast %swap3A_97 : vector<16xf32> to vector<16xf32>
      %swap3A_99 = vector.shape_cast %mul3A_94 : vector<16xf32> to vector<16xf32>
      tpu.vector_store %arg10[%swap3A], %swap3A_99 {strides = array<i32>} : memref<624xf32, #tpu.memory_space<vmem>>, vector<16xf32>,
      %scan3A_100 = arith.constant 1 : i32
      %eq3A_101 = arith.constant 0 : i32
      %eq3A_102 = arith.cmpi eq, %arg0, %eq3A_101 : i32
      %convert_element_type3A_103 = arith.extui %eq3A_102 : i1 to i32
      %cond3A_104 = arith.constant 0 : i32
      %cond3A_105 = arith.cmpi ne, %convert_element_type3A_103, %cond3A_104 : i32
      scf.if %cond3A_105 {
        "tpu.region"() ({
          %run_scoped3A = tpu.sem_alloc : memref<!tpu.dma_semaphore, #tpu.memory_space<semaphore_mem>>
          %dma_start3A = arith.constant 0 : i32
          %dma_start3A_111 = tpu.memref_slice %arg10[%dma_start3A] : memref<624xf32, #tpu.memory_space<vmem>> -> memref<16xf32, #tpu.memory_space<vmem>>
          %dma_start3A_112 = arith.constant 9984 : i32
          %dma_start3A_113 = tpu.memref_slice %arg5[%dma_start3A_112] : memref<10000xf32, #tpu.memory_space<hbm>> -> memref<16xf32, #tpu.memory_space<hbm>>
          %dma_start3A_114 = arith.constant 9984 : i32
          %dma_start3A_115 = tpu.memref_slice %arg5[%dma_start3A_114] : memref<10000xf32, #tpu.memory_space<hbm>> -> memref<16xf32, #tpu.memory_space<hbm>>
          %dma_start3A_116 = arith.constant 0 : i32
          %dma_start3A_117 = tpu.memref_slice %arg10[%dma_start3A_116] : memref<624xf32, #tpu.memory_space<vmem>> -> memref<16xf32, #tpu.memory_space<vmem>>
          tpu.enqueue_dma source(%dma_start3A_117 : memref<16xf32, #tpu.memory_space<vmem>>) target(%dma_start3A_115 : memref<16xf32, #tpu.memory_space<hbm>>) target_semaphore(%run_scoped3A : memref<!tpu.dma_semaphore, #tpu.memory_space<semaphore_mem>>)
          %dma_wait3A = arith.constant 0 : i32
          %dma_wait3A_118 = tpu.memref_slice %arg10[%dma_wait3A] : memref<624xf32, #tpu.memory_space<vmem>> -> memref<16xf32, #tpu.memory_space<vmem>>
          %dma_wait3A_119 = arith.constant 9984 : i32
          %dma_wait3A_120 = tpu.memref_slice %arg5[%dma_wait3A_119] : memref<10000xf32, #tpu.memory_space<hbm>> -> memref<16xf32, #tpu.memory_space<hbm>>
          %dma_wait3A_121 = arith.constant 9984 : i32
          %dma_wait3A_122 = tpu.memref_slice %arg5[%dma_wait3A_121] : memref<10000xf32, #tpu.memory_space<hbm>> -> memref<16xf32, #tpu.memory_space<hbm>>
          %dma_wait3A_123 = arith.constant 0 : i32
          %dma_wait3A_124 = tpu.memref_slice %arg10[%dma_wait3A_123] : memref<624xf32, #tpu.memory_space<vmem>> -> memref<16xf32, #tpu.memory_space<vmem>>
          tpu.wait_dma2 semaphore(%run_scoped3A : memref<!tpu.dma_semaphore, #tpu.memory_space<semaphore_mem>>) src(%dma_wait3A_124 : memref<16xf32, #tpu.memory_space<vmem>>) dst(%dma_wait3A_122 : memref<16xf32, #tpu.memory_space<hbm>>)
          tpu.yield
        }) : () -> ()
      } else {
      }
      %eq3A_106 = arith.constant 1 : i32
      %eq3A_107 = arith.cmpi eq, %arg0, %eq3A_106 : i32
      %convert_element_type3A_108 = arith.extui %eq3A_107 : i1 to i32
      %cond3A_109 = arith.constant 0 : i32
      %cond3A_110 = arith.cmpi ne, %convert_element_type3A_108, %cond3A_109 : i32
      scf.if %cond3A_110 {
        "tpu.region"() ({
          %run_scoped3A = tpu.sem_alloc : memref<!tpu.dma_semaphore, #tpu.memory_space<semaphore_mem>>
          %dma_start3A = arith.constant 0 : i32
          %dma_start3A_111 = tpu.memref_slice %arg10[%dma_start3A] : memref<624xf32, #tpu.memory_space<vmem>> -> memref<16xf32, #tpu.memory_space<vmem>>
          %dma_start3A_112 = arith.constant 9984 : i32
          %dma_start3A_113 = tpu.memref_slice %arg6[%dma_start3A_112] : memref<10000xf32, #tpu.memory_space<hbm>> -> memref<16xf32, #tpu.memory_space<hbm>>
          %dma_start3A_114 = arith.constant 9984 : i32
          %dma_start3A_115 = tpu.memref_slice %arg6[%dma_start3A_114] : memref<10000xf32, #tpu.memory_space<hbm>> -> memref<16xf32, #tpu.memory_space<hbm>>
          %dma_start3A_116 = arith.constant 0 : i32
          %dma_start3A_117 = tpu.memref_slice %arg10[%dma_start3A_116] : memref<624xf32, #tpu.memory_space<vmem>> -> memref<16xf32, #tpu.memory_space<vmem>>
          tpu.enqueue_dma source(%dma_start3A_117 : memref<16xf32, #tpu.memory_space<vmem>>) target(%dma_start3A_115 : memref<16xf32, #tpu.memory_space<hbm>>) target_semaphore(%run_scoped3A : memref<!tpu.dma_semaphore, #tpu.memory_space<semaphore_mem>>)
          %dma_wait3A = arith.constant 0 : i32
          %dma_wait3A_118 = tpu.memref_slice %arg10[%dma_wait3A] : memref<624xf32, #tpu.memory_space<vmem>> -> memref<16xf32, #tpu.memory_space<vmem>>
          %dma_wait3A_119 = arith.constant 9984 : i32
          %dma_wait3A_120 = tpu.memref_slice %arg6[%dma_wait3A_119] : memref<10000xf32, #tpu.memory_space<hbm>> -> memref<16xf32, #tpu.memory_space<hbm>>
          %dma_wait3A_121 = arith.constant 9984 : i32
          %dma_wait3A_122 = tpu.memref_slice %arg6[%dma_wait3A_121] : memref<10000xf32, #tpu.memory_space<hbm>> -> memref<16xf32, #tpu.memory_space<hbm>>
          %dma_wait3A_123 = arith.constant 0 : i32
          %dma_wait3A_124 = tpu.memref_slice %arg10[%dma_wait3A_123] : memref<624xf32, #tpu.memory_space<vmem>> -> memref<16xf32, #tpu.memory_space<vmem>>
          tpu.wait_dma2 semaphore(%run_scoped3A : memref<!tpu.dma_semaphore, #tpu.memory_space<semaphore_mem>>) src(%dma_wait3A_124 : memref<16xf32, #tpu.memory_space<vmem>>) dst(%dma_wait3A_122 : memref<16xf32, #tpu.memory_space<hbm>>)
          tpu.yield
        }) : () -> ()
      } else {
      }
    } else {
    }
    return
  }
}

#map = affine_map<(d0, d1) -> (0, 0)>
#map1 = affine_map<(d0, d1) -> (0, 0, 0)>
module attributes {stable_mosaic.version = 14 : i64} {
  func.func @_sc_agg_body(%arg0: i32, %arg1: i32, %arg2: memref<10000x128xf32, #tpu.memory_space<hbm>>, %arg3: memref<2500x128xi32, #tpu.memory_space<hbm>>, %arg4: memref<10000x128xf32, #tpu.memory_space<hbm>>, %arg5: memref<2x10000x128xf32, #tpu.memory_space<hbm>>, %arg6: memref<80x128xi32, #tpu.memory_space<vmem>>, %arg7: memref<128xi32, #tpu.memory_space<vmem>>, %arg8: memref<128xi32, #tpu.memory_space<vmem>>, %arg9: memref<128xi32, #tpu.memory_space<vmem>>, %arg10: memref<128xi32, #tpu.memory_space<vmem>>, %arg11: memref<128x128xf32, #tpu.memory_space<vmem>>, %arg12: memref<128x128xf32, #tpu.memory_space<vmem>>, %arg13: memref<10000x128xf32, #tpu.memory_space<vmem_shared>>, %arg14: memref<!tpu.dma_semaphore, #tpu.memory_space<semaphore_mem>>, %arg15: memref<!tpu.dma_semaphore, #tpu.memory_space<semaphore_mem>>) attributes {dimension_semantics = [#tpu.dimension_semantics<core_parallel>, #tpu.dimension_semantics<subcore_parallel>], iteration_bounds = array<i64: 2, 16>, scalar_prefetch = 0 : i64, scratch_operands = 10 : i64, tpu.core_type = #tpu.core_type<sc_vector_subcore>, window_params = [{transform_indices = #map}, {transform_indices = #map}, {transform_indices = #map}, {transform_indices = #map1}]} {
    %mul3A = arith.constant 2 : i32
    %mul3A_0 = arith.muli %arg1, %mul3A : i32
    %add3A = arith.addi %mul3A_0, %arg0 : i32
    %eq3A = arith.constant 31 : i32
    %eq3A_1 = arith.cmpi eq, %add3A, %eq3A : i32
    %jit3A = arith.constant 20 : i32
    %jit3A_2 = arith.constant 80 : i32
    %select_n3A = arith.select %eq3A_1, %jit3A, %jit3A_2 : i32
    %lt3A = arith.constant 31 : i32
    %lt3A_3 = arith.cmpi slt, %add3A, %lt3A : i32
    %convert_element_type3A = arith.extui %lt3A_3 : i1 to i32
    %cond3A = arith.constant 0 : i32
    %cond3A_4 = arith.cmpi ne, %convert_element_type3A, %cond3A : i32
    scf.if %cond3A_4 {
      %mul3A_72 = arith.constant 80 : i32
      %mul3A_73 = arith.muli %add3A, %mul3A_72 : i32
      "tpu.region"() ({
        %run_scoped3A = tpu.sem_alloc : memref<!tpu.dma_semaphore, #tpu.memory_space<semaphore_mem>>
        %dma_start3A_74 = arith.constant 0 : i32
        %dma_start3A_75 = tpu.memref_slice %arg3[%mul3A_73, %dma_start3A_74] : memref<2500x128xi32, #tpu.memory_space<hbm>> -> memref<80x128xi32, #tpu.memory_space<hbm>>
        %dma_start3A_76 = arith.constant 0 : i32
        %dma_start3A_77 = tpu.memref_slice %arg3[%mul3A_73, %dma_start3A_76] : memref<2500x128xi32, #tpu.memory_space<hbm>> -> memref<80x128xi32, #tpu.memory_space<hbm>>
        tpu.enqueue_dma source(%dma_start3A_77 : memref<80x128xi32, #tpu.memory_space<hbm>>) target(%arg6 : memref<80x128xi32, #tpu.memory_space<vmem>>) target_semaphore(%run_scoped3A : memref<!tpu.dma_semaphore, #tpu.memory_space<semaphore_mem>>)
        %dma_wait3A = arith.constant 0 : i32
        %dma_wait3A_78 = tpu.memref_slice %arg3[%mul3A_73, %dma_wait3A] : memref<2500x128xi32, #tpu.memory_space<hbm>> -> memref<80x128xi32, #tpu.memory_space<hbm>>
        %dma_wait3A_79 = arith.constant 0 : i32
        %dma_wait3A_80 = tpu.memref_slice %arg3[%mul3A_73, %dma_wait3A_79] : memref<2500x128xi32, #tpu.memory_space<hbm>> -> memref<80x128xi32, #tpu.memory_space<hbm>>
        tpu.wait_dma2 semaphore(%run_scoped3A : memref<!tpu.dma_semaphore, #tpu.memory_space<semaphore_mem>>) src(%dma_wait3A_80 : memref<80x128xi32, #tpu.memory_space<hbm>>) dst(%arg6 : memref<80x128xi32, #tpu.memory_space<vmem>>)
        tpu.yield
      }) : () -> ()
    } else {
    }
    %eq3A_5 = arith.constant 31 : i32
    %eq3A_6 = arith.cmpi eq, %add3A, %eq3A_5 : i32
    %convert_element_type3A_7 = arith.extui %eq3A_6 : i1 to i32
    %cond3A_8 = arith.constant 0 : i32
    %cond3A_9 = arith.cmpi ne, %convert_element_type3A_7, %cond3A_8 : i32
    scf.if %cond3A_9 {
      "tpu.region"() ({
        %run_scoped3A = tpu.sem_alloc : memref<!tpu.dma_semaphore, #tpu.memory_space<semaphore_mem>>
        %dma_start3A_72 = arith.constant 0 : i32
        %dma_start3A_73 = arith.constant 0 : i32
        %dma_start3A_74 = tpu.memref_slice %arg6[%dma_start3A_72, %dma_start3A_73] : memref<80x128xi32, #tpu.memory_space<vmem>> -> memref<20x128xi32, #tpu.memory_space<vmem>>
        %dma_start3A_75 = arith.constant 2480 : i32
        %dma_start3A_76 = arith.constant 0 : i32
        %dma_start3A_77 = tpu.memref_slice %arg3[%dma_start3A_75, %dma_start3A_76] : memref<2500x128xi32, #tpu.memory_space<hbm>> -> memref<20x128xi32, #tpu.memory_space<hbm>>
        %dma_start3A_78 = arith.constant 0 : i32
        %dma_start3A_79 = arith.constant 0 : i32
        %dma_start3A_80 = tpu.memref_slice %arg6[%dma_start3A_78, %dma_start3A_79] : memref<80x128xi32, #tpu.memory_space<vmem>> -> memref<20x128xi32, #tpu.memory_space<vmem>>
        %dma_start3A_81 = arith.constant 2480 : i32
        %dma_start3A_82 = arith.constant 0 : i32
        %dma_start3A_83 = tpu.memref_slice %arg3[%dma_start3A_81, %dma_start3A_82] : memref<2500x128xi32, #tpu.memory_space<hbm>> -> memref<20x128xi32, #tpu.memory_space<hbm>>
        tpu.enqueue_dma source(%dma_start3A_83 : memref<20x128xi32, #tpu.memory_space<hbm>>) target(%dma_start3A_80 : memref<20x128xi32, #tpu.memory_space<vmem>>) target_semaphore(%run_scoped3A : memref<!tpu.dma_semaphore, #tpu.memory_space<semaphore_mem>>)
        %dma_wait3A = arith.constant 0 : i32
        %dma_wait3A_84 = arith.constant 0 : i32
        %dma_wait3A_85 = tpu.memref_slice %arg6[%dma_wait3A, %dma_wait3A_84] : memref<80x128xi32, #tpu.memory_space<vmem>> -> memref<20x128xi32, #tpu.memory_space<vmem>>
        %dma_wait3A_86 = arith.constant 2480 : i32
        %dma_wait3A_87 = arith.constant 0 : i32
        %dma_wait3A_88 = tpu.memref_slice %arg3[%dma_wait3A_86, %dma_wait3A_87] : memref<2500x128xi32, #tpu.memory_space<hbm>> -> memref<20x128xi32, #tpu.memory_space<hbm>>
        %dma_wait3A_89 = arith.constant 0 : i32
        %dma_wait3A_90 = arith.constant 0 : i32
        %dma_wait3A_91 = tpu.memref_slice %arg6[%dma_wait3A_89, %dma_wait3A_90] : memref<80x128xi32, #tpu.memory_space<vmem>> -> memref<20x128xi32, #tpu.memory_space<vmem>>
        %dma_wait3A_92 = arith.constant 2480 : i32
        %dma_wait3A_93 = arith.constant 0 : i32
        %dma_wait3A_94 = tpu.memref_slice %arg3[%dma_wait3A_92, %dma_wait3A_93] : memref<2500x128xi32, #tpu.memory_space<hbm>> -> memref<20x128xi32, #tpu.memory_space<hbm>>
        tpu.wait_dma2 semaphore(%run_scoped3A : memref<!tpu.dma_semaphore, #tpu.memory_space<semaphore_mem>>) src(%dma_wait3A_94 : memref<20x128xi32, #tpu.memory_space<hbm>>) dst(%dma_wait3A_91 : memref<20x128xi32, #tpu.memory_space<vmem>>)
        tpu.yield
      }) : () -> ()
    } else {
    }
    %mul3A_10 = arith.constant 624 : i32
    %mul3A_11 = arith.muli %arg1, %mul3A_10 : i32
    %mul3A_12 = arith.constant 624 : i32
    %mul3A_13 = arith.muli %arg1, %mul3A_12 : i32
    "tpu.region"() ({
      %run_scoped3A = tpu.sem_alloc : memref<!tpu.dma_semaphore, #tpu.memory_space<semaphore_mem>>
      %dma_start3A_72 = arith.constant 0 : i32
      %dma_start3A_73 = tpu.memref_slice %arg13[%mul3A_13, %dma_start3A_72] : memref<10000x128xf32, #tpu.memory_space<vmem_shared>> -> memref<624x128xf32, #tpu.memory_space<vmem_shared>>
      %dma_start3A_74 = arith.constant 0 : i32
      %dma_start3A_75 = tpu.memref_slice %arg4[%mul3A_11, %dma_start3A_74] : memref<10000x128xf32, #tpu.memory_space<hbm>> -> memref<624x128xf32, #tpu.memory_space<hbm>>
      tpu.enqueue_dma source(%dma_start3A_75 : memref<624x128xf32, #tpu.memory_space<hbm>>) target(%dma_start3A_73 : memref<624x128xf32, #tpu.memory_space<vmem_shared>>) target_semaphore(%run_scoped3A : memref<!tpu.dma_semaphore, #tpu.memory_space<semaphore_mem>>)
      %dma_wait3A = arith.constant 0 : i32
      %dma_wait3A_76 = tpu.memref_slice %arg13[%mul3A_13, %dma_wait3A] : memref<10000x128xf32, #tpu.memory_space<vmem_shared>> -> memref<624x128xf32, #tpu.memory_space<vmem_shared>>
      %dma_wait3A_77 = arith.constant 0 : i32
      %dma_wait3A_78 = tpu.memref_slice %arg4[%mul3A_11, %dma_wait3A_77] : memref<10000x128xf32, #tpu.memory_space<hbm>> -> memref<624x128xf32, #tpu.memory_space<hbm>>
      tpu.wait_dma2 semaphore(%run_scoped3A : memref<!tpu.dma_semaphore, #tpu.memory_space<semaphore_mem>>) src(%dma_wait3A_78 : memref<624x128xf32, #tpu.memory_space<hbm>>) dst(%dma_wait3A_76 : memref<624x128xf32, #tpu.memory_space<vmem_shared>>)
      tpu.yield
    }) : () -> ()
    %eq3A_14 = arith.constant 0 : i32
    %eq3A_15 = arith.cmpi eq, %arg1, %eq3A_14 : i32
    %convert_element_type3A_16 = arith.extui %eq3A_15 : i1 to i32
    %cond3A_17 = arith.constant 0 : i32
    %cond3A_18 = arith.cmpi ne, %convert_element_type3A_16, %cond3A_17 : i32
    scf.if %cond3A_18 {
      "tpu.region"() ({
        %run_scoped3A = tpu.sem_alloc : memref<!tpu.dma_semaphore, #tpu.memory_space<semaphore_mem>>
        %dma_start3A_72 = arith.constant 9984 : i32
        %dma_start3A_73 = arith.constant 0 : i32
        %dma_start3A_74 = tpu.memref_slice %arg13[%dma_start3A_72, %dma_start3A_73] : memref<10000x128xf32, #tpu.memory_space<vmem_shared>> -> memref<16x128xf32, #tpu.memory_space<vmem_shared>>
        %dma_start3A_75 = arith.constant 9984 : i32
        %dma_start3A_76 = arith.constant 0 : i32
        %dma_start3A_77 = tpu.memref_slice %arg4[%dma_start3A_75, %dma_start3A_76] : memref<10000x128xf32, #tpu.memory_space<hbm>> -> memref<16x128xf32, #tpu.memory_space<hbm>>
        tpu.enqueue_dma source(%dma_start3A_77 : memref<16x128xf32, #tpu.memory_space<hbm>>) target(%dma_start3A_74 : memref<16x128xf32, #tpu.memory_space<vmem_shared>>) target_semaphore(%run_scoped3A : memref<!tpu.dma_semaphore, #tpu.memory_space<semaphore_mem>>)
        %dma_wait3A = arith.constant 9984 : i32
        %dma_wait3A_78 = arith.constant 0 : i32
        %dma_wait3A_79 = tpu.memref_slice %arg13[%dma_wait3A, %dma_wait3A_78] : memref<10000x128xf32, #tpu.memory_space<vmem_shared>> -> memref<16x128xf32, #tpu.memory_space<vmem_shared>>
        %dma_wait3A_80 = arith.constant 9984 : i32
        %dma_wait3A_81 = arith.constant 0 : i32
        %dma_wait3A_82 = tpu.memref_slice %arg4[%dma_wait3A_80, %dma_wait3A_81] : memref<10000x128xf32, #tpu.memory_space<hbm>> -> memref<16x128xf32, #tpu.memory_space<hbm>>
        tpu.wait_dma2 semaphore(%run_scoped3A : memref<!tpu.dma_semaphore, #tpu.memory_space<semaphore_mem>>) src(%dma_wait3A_82 : memref<16x128xf32, #tpu.memory_space<hbm>>) dst(%dma_wait3A_79 : memref<16x128xf32, #tpu.memory_space<vmem_shared>>)
        tpu.yield
      }) : () -> ()
    } else {
    }
    %barrier3A = arith.constant 0 : index
    tpu.barrier barrier_id(%barrier3A)
    %scan3A = arith.constant 0 : i32
    %scan3A_19 = arith.constant 0 : i32
    %scan3A_20 = arith.constant 8 : i32
    %scan3A_21 = arith.addi %scan3A_19, %scan3A_20 : i32
    %scan3A_22 = arith.constant 1 : i32
    scf.for %scan3A_72 = %scan3A_19 to %scan3A_21 step %scan3A_22  : i32 {
      %mul3A_73 = arith.constant 16 : i32
      %mul3A_74 = arith.muli %scan3A_72, %mul3A_73 : i32
      %get3A = arith.constant 0 : i32
      %get3A_75 = arith.index_cast %get3A : i32 to index
      %get3A_76 = arith.index_cast %mul3A_74 : i32 to index
      %get3A_77 = tpu.vector_load %arg6[%get3A_75, %get3A_76] {strides = array<i32>} : memref<80x128xi32, #tpu.memory_space<vmem>>, vector<1x16xi32>,
      %get3A_78 = vector.shape_cast %get3A_77 : vector<1x16xi32> to vector<16xi32>
      %and3A_79 = arith.constant 65535 : i32
      %and3A_80 = vector.broadcast %and3A_79 : i32 to vector<16xi32>
      %and3A_81 = arith.andi %get3A_78, %and3A_80 : vector<16xi32>
      %mul3A_82 = arith.constant 16 : i32
      %mul3A_83 = arith.muli %scan3A_72, %mul3A_82 : i32
      %swap3A = arith.index_cast %mul3A_83 : i32 to index
      %swap3A_84 = tpu.vector_load %arg7[%swap3A] {strides = array<i32>} : memref<128xi32, #tpu.memory_space<vmem>>, vector<16xi32>,
      %swap3A_85 = vector.shape_cast %swap3A_84 : vector<16xi32> to vector<16xi32>
      %swap3A_86 = vector.shape_cast %and3A_81 : vector<16xi32> to vector<16xi32>
      tpu.vector_store %arg7[%swap3A], %swap3A_86 {strides = array<i32>} : memref<128xi32, #tpu.memory_space<vmem>>, vector<16xi32>,
      %shift_right_arithmetic3A = arith.constant 16 : i32
      %shift_right_arithmetic3A_87 = vector.broadcast %shift_right_arithmetic3A : i32 to vector<16xi32>
      %shift_right_arithmetic3A_88 = arith.shrsi %get3A_78, %shift_right_arithmetic3A_87 : vector<16xi32>
      %mul3A_89 = arith.constant 16 : i32
      %mul3A_90 = arith.muli %scan3A_72, %mul3A_89 : i32
      %swap3A_91 = arith.index_cast %mul3A_90 : i32 to index
      %swap3A_92 = tpu.vector_load %arg8[%swap3A_91] {strides = array<i32>} : memref<128xi32, #tpu.memory_space<vmem>>, vector<16xi32>,
      %swap3A_93 = vector.shape_cast %swap3A_92 : vector<16xi32> to vector<16xi32>
      %swap3A_94 = vector.shape_cast %shift_right_arithmetic3A_88 : vector<16xi32> to vector<16xi32>
      tpu.vector_store %arg8[%swap3A_91], %swap3A_94 {strides = array<i32>} : memref<128xi32, #tpu.memory_space<vmem>>, vector<16xi32>,
    }
    %scan3A_23 = arith.constant 8 : i32
    %dma_start3A = arith.constant 0 : i32
    %dma_start3A_24 = arith.constant 0 : i32
    %dma_start3A_25 = tpu.memref_slice %arg2[%dma_start3A, %dma_start3A_24] : memref<10000x128xf32, #tpu.memory_space<hbm>> -> memref<10000x128xf32, #tpu.memory_space<hbm>>
    tpu.enqueue_indirect_dma source(%dma_start3A_25 : memref<10000x128xf32, #tpu.memory_space<hbm>>) target(%arg11 : memref<128x128xf32, #tpu.memory_space<vmem>>) offsets(%arg7 : memref<128xi32, #tpu.memory_space<vmem>>) semaphore(%arg14 : memref<!tpu.dma_semaphore, #tpu.memory_space<semaphore_mem>>)
    %scan3A_26 = arith.constant 0 : i32
    %scan3A_27 = arith.constant 0 : i32
    %scan3A_28 = arith.constant 8 : i32
    %scan3A_29 = arith.addi %scan3A_27, %scan3A_28 : i32
    %scan3A_30 = arith.constant 1 : i32
    scf.for %scan3A_72 = %scan3A_27 to %scan3A_29 step %scan3A_30  : i32 {
      %mul3A_73 = arith.constant 16 : i32
      %mul3A_74 = arith.muli %scan3A_72, %mul3A_73 : i32
      %get3A = arith.constant 1 : i32
      %get3A_75 = arith.index_cast %get3A : i32 to index
      %get3A_76 = arith.index_cast %mul3A_74 : i32 to index
      %get3A_77 = tpu.vector_load %arg6[%get3A_75, %get3A_76] {strides = array<i32>} : memref<80x128xi32, #tpu.memory_space<vmem>>, vector<1x16xi32>,
      %get3A_78 = vector.shape_cast %get3A_77 : vector<1x16xi32> to vector<16xi32>
      %and3A_79 = arith.constant 65535 : i32
      %and3A_80 = vector.broadcast %and3A_79 : i32 to vector<16xi32>
      %and3A_81 = arith.andi %get3A_78, %and3A_80 : vector<16xi32>
      %mul3A_82 = arith.constant 16 : i32
      %mul3A_83 = arith.muli %scan3A_72, %mul3A_82 : i32
      %swap3A = arith.index_cast %mul3A_83 : i32 to index
      %swap3A_84 = tpu.vector_load %arg9[%swap3A] {strides = array<i32>} : memref<128xi32, #tpu.memory_space<vmem>>, vector<16xi32>,
      %swap3A_85 = vector.shape_cast %swap3A_84 : vector<16xi32> to vector<16xi32>
      %swap3A_86 = vector.shape_cast %and3A_81 : vector<16xi32> to vector<16xi32>
      tpu.vector_store %arg9[%swap3A], %swap3A_86 {strides = array<i32>} : memref<128xi32, #tpu.memory_space<vmem>>, vector<16xi32>,
      %shift_right_arithmetic3A = arith.constant 16 : i32
      %shift_right_arithmetic3A_87 = vector.broadcast %shift_right_arithmetic3A : i32 to vector<16xi32>
      %shift_right_arithmetic3A_88 = arith.shrsi %get3A_78, %shift_right_arithmetic3A_87 : vector<16xi32>
      %mul3A_89 = arith.constant 16 : i32
      %mul3A_90 = arith.muli %scan3A_72, %mul3A_89 : i32
      %swap3A_91 = arith.index_cast %mul3A_90 : i32 to index
      %swap3A_92 = tpu.vector_load %arg10[%swap3A_91] {strides = array<i32>} : memref<128xi32, #tpu.memory_space<vmem>>, vector<16xi32>,
      %swap3A_93 = vector.shape_cast %swap3A_92 : vector<16xi32> to vector<16xi32>
      %swap3A_94 = vector.shape_cast %shift_right_arithmetic3A_88 : vector<16xi32> to vector<16xi32>
      tpu.vector_store %arg10[%swap3A_91], %swap3A_94 {strides = array<i32>} : memref<128xi32, #tpu.memory_space<vmem>>, vector<16xi32>,
    }
    %scan3A_31 = arith.constant 8 : i32
    %dma_start3A_32 = arith.constant 0 : i32
    %dma_start3A_33 = arith.constant 0 : i32
    %dma_start3A_34 = tpu.memref_slice %arg2[%dma_start3A_32, %dma_start3A_33] : memref<10000x128xf32, #tpu.memory_space<hbm>> -> memref<10000x128xf32, #tpu.memory_space<hbm>>
    tpu.enqueue_indirect_dma source(%dma_start3A_34 : memref<10000x128xf32, #tpu.memory_space<hbm>>) target(%arg12 : memref<128x128xf32, #tpu.memory_space<vmem>>) offsets(%arg9 : memref<128xi32, #tpu.memory_space<vmem>>) semaphore(%arg15 : memref<!tpu.dma_semaphore, #tpu.memory_space<semaphore_mem>>)
    %jit3A_35 = arith.constant 2 : i32
    %div3A = arith.divsi %select_n3A, %jit3A_35 : i32
    %sign3A = arith.constant 0 : i32
    %sign3A_36 = arith.cmpi sgt, %select_n3A, %sign3A : i32
    %sign3A_37 = arith.extui %sign3A_36 : i1 to i32
    %sign3A_38 = arith.constant 0 : i32
    %sign3A_39 = arith.cmpi slt, %select_n3A, %sign3A_38 : i32
    %sign3A_40 = arith.extui %sign3A_39 : i1 to i32
    %sign3A_41 = arith.subi %sign3A_37, %sign3A_40 : i32
    %sign3A_42 = arith.constant 0 : i32
    %sign3A_43 = arith.cmpi sgt, %jit3A_35, %sign3A_42 : i32
    %sign3A_44 = arith.extui %sign3A_43 : i1 to i32
    %sign3A_45 = arith.constant 0 : i32
    %sign3A_46 = arith.cmpi slt, %jit3A_35, %sign3A_45 : i32
    %sign3A_47 = arith.extui %sign3A_46 : i1 to i32
    %sign3A_48 = arith.subi %sign3A_44, %sign3A_47 : i32
    %ne3A = arith.cmpi ne, %sign3A_41, %sign3A_48 : i32
    %rem3A = arith.remsi %select_n3A, %jit3A_35 : i32
    %ne3A_49 = arith.constant 0 : i32
    %ne3A_50 = arith.cmpi ne, %rem3A, %ne3A_49 : i32
    %and3A = arith.andi %ne3A, %ne3A_50 : i1
    %sub3A = arith.constant 1 : i32
    %sub3A_51 = arith.subi %div3A, %sub3A : i32
    %select_n3A_52 = arith.select %and3A, %sub3A_51, %div3A : i32
    %while3A = arith.constant 0 : i32
    %while3A_53 = arith.constant 0 : i32
    %while3A_54 = arith.subi %select_n3A_52, %while3A_53 : i32
    %while3A_55 = arith.addi %while3A_53, %while3A_54 : i32
    %while3A_56 = arith.constant 1 : i32
    %while3A_57 = arith.divsi %while3A_54, %while3A_56 : i32
    %while3A_58 = arith.muli %while3A_57, %while3A_56 : i32
    %while3A_59 = arith.addi %while3A_53, %while3A_58 : i32
    %while3A_60 = arith.constant 1 : i32
    scf.for %while3A_72 = %while3A_53 to %while3A_59 step %while3A_60  : i32 {
      %mul3A_73 = arith.constant 2 : i32
      %mul3A_74 = arith.muli %mul3A_73, %while3A_72 : i32
      %dma_wait3A = arith.constant 0 : i32
      %dma_wait3A_75 = arith.constant 0 : i32
      %dma_wait3A_76 = tpu.memref_slice %arg2[%dma_wait3A, %dma_wait3A_75] : memref<10000x128xf32, #tpu.memory_space<hbm>> -> memref<10000x128xf32, #tpu.memory_space<hbm>>
      tpu.wait_indirect_dma semaphore(%arg14 : memref<!tpu.dma_semaphore, #tpu.memory_space<semaphore_mem>>) src(%dma_wait3A_76 : memref<10000x128xf32, #tpu.memory_space<hbm>>) dst(%arg11 : memref<128x128xf32, #tpu.memory_space<vmem>>)
      "tpu.region"() ({
        %run_scoped3A = tpu.sem_alloc : memref<!tpu.dma_semaphore, #tpu.memory_space<semaphore_mem>>
        %dma_start3A_92 = arith.constant 0 : i32
        %dma_start3A_93 = arith.constant 0 : i32
        %dma_start3A_94 = tpu.memref_slice %arg13[%dma_start3A_92, %dma_start3A_93] : memref<10000x128xf32, #tpu.memory_space<vmem_shared>> -> memref<10000x128xf32, #tpu.memory_space<vmem_shared>>
        tpu.enqueue_indirect_dma source(%arg11 : memref<128x128xf32, #tpu.memory_space<vmem>>) target(%dma_start3A_94 : memref<10000x128xf32, #tpu.memory_space<vmem_shared>>) offsets(%arg8 : memref<128xi32, #tpu.memory_space<vmem>>) semaphore(%run_scoped3A : memref<!tpu.dma_semaphore, #tpu.memory_space<semaphore_mem>>) {add = true}
        %dma_wait3A_95 = arith.constant 0 : i32
        %dma_wait3A_96 = arith.constant 0 : i32
        %dma_wait3A_97 = tpu.memref_slice %arg13[%dma_wait3A_95, %dma_wait3A_96] : memref<10000x128xf32, #tpu.memory_space<vmem_shared>> -> memref<10000x128xf32, #tpu.memory_space<vmem_shared>>
        tpu.wait_indirect_dma semaphore(%run_scoped3A : memref<!tpu.dma_semaphore, #tpu.memory_space<semaphore_mem>>) src(%arg11 : memref<128x128xf32, #tpu.memory_space<vmem>>) dst(%dma_wait3A_97 : memref<10000x128xf32, #tpu.memory_space<vmem_shared>>)
        tpu.yield
      }) : () -> ()
      %add3A_77 = arith.constant 2 : i32
      %add3A_78 = arith.addi %mul3A_74, %add3A_77 : i32
      %lt3A_79 = arith.cmpi slt, %add3A_78, %select_n3A : i32
      %convert_element_type3A_80 = arith.extui %lt3A_79 : i1 to i32
      %cond3A_81 = arith.constant 0 : i32
      %cond3A_82 = arith.cmpi ne, %convert_element_type3A_80, %cond3A_81 : i32
      scf.if %cond3A_82 {
        %add3A_92 = arith.constant 2 : i32
        %add3A_93 = arith.addi %mul3A_74, %add3A_92 : i32
        %scan3A_94 = arith.constant 0 : i32
        %scan3A_95 = arith.constant 0 : i32
        %scan3A_96 = arith.constant 8 : i32
        %scan3A_97 = arith.addi %scan3A_95, %scan3A_96 : i32
        %scan3A_98 = arith.constant 1 : i32
        scf.for %scan3A_103 = %scan3A_95 to %scan3A_97 step %scan3A_98  : i32 {
          %mul3A_104 = arith.constant 16 : i32
          %mul3A_105 = arith.muli %scan3A_103, %mul3A_104 : i32
          %get3A = arith.index_cast %add3A_93 : i32 to index
          %get3A_106 = arith.index_cast %mul3A_105 : i32 to index
          %get3A_107 = tpu.vector_load %arg6[%get3A, %get3A_106] {strides = array<i32>} : memref<80x128xi32, #tpu.memory_space<vmem>>, vector<1x16xi32>,
          %get3A_108 = vector.shape_cast %get3A_107 : vector<1x16xi32> to vector<16xi32>
          %and3A_109 = arith.constant 65535 : i32
          %and3A_110 = vector.broadcast %and3A_109 : i32 to vector<16xi32>
          %and3A_111 = arith.andi %get3A_108, %and3A_110 : vector<16xi32>
          %mul3A_112 = arith.constant 16 : i32
          %mul3A_113 = arith.muli %scan3A_103, %mul3A_112 : i32
          %swap3A = arith.index_cast %mul3A_113 : i32 to index
          %swap3A_114 = tpu.vector_load %arg7[%swap3A] {strides = array<i32>} : memref<128xi32, #tpu.memory_space<vmem>>, vector<16xi32>,
          %swap3A_115 = vector.shape_cast %swap3A_114 : vector<16xi32> to vector<16xi32>
          %swap3A_116 = vector.shape_cast %and3A_111 : vector<16xi32> to vector<16xi32>
          tpu.vector_store %arg7[%swap3A], %swap3A_116 {strides = array<i32>} : memref<128xi32, #tpu.memory_space<vmem>>, vector<16xi32>,
          %shift_right_arithmetic3A = arith.constant 16 : i32
          %shift_right_arithmetic3A_117 = vector.broadcast %shift_right_arithmetic3A : i32 to vector<16xi32>
          %shift_right_arithmetic3A_118 = arith.shrsi %get3A_108, %shift_right_arithmetic3A_117 : vector<16xi32>
          %mul3A_119 = arith.constant 16 : i32
          %mul3A_120 = arith.muli %scan3A_103, %mul3A_119 : i32
          %swap3A_121 = arith.index_cast %mul3A_120 : i32 to index
          %swap3A_122 = tpu.vector_load %arg8[%swap3A_121] {strides = array<i32>} : memref<128xi32, #tpu.memory_space<vmem>>, vector<16xi32>,
          %swap3A_123 = vector.shape_cast %swap3A_122 : vector<16xi32> to vector<16xi32>
          %swap3A_124 = vector.shape_cast %shift_right_arithmetic3A_118 : vector<16xi32> to vector<16xi32>
          tpu.vector_store %arg8[%swap3A_121], %swap3A_124 {strides = array<i32>} : memref<128xi32, #tpu.memory_space<vmem>>, vector<16xi32>,
        }
        %scan3A_99 = arith.constant 8 : i32
        %dma_start3A_100 = arith.constant 0 : i32
        %dma_start3A_101 = arith.constant 0 : i32
        %dma_start3A_102 = tpu.memref_slice %arg2[%dma_start3A_100, %dma_start3A_101] : memref<10000x128xf32, #tpu.memory_space<hbm>> -> memref<10000x128xf32, #tpu.memory_space<hbm>>
        tpu.enqueue_indirect_dma source(%dma_start3A_102 : memref<10000x128xf32, #tpu.memory_space<hbm>>) target(%arg11 : memref<128x128xf32, #tpu.memory_space<vmem>>) offsets(%arg7 : memref<128xi32, #tpu.memory_space<vmem>>) semaphore(%arg14 : memref<!tpu.dma_semaphore, #tpu.memory_space<semaphore_mem>>)
      } else {
      }
      %dma_wait3A_83 = arith.constant 0 : i32
      %dma_wait3A_84 = arith.constant 0 : i32
      %dma_wait3A_85 = tpu.memref_slice %arg2[%dma_wait3A_83, %dma_wait3A_84] : memref<10000x128xf32, #tpu.memory_space<hbm>> -> memref<10000x128xf32, #tpu.memory_space<hbm>>
      tpu.wait_indirect_dma semaphore(%arg15 : memref<!tpu.dma_semaphore, #tpu.memory_space<semaphore_mem>>) src(%dma_wait3A_85 : memref<10000x128xf32, #tpu.memory_space<hbm>>) dst(%arg12 : memref<128x128xf32, #tpu.memory_space<vmem>>)
      "tpu.region"() ({
        %run_scoped3A = tpu.sem_alloc : memref<!tpu.dma_semaphore, #tpu.memory_space<semaphore_mem>>
        %dma_start3A_92 = arith.constant 0 : i32
        %dma_start3A_93 = arith.constant 0 : i32
        %dma_start3A_94 = tpu.memref_slice %arg13[%dma_start3A_92, %dma_start3A_93] : memref<10000x128xf32, #tpu.memory_space<vmem_shared>> -> memref<10000x128xf32, #tpu.memory_space<vmem_shared>>
        tpu.enqueue_indirect_dma source(%arg12 : memref<128x128xf32, #tpu.memory_space<vmem>>) target(%dma_start3A_94 : memref<10000x128xf32, #tpu.memory_space<vmem_shared>>) offsets(%arg10 : memref<128xi32, #tpu.memory_space<vmem>>) semaphore(%run_scoped3A : memref<!tpu.dma_semaphore, #tpu.memory_space<semaphore_mem>>) {add = true}
        %dma_wait3A_95 = arith.constant 0 : i32
        %dma_wait3A_96 = arith.constant 0 : i32
        %dma_wait3A_97 = tpu.memref_slice %arg13[%dma_wait3A_95, %dma_wait3A_96] : memref<10000x128xf32, #tpu.memory_space<vmem_shared>> -> memref<10000x128xf32, #tpu.memory_space<vmem_shared>>
        tpu.wait_indirect_dma semaphore(%run_scoped3A : memref<!tpu.dma_semaphore, #tpu.memory_space<semaphore_mem>>) src(%arg12 : memref<128x128xf32, #tpu.memory_space<vmem>>) dst(%dma_wait3A_97 : memref<10000x128xf32, #tpu.memory_space<vmem_shared>>)
        tpu.yield
      }) : () -> ()
      %add3A_86 = arith.constant 3 : i32
      %add3A_87 = arith.addi %mul3A_74, %add3A_86 : i32
      %lt3A_88 = arith.cmpi slt, %add3A_87, %select_n3A : i32
      %convert_element_type3A_89 = arith.extui %lt3A_88 : i1 to i32
      %cond3A_90 = arith.constant 0 : i32
      %cond3A_91 = arith.cmpi ne, %convert_element_type3A_89, %cond3A_90 : i32
      scf.if %cond3A_91 {
        %add3A_92 = arith.constant 3 : i32
        %add3A_93 = arith.addi %mul3A_74, %add3A_92 : i32
        %scan3A_94 = arith.constant 0 : i32
        %scan3A_95 = arith.constant 0 : i32
        %scan3A_96 = arith.constant 8 : i32
        %scan3A_97 = arith.addi %scan3A_95, %scan3A_96 : i32
        %scan3A_98 = arith.constant 1 : i32
        scf.for %scan3A_103 = %scan3A_95 to %scan3A_97 step %scan3A_98  : i32 {
          %mul3A_104 = arith.constant 16 : i32
          %mul3A_105 = arith.muli %scan3A_103, %mul3A_104 : i32
          %get3A = arith.index_cast %add3A_93 : i32 to index
          %get3A_106 = arith.index_cast %mul3A_105 : i32 to index
          %get3A_107 = tpu.vector_load %arg6[%get3A, %get3A_106] {strides = array<i32>} : memref<80x128xi32, #tpu.memory_space<vmem>>, vector<1x16xi32>,
          %get3A_108 = vector.shape_cast %get3A_107 : vector<1x16xi32> to vector<16xi32>
          %and3A_109 = arith.constant 65535 : i32
          %and3A_110 = vector.broadcast %and3A_109 : i32 to vector<16xi32>
          %and3A_111 = arith.andi %get3A_108, %and3A_110 : vector<16xi32>
          %mul3A_112 = arith.constant 16 : i32
          %mul3A_113 = arith.muli %scan3A_103, %mul3A_112 : i32
          %swap3A = arith.index_cast %mul3A_113 : i32 to index
          %swap3A_114 = tpu.vector_load %arg9[%swap3A] {strides = array<i32>} : memref<128xi32, #tpu.memory_space<vmem>>, vector<16xi32>,
          %swap3A_115 = vector.shape_cast %swap3A_114 : vector<16xi32> to vector<16xi32>
          %swap3A_116 = vector.shape_cast %and3A_111 : vector<16xi32> to vector<16xi32>
          tpu.vector_store %arg9[%swap3A], %swap3A_116 {strides = array<i32>} : memref<128xi32, #tpu.memory_space<vmem>>, vector<16xi32>,
          %shift_right_arithmetic3A = arith.constant 16 : i32
          %shift_right_arithmetic3A_117 = vector.broadcast %shift_right_arithmetic3A : i32 to vector<16xi32>
          %shift_right_arithmetic3A_118 = arith.shrsi %get3A_108, %shift_right_arithmetic3A_117 : vector<16xi32>
          %mul3A_119 = arith.constant 16 : i32
          %mul3A_120 = arith.muli %scan3A_103, %mul3A_119 : i32
          %swap3A_121 = arith.index_cast %mul3A_120 : i32 to index
          %swap3A_122 = tpu.vector_load %arg10[%swap3A_121] {strides = array<i32>} : memref<128xi32, #tpu.memory_space<vmem>>, vector<16xi32>,
          %swap3A_123 = vector.shape_cast %swap3A_122 : vector<16xi32> to vector<16xi32>
          %swap3A_124 = vector.shape_cast %shift_right_arithmetic3A_118 : vector<16xi32> to vector<16xi32>
          tpu.vector_store %arg10[%swap3A_121], %swap3A_124 {strides = array<i32>} : memref<128xi32, #tpu.memory_space<vmem>>, vector<16xi32>,
        }
        %scan3A_99 = arith.constant 8 : i32
        %dma_start3A_100 = arith.constant 0 : i32
        %dma_start3A_101 = arith.constant 0 : i32
        %dma_start3A_102 = tpu.memref_slice %arg2[%dma_start3A_100, %dma_start3A_101] : memref<10000x128xf32, #tpu.memory_space<hbm>> -> memref<10000x128xf32, #tpu.memory_space<hbm>>
        tpu.enqueue_indirect_dma source(%dma_start3A_102 : memref<10000x128xf32, #tpu.memory_space<hbm>>) target(%arg12 : memref<128x128xf32, #tpu.memory_space<vmem>>) offsets(%arg9 : memref<128xi32, #tpu.memory_space<vmem>>) semaphore(%arg15 : memref<!tpu.dma_semaphore, #tpu.memory_space<semaphore_mem>>)
      } else {
      }
    }
    %while3A_61 = arith.constant 1 : i32
    scf.for %while3A_72 = %while3A_59 to %while3A_55 step %while3A_61  : i32 {
      %mul3A_73 = arith.constant 2 : i32
      %mul3A_74 = arith.muli %mul3A_73, %while3A_72 : i32
      %dma_wait3A = arith.constant 0 : i32
      %dma_wait3A_75 = arith.constant 0 : i32
      %dma_wait3A_76 = tpu.memref_slice %arg2[%dma_wait3A, %dma_wait3A_75] : memref<10000x128xf32, #tpu.memory_space<hbm>> -> memref<10000x128xf32, #tpu.memory_space<hbm>>
      tpu.wait_indirect_dma semaphore(%arg14 : memref<!tpu.dma_semaphore, #tpu.memory_space<semaphore_mem>>) src(%dma_wait3A_76 : memref<10000x128xf32, #tpu.memory_space<hbm>>) dst(%arg11 : memref<128x128xf32, #tpu.memory_space<vmem>>)
      "tpu.region"() ({
        %run_scoped3A = tpu.sem_alloc : memref<!tpu.dma_semaphore, #tpu.memory_space<semaphore_mem>>
        %dma_start3A_92 = arith.constant 0 : i32
        %dma_start3A_93 = arith.constant 0 : i32
        %dma_start3A_94 = tpu.memref_slice %arg13[%dma_start3A_92, %dma_start3A_93] : memref<10000x128xf32, #tpu.memory_space<vmem_shared>> -> memref<10000x128xf32, #tpu.memory_space<vmem_shared>>
        tpu.enqueue_indirect_dma source(%arg11 : memref<128x128xf32, #tpu.memory_space<vmem>>) target(%dma_start3A_94 : memref<10000x128xf32, #tpu.memory_space<vmem_shared>>) offsets(%arg8 : memref<128xi32, #tpu.memory_space<vmem>>) semaphore(%run_scoped3A : memref<!tpu.dma_semaphore, #tpu.memory_space<semaphore_mem>>) {add = true}
        %dma_wait3A_95 = arith.constant 0 : i32
        %dma_wait3A_96 = arith.constant 0 : i32
        %dma_wait3A_97 = tpu.memref_slice %arg13[%dma_wait3A_95, %dma_wait3A_96] : memref<10000x128xf32, #tpu.memory_space<vmem_shared>> -> memref<10000x128xf32, #tpu.memory_space<vmem_shared>>
        tpu.wait_indirect_dma semaphore(%run_scoped3A : memref<!tpu.dma_semaphore, #tpu.memory_space<semaphore_mem>>) src(%arg11 : memref<128x128xf32, #tpu.memory_space<vmem>>) dst(%dma_wait3A_97 : memref<10000x128xf32, #tpu.memory_space<vmem_shared>>)
        tpu.yield
      }) : () -> ()
      %add3A_77 = arith.constant 2 : i32
      %add3A_78 = arith.addi %mul3A_74, %add3A_77 : i32
      %lt3A_79 = arith.cmpi slt, %add3A_78, %select_n3A : i32
      %convert_element_type3A_80 = arith.extui %lt3A_79 : i1 to i32
      %cond3A_81 = arith.constant 0 : i32
      %cond3A_82 = arith.cmpi ne, %convert_element_type3A_80, %cond3A_81 : i32
      scf.if %cond3A_82 {
        %add3A_92 = arith.constant 2 : i32
        %add3A_93 = arith.addi %mul3A_74, %add3A_92 : i32
        %scan3A_94 = arith.constant 0 : i32
        %scan3A_95 = arith.constant 0 : i32
        %scan3A_96 = arith.constant 8 : i32
        %scan3A_97 = arith.addi %scan3A_95, %scan3A_96 : i32
        %scan3A_98 = arith.constant 1 : i32
        scf.for %scan3A_103 = %scan3A_95 to %scan3A_97 step %scan3A_98  : i32 {
          %mul3A_104 = arith.constant 16 : i32
          %mul3A_105 = arith.muli %scan3A_103, %mul3A_104 : i32
          %get3A = arith.index_cast %add3A_93 : i32 to index
          %get3A_106 = arith.index_cast %mul3A_105 : i32 to index
          %get3A_107 = tpu.vector_load %arg6[%get3A, %get3A_106] {strides = array<i32>} : memref<80x128xi32, #tpu.memory_space<vmem>>, vector<1x16xi32>,
          %get3A_108 = vector.shape_cast %get3A_107 : vector<1x16xi32> to vector<16xi32>
          %and3A_109 = arith.constant 65535 : i32
          %and3A_110 = vector.broadcast %and3A_109 : i32 to vector<16xi32>
          %and3A_111 = arith.andi %get3A_108, %and3A_110 : vector<16xi32>
          %mul3A_112 = arith.constant 16 : i32
          %mul3A_113 = arith.muli %scan3A_103, %mul3A_112 : i32
          %swap3A = arith.index_cast %mul3A_113 : i32 to index
          %swap3A_114 = tpu.vector_load %arg7[%swap3A] {strides = array<i32>} : memref<128xi32, #tpu.memory_space<vmem>>, vector<16xi32>,
          %swap3A_115 = vector.shape_cast %swap3A_114 : vector<16xi32> to vector<16xi32>
          %swap3A_116 = vector.shape_cast %and3A_111 : vector<16xi32> to vector<16xi32>
          tpu.vector_store %arg7[%swap3A], %swap3A_116 {strides = array<i32>} : memref<128xi32, #tpu.memory_space<vmem>>, vector<16xi32>,
          %shift_right_arithmetic3A = arith.constant 16 : i32
          %shift_right_arithmetic3A_117 = vector.broadcast %shift_right_arithmetic3A : i32 to vector<16xi32>
          %shift_right_arithmetic3A_118 = arith.shrsi %get3A_108, %shift_right_arithmetic3A_117 : vector<16xi32>
          %mul3A_119 = arith.constant 16 : i32
          %mul3A_120 = arith.muli %scan3A_103, %mul3A_119 : i32
          %swap3A_121 = arith.index_cast %mul3A_120 : i32 to index
          %swap3A_122 = tpu.vector_load %arg8[%swap3A_121] {strides = array<i32>} : memref<128xi32, #tpu.memory_space<vmem>>, vector<16xi32>,
          %swap3A_123 = vector.shape_cast %swap3A_122 : vector<16xi32> to vector<16xi32>
          %swap3A_124 = vector.shape_cast %shift_right_arithmetic3A_118 : vector<16xi32> to vector<16xi32>
          tpu.vector_store %arg8[%swap3A_121], %swap3A_124 {strides = array<i32>} : memref<128xi32, #tpu.memory_space<vmem>>, vector<16xi32>,
        }
        %scan3A_99 = arith.constant 8 : i32
        %dma_start3A_100 = arith.constant 0 : i32
        %dma_start3A_101 = arith.constant 0 : i32
        %dma_start3A_102 = tpu.memref_slice %arg2[%dma_start3A_100, %dma_start3A_101] : memref<10000x128xf32, #tpu.memory_space<hbm>> -> memref<10000x128xf32, #tpu.memory_space<hbm>>
        tpu.enqueue_indirect_dma source(%dma_start3A_102 : memref<10000x128xf32, #tpu.memory_space<hbm>>) target(%arg11 : memref<128x128xf32, #tpu.memory_space<vmem>>) offsets(%arg7 : memref<128xi32, #tpu.memory_space<vmem>>) semaphore(%arg14 : memref<!tpu.dma_semaphore, #tpu.memory_space<semaphore_mem>>)
      } else {
      }
      %dma_wait3A_83 = arith.constant 0 : i32
      %dma_wait3A_84 = arith.constant 0 : i32
      %dma_wait3A_85 = tpu.memref_slice %arg2[%dma_wait3A_83, %dma_wait3A_84] : memref<10000x128xf32, #tpu.memory_space<hbm>> -> memref<10000x128xf32, #tpu.memory_space<hbm>>
      tpu.wait_indirect_dma semaphore(%arg15 : memref<!tpu.dma_semaphore, #tpu.memory_space<semaphore_mem>>) src(%dma_wait3A_85 : memref<10000x128xf32, #tpu.memory_space<hbm>>) dst(%arg12 : memref<128x128xf32, #tpu.memory_space<vmem>>)
      "tpu.region"() ({
        %run_scoped3A = tpu.sem_alloc : memref<!tpu.dma_semaphore, #tpu.memory_space<semaphore_mem>>
        %dma_start3A_92 = arith.constant 0 : i32
        %dma_start3A_93 = arith.constant 0 : i32
        %dma_start3A_94 = tpu.memref_slice %arg13[%dma_start3A_92, %dma_start3A_93] : memref<10000x128xf32, #tpu.memory_space<vmem_shared>> -> memref<10000x128xf32, #tpu.memory_space<vmem_shared>>
        tpu.enqueue_indirect_dma source(%arg12 : memref<128x128xf32, #tpu.memory_space<vmem>>) target(%dma_start3A_94 : memref<10000x128xf32, #tpu.memory_space<vmem_shared>>) offsets(%arg10 : memref<128xi32, #tpu.memory_space<vmem>>) semaphore(%run_scoped3A : memref<!tpu.dma_semaphore, #tpu.memory_space<semaphore_mem>>) {add = true}
        %dma_wait3A_95 = arith.constant 0 : i32
        %dma_wait3A_96 = arith.constant 0 : i32
        %dma_wait3A_97 = tpu.memref_slice %arg13[%dma_wait3A_95, %dma_wait3A_96] : memref<10000x128xf32, #tpu.memory_space<vmem_shared>> -> memref<10000x128xf32, #tpu.memory_space<vmem_shared>>
        tpu.wait_indirect_dma semaphore(%run_scoped3A : memref<!tpu.dma_semaphore, #tpu.memory_space<semaphore_mem>>) src(%arg12 : memref<128x128xf32, #tpu.memory_space<vmem>>) dst(%dma_wait3A_97 : memref<10000x128xf32, #tpu.memory_space<vmem_shared>>)
        tpu.yield
      }) : () -> ()
      %add3A_86 = arith.constant 3 : i32
      %add3A_87 = arith.addi %mul3A_74, %add3A_86 : i32
      %lt3A_88 = arith.cmpi slt, %add3A_87, %select_n3A : i32
      %convert_element_type3A_89 = arith.extui %lt3A_88 : i1 to i32
      %cond3A_90 = arith.constant 0 : i32
      %cond3A_91 = arith.cmpi ne, %convert_element_type3A_89, %cond3A_90 : i32
      scf.if %cond3A_91 {
        %add3A_92 = arith.constant 3 : i32
        %add3A_93 = arith.addi %mul3A_74, %add3A_92 : i32
        %scan3A_94 = arith.constant 0 : i32
        %scan3A_95 = arith.constant 0 : i32
        %scan3A_96 = arith.constant 8 : i32
        %scan3A_97 = arith.addi %scan3A_95, %scan3A_96 : i32
        %scan3A_98 = arith.constant 1 : i32
        scf.for %scan3A_103 = %scan3A_95 to %scan3A_97 step %scan3A_98  : i32 {
          %mul3A_104 = arith.constant 16 : i32
          %mul3A_105 = arith.muli %scan3A_103, %mul3A_104 : i32
          %get3A = arith.index_cast %add3A_93 : i32 to index
          %get3A_106 = arith.index_cast %mul3A_105 : i32 to index
          %get3A_107 = tpu.vector_load %arg6[%get3A, %get3A_106] {strides = array<i32>} : memref<80x128xi32, #tpu.memory_space<vmem>>, vector<1x16xi32>,
          %get3A_108 = vector.shape_cast %get3A_107 : vector<1x16xi32> to vector<16xi32>
          %and3A_109 = arith.constant 65535 : i32
          %and3A_110 = vector.broadcast %and3A_109 : i32 to vector<16xi32>
          %and3A_111 = arith.andi %get3A_108, %and3A_110 : vector<16xi32>
          %mul3A_112 = arith.constant 16 : i32
          %mul3A_113 = arith.muli %scan3A_103, %mul3A_112 : i32
          %swap3A = arith.index_cast %mul3A_113 : i32 to index
          %swap3A_114 = tpu.vector_load %arg9[%swap3A] {strides = array<i32>} : memref<128xi32, #tpu.memory_space<vmem>>, vector<16xi32>,
          %swap3A_115 = vector.shape_cast %swap3A_114 : vector<16xi32> to vector<16xi32>
          %swap3A_116 = vector.shape_cast %and3A_111 : vector<16xi32> to vector<16xi32>
          tpu.vector_store %arg9[%swap3A], %swap3A_116 {strides = array<i32>} : memref<128xi32, #tpu.memory_space<vmem>>, vector<16xi32>,
          %shift_right_arithmetic3A = arith.constant 16 : i32
          %shift_right_arithmetic3A_117 = vector.broadcast %shift_right_arithmetic3A : i32 to vector<16xi32>
          %shift_right_arithmetic3A_118 = arith.shrsi %get3A_108, %shift_right_arithmetic3A_117 : vector<16xi32>
          %mul3A_119 = arith.constant 16 : i32
          %mul3A_120 = arith.muli %scan3A_103, %mul3A_119 : i32
          %swap3A_121 = arith.index_cast %mul3A_120 : i32 to index
          %swap3A_122 = tpu.vector_load %arg10[%swap3A_121] {strides = array<i32>} : memref<128xi32, #tpu.memory_space<vmem>>, vector<16xi32>,
          %swap3A_123 = vector.shape_cast %swap3A_122 : vector<16xi32> to vector<16xi32>
          %swap3A_124 = vector.shape_cast %shift_right_arithmetic3A_118 : vector<16xi32> to vector<16xi32>
          tpu.vector_store %arg10[%swap3A_121], %swap3A_124 {strides = array<i32>} : memref<128xi32, #tpu.memory_space<vmem>>, vector<16xi32>,
        }
        %scan3A_99 = arith.constant 8 : i32
        %dma_start3A_100 = arith.constant 0 : i32
        %dma_start3A_101 = arith.constant 0 : i32
        %dma_start3A_102 = tpu.memref_slice %arg2[%dma_start3A_100, %dma_start3A_101] : memref<10000x128xf32, #tpu.memory_space<hbm>> -> memref<10000x128xf32, #tpu.memory_space<hbm>>
        tpu.enqueue_indirect_dma source(%dma_start3A_102 : memref<10000x128xf32, #tpu.memory_space<hbm>>) target(%arg12 : memref<128x128xf32, #tpu.memory_space<vmem>>) offsets(%arg9 : memref<128xi32, #tpu.memory_space<vmem>>) semaphore(%arg15 : memref<!tpu.dma_semaphore, #tpu.memory_space<semaphore_mem>>)
      } else {
      }
    }
    %barrier3A_62 = arith.constant 0 : index
    tpu.barrier barrier_id(%barrier3A_62)
    %mul3A_63 = arith.constant 624 : i32
    %mul3A_64 = arith.muli %arg1, %mul3A_63 : i32
    %mul3A_65 = arith.constant 624 : i32
    %mul3A_66 = arith.muli %arg1, %mul3A_65 : i32
    "tpu.region"() ({
      %run_scoped3A = tpu.sem_alloc : memref<!tpu.dma_semaphore, #tpu.memory_space<semaphore_mem>>
      %dma_start3A_72 = arith.constant 0 : i32
      %dma_start3A_73 = arith.constant 0 : i32
      %dma_start3A_74 = tpu.memref_slice %arg5[%arg0, %dma_start3A_72, %dma_start3A_73] : memref<2x10000x128xf32, #tpu.memory_space<hbm>> -> memref<1x10000x128xf32, #tpu.memory_space<hbm>>
      %dma_start3A_75 = tpu.memref_squeeze %dma_start3A_74 : memref<1x10000x128xf32, #tpu.memory_space<hbm>> -> memref<10000x128xf32, #tpu.memory_space<hbm>>
      %dma_start3A_76 = arith.constant 0 : i32
      %dma_start3A_77 = tpu.memref_slice %dma_start3A_75[%mul3A_66, %dma_start3A_76] : memref<10000x128xf32, #tpu.memory_space<hbm>> -> memref<624x128xf32, #tpu.memory_space<hbm>>
      %dma_start3A_78 = arith.constant 0 : i32
      %dma_start3A_79 = tpu.memref_slice %arg13[%mul3A_64, %dma_start3A_78] : memref<10000x128xf32, #tpu.memory_space<vmem_shared>> -> memref<624x128xf32, #tpu.memory_space<vmem_shared>>
      tpu.enqueue_dma source(%dma_start3A_79 : memref<624x128xf32, #tpu.memory_space<vmem_shared>>) target(%dma_start3A_77 : memref<624x128xf32, #tpu.memory_space<hbm>>) target_semaphore(%run_scoped3A : memref<!tpu.dma_semaphore, #tpu.memory_space<semaphore_mem>>)
      %dma_wait3A = arith.constant 0 : i32
      %dma_wait3A_80 = arith.constant 0 : i32
      %dma_wait3A_81 = tpu.memref_slice %arg5[%arg0, %dma_wait3A, %dma_wait3A_80] : memref<2x10000x128xf32, #tpu.memory_space<hbm>> -> memref<1x10000x128xf32, #tpu.memory_space<hbm>>
      %dma_wait3A_82 = tpu.memref_squeeze %dma_wait3A_81 : memref<1x10000x128xf32, #tpu.memory_space<hbm>> -> memref<10000x128xf32, #tpu.memory_space<hbm>>
      %dma_wait3A_83 = arith.constant 0 : i32
      %dma_wait3A_84 = tpu.memref_slice %dma_wait3A_82[%mul3A_66, %dma_wait3A_83] : memref<10000x128xf32, #tpu.memory_space<hbm>> -> memref<624x128xf32, #tpu.memory_space<hbm>>
      %dma_wait3A_85 = arith.constant 0 : i32
      %dma_wait3A_86 = tpu.memref_slice %arg13[%mul3A_64, %dma_wait3A_85] : memref<10000x128xf32, #tpu.memory_space<vmem_shared>> -> memref<624x128xf32, #tpu.memory_space<vmem_shared>>
      tpu.wait_dma2 semaphore(%run_scoped3A : memref<!tpu.dma_semaphore, #tpu.memory_space<semaphore_mem>>) src(%dma_wait3A_86 : memref<624x128xf32, #tpu.memory_space<vmem_shared>>) dst(%dma_wait3A_84 : memref<624x128xf32, #tpu.memory_space<hbm>>)
      tpu.yield
    }) : () -> ()
    %eq3A_67 = arith.constant 0 : i32
    %eq3A_68 = arith.cmpi eq, %arg1, %eq3A_67 : i32
    %convert_element_type3A_69 = arith.extui %eq3A_68 : i1 to i32
    %cond3A_70 = arith.constant 0 : i32
    %cond3A_71 = arith.cmpi ne, %convert_element_type3A_69, %cond3A_70 : i32
    scf.if %cond3A_71 {
      "tpu.region"() ({
        %run_scoped3A = tpu.sem_alloc : memref<!tpu.dma_semaphore, #tpu.memory_space<semaphore_mem>>
        %dma_start3A_72 = arith.constant 0 : i32
        %dma_start3A_73 = arith.constant 0 : i32
        %dma_start3A_74 = tpu.memref_slice %arg5[%arg0, %dma_start3A_72, %dma_start3A_73] : memref<2x10000x128xf32, #tpu.memory_space<hbm>> -> memref<1x10000x128xf32, #tpu.memory_space<hbm>>
        %dma_start3A_75 = tpu.memref_squeeze %dma_start3A_74 : memref<1x10000x128xf32, #tpu.memory_space<hbm>> -> memref<10000x128xf32, #tpu.memory_space<hbm>>
        %dma_start3A_76 = arith.constant 9984 : i32
        %dma_start3A_77 = arith.constant 0 : i32
        %dma_start3A_78 = tpu.memref_slice %dma_start3A_75[%dma_start3A_76, %dma_start3A_77] : memref<10000x128xf32, #tpu.memory_space<hbm>> -> memref<16x128xf32, #tpu.memory_space<hbm>>
        %dma_start3A_79 = arith.constant 9984 : i32
        %dma_start3A_80 = arith.constant 0 : i32
        %dma_start3A_81 = tpu.memref_slice %arg13[%dma_start3A_79, %dma_start3A_80] : memref<10000x128xf32, #tpu.memory_space<vmem_shared>> -> memref<16x128xf32, #tpu.memory_space<vmem_shared>>
        tpu.enqueue_dma source(%dma_start3A_81 : memref<16x128xf32, #tpu.memory_space<vmem_shared>>) target(%dma_start3A_78 : memref<16x128xf32, #tpu.memory_space<hbm>>) target_semaphore(%run_scoped3A : memref<!tpu.dma_semaphore, #tpu.memory_space<semaphore_mem>>)
        %dma_wait3A = arith.constant 0 : i32
        %dma_wait3A_82 = arith.constant 0 : i32
        %dma_wait3A_83 = tpu.memref_slice %arg5[%arg0, %dma_wait3A, %dma_wait3A_82] : memref<2x10000x128xf32, #tpu.memory_space<hbm>> -> memref<1x10000x128xf32, #tpu.memory_space<hbm>>
        %dma_wait3A_84 = tpu.memref_squeeze %dma_wait3A_83 : memref<1x10000x128xf32, #tpu.memory_space<hbm>> -> memref<10000x128xf32, #tpu.memory_space<hbm>>
        %dma_wait3A_85 = arith.constant 9984 : i32
        %dma_wait3A_86 = arith.constant 0 : i32
        %dma_wait3A_87 = tpu.memref_slice %dma_wait3A_84[%dma_wait3A_85, %dma_wait3A_86] : memref<10000x128xf32, #tpu.memory_space<hbm>> -> memref<16x128xf32, #tpu.memory_space<hbm>>
        %dma_wait3A_88 = arith.constant 9984 : i32
        %dma_wait3A_89 = arith.constant 0 : i32
        %dma_wait3A_90 = tpu.memref_slice %arg13[%dma_wait3A_88, %dma_wait3A_89] : memref<10000x128xf32, #tpu.memory_space<vmem_shared>> -> memref<16x128xf32, #tpu.memory_space<vmem_shared>>
        tpu.wait_dma2 semaphore(%run_scoped3A : memref<!tpu.dma_semaphore, #tpu.memory_space<semaphore_mem>>) src(%dma_wait3A_90 : memref<16x128xf32, #tpu.memory_space<vmem_shared>>) dst(%dma_wait3A_87 : memref<16x128xf32, #tpu.memory_space<hbm>>)
        tpu.yield
      }) : () -> ()
    } else {
    }
    return
  }
}

#map = affine_map<(d0, d1) -> (0, 0)>
#map1 = affine_map<(d0, d1) -> (0, 0, 0)>
module attributes {stable_mosaic.version = 14 : i64} {
  func.func @_sc_agg_body(%arg0: i32, %arg1: i32, %arg2: memref<10000x128xf32, #tpu.memory_space<hbm>>, %arg3: memref<2500x128xi32, #tpu.memory_space<hbm>>, %arg4: memref<10000x128xf32, #tpu.memory_space<hbm>>, %arg5: memref<2x10000x128xf32, #tpu.memory_space<hbm>>, %arg6: memref<80x128xi32, #tpu.memory_space<vmem>>, %arg7: memref<128xi32, #tpu.memory_space<vmem>>, %arg8: memref<128xi32, #tpu.memory_space<vmem>>, %arg9: memref<128xi32, #tpu.memory_space<vmem>>, %arg10: memref<128xi32, #tpu.memory_space<vmem>>, %arg11: memref<128x128xf32, #tpu.memory_space<vmem>>, %arg12: memref<128x128xf32, #tpu.memory_space<vmem>>, %arg13: memref<10000x128xf32, #tpu.memory_space<vmem_shared>>, %arg14: memref<!tpu.dma_semaphore, #tpu.memory_space<semaphore_mem>>, %arg15: memref<!tpu.dma_semaphore, #tpu.memory_space<semaphore_mem>>) attributes {dimension_semantics = [#tpu.dimension_semantics<core_parallel>, #tpu.dimension_semantics<subcore_parallel>], iteration_bounds = array<i64: 2, 16>, scalar_prefetch = 0 : i64, scratch_operands = 10 : i64, tpu.core_type = #tpu.core_type<sc_vector_subcore>, window_params = [{transform_indices = #map}, {transform_indices = #map}, {transform_indices = #map}, {transform_indices = #map1}]} {
    %mul3A = arith.constant 2 : i32
    %mul3A_0 = arith.muli %arg1, %mul3A : i32
    %add3A = arith.addi %mul3A_0, %arg0 : i32
    %eq3A = arith.constant 31 : i32
    %eq3A_1 = arith.cmpi eq, %add3A, %eq3A : i32
    %jit3A = arith.constant 20 : i32
    %jit3A_2 = arith.constant 80 : i32
    %select_n3A = arith.select %eq3A_1, %jit3A, %jit3A_2 : i32
    %lt3A = arith.constant 31 : i32
    %lt3A_3 = arith.cmpi slt, %add3A, %lt3A : i32
    %convert_element_type3A = arith.extui %lt3A_3 : i1 to i32
    %cond3A = arith.constant 0 : i32
    %cond3A_4 = arith.cmpi ne, %convert_element_type3A, %cond3A : i32
    scf.if %cond3A_4 {
      %mul3A_72 = arith.constant 80 : i32
      %mul3A_73 = arith.muli %add3A, %mul3A_72 : i32
      "tpu.region"() ({
        %run_scoped3A = tpu.sem_alloc : memref<!tpu.dma_semaphore, #tpu.memory_space<semaphore_mem>>
        %dma_start3A_74 = arith.constant 0 : i32
        %dma_start3A_75 = tpu.memref_slice %arg3[%mul3A_73, %dma_start3A_74] : memref<2500x128xi32, #tpu.memory_space<hbm>> -> memref<80x128xi32, #tpu.memory_space<hbm>>
        %dma_start3A_76 = arith.constant 0 : i32
        %dma_start3A_77 = tpu.memref_slice %arg3[%mul3A_73, %dma_start3A_76] : memref<2500x128xi32, #tpu.memory_space<hbm>> -> memref<80x128xi32, #tpu.memory_space<hbm>>
        tpu.enqueue_dma source(%dma_start3A_77 : memref<80x128xi32, #tpu.memory_space<hbm>>) target(%arg6 : memref<80x128xi32, #tpu.memory_space<vmem>>) target_semaphore(%run_scoped3A : memref<!tpu.dma_semaphore, #tpu.memory_space<semaphore_mem>>)
        %dma_wait3A = arith.constant 0 : i32
        %dma_wait3A_78 = tpu.memref_slice %arg3[%mul3A_73, %dma_wait3A] : memref<2500x128xi32, #tpu.memory_space<hbm>> -> memref<80x128xi32, #tpu.memory_space<hbm>>
        %dma_wait3A_79 = arith.constant 0 : i32
        %dma_wait3A_80 = tpu.memref_slice %arg3[%mul3A_73, %dma_wait3A_79] : memref<2500x128xi32, #tpu.memory_space<hbm>> -> memref<80x128xi32, #tpu.memory_space<hbm>>
        tpu.wait_dma2 semaphore(%run_scoped3A : memref<!tpu.dma_semaphore, #tpu.memory_space<semaphore_mem>>) src(%dma_wait3A_80 : memref<80x128xi32, #tpu.memory_space<hbm>>) dst(%arg6 : memref<80x128xi32, #tpu.memory_space<vmem>>)
        tpu.yield
      }) : () -> ()
    } else {
    }
    %eq3A_5 = arith.constant 31 : i32
    %eq3A_6 = arith.cmpi eq, %add3A, %eq3A_5 : i32
    %convert_element_type3A_7 = arith.extui %eq3A_6 : i1 to i32
    %cond3A_8 = arith.constant 0 : i32
    %cond3A_9 = arith.cmpi ne, %convert_element_type3A_7, %cond3A_8 : i32
    scf.if %cond3A_9 {
      "tpu.region"() ({
        %run_scoped3A = tpu.sem_alloc : memref<!tpu.dma_semaphore, #tpu.memory_space<semaphore_mem>>
        %dma_start3A_72 = arith.constant 0 : i32
        %dma_start3A_73 = arith.constant 0 : i32
        %dma_start3A_74 = tpu.memref_slice %arg6[%dma_start3A_72, %dma_start3A_73] : memref<80x128xi32, #tpu.memory_space<vmem>> -> memref<20x128xi32, #tpu.memory_space<vmem>>
        %dma_start3A_75 = arith.constant 2480 : i32
        %dma_start3A_76 = arith.constant 0 : i32
        %dma_start3A_77 = tpu.memref_slice %arg3[%dma_start3A_75, %dma_start3A_76] : memref<2500x128xi32, #tpu.memory_space<hbm>> -> memref<20x128xi32, #tpu.memory_space<hbm>>
        %dma_start3A_78 = arith.constant 0 : i32
        %dma_start3A_79 = arith.constant 0 : i32
        %dma_start3A_80 = tpu.memref_slice %arg6[%dma_start3A_78, %dma_start3A_79] : memref<80x128xi32, #tpu.memory_space<vmem>> -> memref<20x128xi32, #tpu.memory_space<vmem>>
        %dma_start3A_81 = arith.constant 2480 : i32
        %dma_start3A_82 = arith.constant 0 : i32
        %dma_start3A_83 = tpu.memref_slice %arg3[%dma_start3A_81, %dma_start3A_82] : memref<2500x128xi32, #tpu.memory_space<hbm>> -> memref<20x128xi32, #tpu.memory_space<hbm>>
        tpu.enqueue_dma source(%dma_start3A_83 : memref<20x128xi32, #tpu.memory_space<hbm>>) target(%dma_start3A_80 : memref<20x128xi32, #tpu.memory_space<vmem>>) target_semaphore(%run_scoped3A : memref<!tpu.dma_semaphore, #tpu.memory_space<semaphore_mem>>)
        %dma_wait3A = arith.constant 0 : i32
        %dma_wait3A_84 = arith.constant 0 : i32
        %dma_wait3A_85 = tpu.memref_slice %arg6[%dma_wait3A, %dma_wait3A_84] : memref<80x128xi32, #tpu.memory_space<vmem>> -> memref<20x128xi32, #tpu.memory_space<vmem>>
        %dma_wait3A_86 = arith.constant 2480 : i32
        %dma_wait3A_87 = arith.constant 0 : i32
        %dma_wait3A_88 = tpu.memref_slice %arg3[%dma_wait3A_86, %dma_wait3A_87] : memref<2500x128xi32, #tpu.memory_space<hbm>> -> memref<20x128xi32, #tpu.memory_space<hbm>>
        %dma_wait3A_89 = arith.constant 0 : i32
        %dma_wait3A_90 = arith.constant 0 : i32
        %dma_wait3A_91 = tpu.memref_slice %arg6[%dma_wait3A_89, %dma_wait3A_90] : memref<80x128xi32, #tpu.memory_space<vmem>> -> memref<20x128xi32, #tpu.memory_space<vmem>>
        %dma_wait3A_92 = arith.constant 2480 : i32
        %dma_wait3A_93 = arith.constant 0 : i32
        %dma_wait3A_94 = tpu.memref_slice %arg3[%dma_wait3A_92, %dma_wait3A_93] : memref<2500x128xi32, #tpu.memory_space<hbm>> -> memref<20x128xi32, #tpu.memory_space<hbm>>
        tpu.wait_dma2 semaphore(%run_scoped3A : memref<!tpu.dma_semaphore, #tpu.memory_space<semaphore_mem>>) src(%dma_wait3A_94 : memref<20x128xi32, #tpu.memory_space<hbm>>) dst(%dma_wait3A_91 : memref<20x128xi32, #tpu.memory_space<vmem>>)
        tpu.yield
      }) : () -> ()
    } else {
    }
    %mul3A_10 = arith.constant 624 : i32
    %mul3A_11 = arith.muli %arg1, %mul3A_10 : i32
    %mul3A_12 = arith.constant 624 : i32
    %mul3A_13 = arith.muli %arg1, %mul3A_12 : i32
    "tpu.region"() ({
      %run_scoped3A = tpu.sem_alloc : memref<!tpu.dma_semaphore, #tpu.memory_space<semaphore_mem>>
      %dma_start3A_72 = arith.constant 0 : i32
      %dma_start3A_73 = tpu.memref_slice %arg13[%mul3A_13, %dma_start3A_72] : memref<10000x128xf32, #tpu.memory_space<vmem_shared>> -> memref<624x128xf32, #tpu.memory_space<vmem_shared>>
      %dma_start3A_74 = arith.constant 0 : i32
      %dma_start3A_75 = tpu.memref_slice %arg4[%mul3A_11, %dma_start3A_74] : memref<10000x128xf32, #tpu.memory_space<hbm>> -> memref<624x128xf32, #tpu.memory_space<hbm>>
      tpu.enqueue_dma source(%dma_start3A_75 : memref<624x128xf32, #tpu.memory_space<hbm>>) target(%dma_start3A_73 : memref<624x128xf32, #tpu.memory_space<vmem_shared>>) target_semaphore(%run_scoped3A : memref<!tpu.dma_semaphore, #tpu.memory_space<semaphore_mem>>)
      %dma_wait3A = arith.constant 0 : i32
      %dma_wait3A_76 = tpu.memref_slice %arg13[%mul3A_13, %dma_wait3A] : memref<10000x128xf32, #tpu.memory_space<vmem_shared>> -> memref<624x128xf32, #tpu.memory_space<vmem_shared>>
      %dma_wait3A_77 = arith.constant 0 : i32
      %dma_wait3A_78 = tpu.memref_slice %arg4[%mul3A_11, %dma_wait3A_77] : memref<10000x128xf32, #tpu.memory_space<hbm>> -> memref<624x128xf32, #tpu.memory_space<hbm>>
      tpu.wait_dma2 semaphore(%run_scoped3A : memref<!tpu.dma_semaphore, #tpu.memory_space<semaphore_mem>>) src(%dma_wait3A_78 : memref<624x128xf32, #tpu.memory_space<hbm>>) dst(%dma_wait3A_76 : memref<624x128xf32, #tpu.memory_space<vmem_shared>>)
      tpu.yield
    }) : () -> ()
    %eq3A_14 = arith.constant 0 : i32
    %eq3A_15 = arith.cmpi eq, %arg1, %eq3A_14 : i32
    %convert_element_type3A_16 = arith.extui %eq3A_15 : i1 to i32
    %cond3A_17 = arith.constant 0 : i32
    %cond3A_18 = arith.cmpi ne, %convert_element_type3A_16, %cond3A_17 : i32
    scf.if %cond3A_18 {
      "tpu.region"() ({
        %run_scoped3A = tpu.sem_alloc : memref<!tpu.dma_semaphore, #tpu.memory_space<semaphore_mem>>
        %dma_start3A_72 = arith.constant 9984 : i32
        %dma_start3A_73 = arith.constant 0 : i32
        %dma_start3A_74 = tpu.memref_slice %arg13[%dma_start3A_72, %dma_start3A_73] : memref<10000x128xf32, #tpu.memory_space<vmem_shared>> -> memref<16x128xf32, #tpu.memory_space<vmem_shared>>
        %dma_start3A_75 = arith.constant 9984 : i32
        %dma_start3A_76 = arith.constant 0 : i32
        %dma_start3A_77 = tpu.memref_slice %arg4[%dma_start3A_75, %dma_start3A_76] : memref<10000x128xf32, #tpu.memory_space<hbm>> -> memref<16x128xf32, #tpu.memory_space<hbm>>
        tpu.enqueue_dma source(%dma_start3A_77 : memref<16x128xf32, #tpu.memory_space<hbm>>) target(%dma_start3A_74 : memref<16x128xf32, #tpu.memory_space<vmem_shared>>) target_semaphore(%run_scoped3A : memref<!tpu.dma_semaphore, #tpu.memory_space<semaphore_mem>>)
        %dma_wait3A = arith.constant 9984 : i32
        %dma_wait3A_78 = arith.constant 0 : i32
        %dma_wait3A_79 = tpu.memref_slice %arg13[%dma_wait3A, %dma_wait3A_78] : memref<10000x128xf32, #tpu.memory_space<vmem_shared>> -> memref<16x128xf32, #tpu.memory_space<vmem_shared>>
        %dma_wait3A_80 = arith.constant 9984 : i32
        %dma_wait3A_81 = arith.constant 0 : i32
        %dma_wait3A_82 = tpu.memref_slice %arg4[%dma_wait3A_80, %dma_wait3A_81] : memref<10000x128xf32, #tpu.memory_space<hbm>> -> memref<16x128xf32, #tpu.memory_space<hbm>>
        tpu.wait_dma2 semaphore(%run_scoped3A : memref<!tpu.dma_semaphore, #tpu.memory_space<semaphore_mem>>) src(%dma_wait3A_82 : memref<16x128xf32, #tpu.memory_space<hbm>>) dst(%dma_wait3A_79 : memref<16x128xf32, #tpu.memory_space<vmem_shared>>)
        tpu.yield
      }) : () -> ()
    } else {
    }
    %barrier3A = arith.constant 0 : index
    tpu.barrier barrier_id(%barrier3A)
    %scan3A = arith.constant 0 : i32
    %scan3A_19 = arith.constant 0 : i32
    %scan3A_20 = arith.constant 8 : i32
    %scan3A_21 = arith.addi %scan3A_19, %scan3A_20 : i32
    %scan3A_22 = arith.constant 1 : i32
    scf.for %scan3A_72 = %scan3A_19 to %scan3A_21 step %scan3A_22  : i32 {
      %mul3A_73 = arith.constant 16 : i32
      %mul3A_74 = arith.muli %scan3A_72, %mul3A_73 : i32
      %get3A = arith.constant 0 : i32
      %get3A_75 = arith.index_cast %get3A : i32 to index
      %get3A_76 = arith.index_cast %mul3A_74 : i32 to index
      %get3A_77 = tpu.vector_load %arg6[%get3A_75, %get3A_76] {strides = array<i32>} : memref<80x128xi32, #tpu.memory_space<vmem>>, vector<1x16xi32>,
      %get3A_78 = vector.shape_cast %get3A_77 : vector<1x16xi32> to vector<16xi32>
      %and3A_79 = arith.constant 65535 : i32
      %and3A_80 = vector.broadcast %and3A_79 : i32 to vector<16xi32>
      %and3A_81 = arith.andi %get3A_78, %and3A_80 : vector<16xi32>
      %mul3A_82 = arith.constant 16 : i32
      %mul3A_83 = arith.muli %scan3A_72, %mul3A_82 : i32
      %swap3A = arith.index_cast %mul3A_83 : i32 to index
      %swap3A_84 = tpu.vector_load %arg7[%swap3A] {strides = array<i32>} : memref<128xi32, #tpu.memory_space<vmem>>, vector<16xi32>,
      %swap3A_85 = vector.shape_cast %swap3A_84 : vector<16xi32> to vector<16xi32>
      %swap3A_86 = vector.shape_cast %and3A_81 : vector<16xi32> to vector<16xi32>
      tpu.vector_store %arg7[%swap3A], %swap3A_86 {strides = array<i32>} : memref<128xi32, #tpu.memory_space<vmem>>, vector<16xi32>,
      %shift_right_arithmetic3A = arith.constant 16 : i32
      %shift_right_arithmetic3A_87 = vector.broadcast %shift_right_arithmetic3A : i32 to vector<16xi32>
      %shift_right_arithmetic3A_88 = arith.shrsi %get3A_78, %shift_right_arithmetic3A_87 : vector<16xi32>
      %mul3A_89 = arith.constant 16 : i32
      %mul3A_90 = arith.muli %scan3A_72, %mul3A_89 : i32
      %swap3A_91 = arith.index_cast %mul3A_90 : i32 to index
      %swap3A_92 = tpu.vector_load %arg8[%swap3A_91] {strides = array<i32>} : memref<128xi32, #tpu.memory_space<vmem>>, vector<16xi32>,
      %swap3A_93 = vector.shape_cast %swap3A_92 : vector<16xi32> to vector<16xi32>
      %swap3A_94 = vector.shape_cast %shift_right_arithmetic3A_88 : vector<16xi32> to vector<16xi32>
      tpu.vector_store %arg8[%swap3A_91], %swap3A_94 {strides = array<i32>} : memref<128xi32, #tpu.memory_space<vmem>>, vector<16xi32>,
    }
    %scan3A_23 = arith.constant 8 : i32
    %dma_start3A = arith.constant 0 : i32
    %dma_start3A_24 = arith.constant 0 : i32
    %dma_start3A_25 = tpu.memref_slice %arg2[%dma_start3A, %dma_start3A_24] : memref<10000x128xf32, #tpu.memory_space<hbm>> -> memref<10000x128xf32, #tpu.memory_space<hbm>>
    tpu.enqueue_indirect_dma source(%dma_start3A_25 : memref<10000x128xf32, #tpu.memory_space<hbm>>) target(%arg11 : memref<128x128xf32, #tpu.memory_space<vmem>>) offsets(%arg7 : memref<128xi32, #tpu.memory_space<vmem>>) semaphore(%arg14 : memref<!tpu.dma_semaphore, #tpu.memory_space<semaphore_mem>>)
    %scan3A_26 = arith.constant 0 : i32
    %scan3A_27 = arith.constant 0 : i32
    %scan3A_28 = arith.constant 8 : i32
    %scan3A_29 = arith.addi %scan3A_27, %scan3A_28 : i32
    %scan3A_30 = arith.constant 1 : i32
    scf.for %scan3A_72 = %scan3A_27 to %scan3A_29 step %scan3A_30  : i32 {
      %mul3A_73 = arith.constant 16 : i32
      %mul3A_74 = arith.muli %scan3A_72, %mul3A_73 : i32
      %get3A = arith.constant 1 : i32
      %get3A_75 = arith.index_cast %get3A : i32 to index
      %get3A_76 = arith.index_cast %mul3A_74 : i32 to index
      %get3A_77 = tpu.vector_load %arg6[%get3A_75, %get3A_76] {strides = array<i32>} : memref<80x128xi32, #tpu.memory_space<vmem>>, vector<1x16xi32>,
      %get3A_78 = vector.shape_cast %get3A_77 : vector<1x16xi32> to vector<16xi32>
      %and3A_79 = arith.constant 65535 : i32
      %and3A_80 = vector.broadcast %and3A_79 : i32 to vector<16xi32>
      %and3A_81 = arith.andi %get3A_78, %and3A_80 : vector<16xi32>
      %mul3A_82 = arith.constant 16 : i32
      %mul3A_83 = arith.muli %scan3A_72, %mul3A_82 : i32
      %swap3A = arith.index_cast %mul3A_83 : i32 to index
      %swap3A_84 = tpu.vector_load %arg9[%swap3A] {strides = array<i32>} : memref<128xi32, #tpu.memory_space<vmem>>, vector<16xi32>,
      %swap3A_85 = vector.shape_cast %swap3A_84 : vector<16xi32> to vector<16xi32>
      %swap3A_86 = vector.shape_cast %and3A_81 : vector<16xi32> to vector<16xi32>
      tpu.vector_store %arg9[%swap3A], %swap3A_86 {strides = array<i32>} : memref<128xi32, #tpu.memory_space<vmem>>, vector<16xi32>,
      %shift_right_arithmetic3A = arith.constant 16 : i32
      %shift_right_arithmetic3A_87 = vector.broadcast %shift_right_arithmetic3A : i32 to vector<16xi32>
      %shift_right_arithmetic3A_88 = arith.shrsi %get3A_78, %shift_right_arithmetic3A_87 : vector<16xi32>
      %mul3A_89 = arith.constant 16 : i32
      %mul3A_90 = arith.muli %scan3A_72, %mul3A_89 : i32
      %swap3A_91 = arith.index_cast %mul3A_90 : i32 to index
      %swap3A_92 = tpu.vector_load %arg10[%swap3A_91] {strides = array<i32>} : memref<128xi32, #tpu.memory_space<vmem>>, vector<16xi32>,
      %swap3A_93 = vector.shape_cast %swap3A_92 : vector<16xi32> to vector<16xi32>
      %swap3A_94 = vector.shape_cast %shift_right_arithmetic3A_88 : vector<16xi32> to vector<16xi32>
      tpu.vector_store %arg10[%swap3A_91], %swap3A_94 {strides = array<i32>} : memref<128xi32, #tpu.memory_space<vmem>>, vector<16xi32>,
    }
    %scan3A_31 = arith.constant 8 : i32
    %dma_start3A_32 = arith.constant 0 : i32
    %dma_start3A_33 = arith.constant 0 : i32
    %dma_start3A_34 = tpu.memref_slice %arg2[%dma_start3A_32, %dma_start3A_33] : memref<10000x128xf32, #tpu.memory_space<hbm>> -> memref<10000x128xf32, #tpu.memory_space<hbm>>
    tpu.enqueue_indirect_dma source(%dma_start3A_34 : memref<10000x128xf32, #tpu.memory_space<hbm>>) target(%arg12 : memref<128x128xf32, #tpu.memory_space<vmem>>) offsets(%arg9 : memref<128xi32, #tpu.memory_space<vmem>>) semaphore(%arg15 : memref<!tpu.dma_semaphore, #tpu.memory_space<semaphore_mem>>)
    %jit3A_35 = arith.constant 2 : i32
    %div3A = arith.divsi %select_n3A, %jit3A_35 : i32
    %sign3A = arith.constant 0 : i32
    %sign3A_36 = arith.cmpi sgt, %select_n3A, %sign3A : i32
    %sign3A_37 = arith.extui %sign3A_36 : i1 to i32
    %sign3A_38 = arith.constant 0 : i32
    %sign3A_39 = arith.cmpi slt, %select_n3A, %sign3A_38 : i32
    %sign3A_40 = arith.extui %sign3A_39 : i1 to i32
    %sign3A_41 = arith.subi %sign3A_37, %sign3A_40 : i32
    %sign3A_42 = arith.constant 0 : i32
    %sign3A_43 = arith.cmpi sgt, %jit3A_35, %sign3A_42 : i32
    %sign3A_44 = arith.extui %sign3A_43 : i1 to i32
    %sign3A_45 = arith.constant 0 : i32
    %sign3A_46 = arith.cmpi slt, %jit3A_35, %sign3A_45 : i32
    %sign3A_47 = arith.extui %sign3A_46 : i1 to i32
    %sign3A_48 = arith.subi %sign3A_44, %sign3A_47 : i32
    %ne3A = arith.cmpi ne, %sign3A_41, %sign3A_48 : i32
    %rem3A = arith.remsi %select_n3A, %jit3A_35 : i32
    %ne3A_49 = arith.constant 0 : i32
    %ne3A_50 = arith.cmpi ne, %rem3A, %ne3A_49 : i32
    %and3A = arith.andi %ne3A, %ne3A_50 : i1
    %sub3A = arith.constant 1 : i32
    %sub3A_51 = arith.subi %div3A, %sub3A : i32
    %select_n3A_52 = arith.select %and3A, %sub3A_51, %div3A : i32
    %while3A = arith.constant 0 : i32
    %while3A_53 = arith.constant 0 : i32
    %while3A_54 = arith.subi %select_n3A_52, %while3A_53 : i32
    %while3A_55 = arith.addi %while3A_53, %while3A_54 : i32
    %while3A_56 = arith.constant 1 : i32
    %while3A_57 = arith.divsi %while3A_54, %while3A_56 : i32
    %while3A_58 = arith.muli %while3A_57, %while3A_56 : i32
    %while3A_59 = arith.addi %while3A_53, %while3A_58 : i32
    %while3A_60 = arith.constant 1 : i32
    scf.for %while3A_72 = %while3A_53 to %while3A_59 step %while3A_60  : i32 {
      %mul3A_73 = arith.constant 2 : i32
      %mul3A_74 = arith.muli %mul3A_73, %while3A_72 : i32
      %dma_wait3A = arith.constant 0 : i32
      %dma_wait3A_75 = arith.constant 0 : i32
      %dma_wait3A_76 = tpu.memref_slice %arg2[%dma_wait3A, %dma_wait3A_75] : memref<10000x128xf32, #tpu.memory_space<hbm>> -> memref<10000x128xf32, #tpu.memory_space<hbm>>
      tpu.wait_indirect_dma semaphore(%arg14 : memref<!tpu.dma_semaphore, #tpu.memory_space<semaphore_mem>>) src(%dma_wait3A_76 : memref<10000x128xf32, #tpu.memory_space<hbm>>) dst(%arg11 : memref<128x128xf32, #tpu.memory_space<vmem>>)
      "tpu.region"() ({
        %run_scoped3A = tpu.sem_alloc : memref<!tpu.dma_semaphore, #tpu.memory_space<semaphore_mem>>
        %dma_start3A_92 = arith.constant 0 : i32
        %dma_start3A_93 = arith.constant 0 : i32
        %dma_start3A_94 = tpu.memref_slice %arg13[%dma_start3A_92, %dma_start3A_93] : memref<10000x128xf32, #tpu.memory_space<vmem_shared>> -> memref<10000x128xf32, #tpu.memory_space<vmem_shared>>
        tpu.enqueue_indirect_dma source(%arg11 : memref<128x128xf32, #tpu.memory_space<vmem>>) target(%dma_start3A_94 : memref<10000x128xf32, #tpu.memory_space<vmem_shared>>) offsets(%arg8 : memref<128xi32, #tpu.memory_space<vmem>>) semaphore(%run_scoped3A : memref<!tpu.dma_semaphore, #tpu.memory_space<semaphore_mem>>) {add = true}
        %dma_wait3A_95 = arith.constant 0 : i32
        %dma_wait3A_96 = arith.constant 0 : i32
        %dma_wait3A_97 = tpu.memref_slice %arg13[%dma_wait3A_95, %dma_wait3A_96] : memref<10000x128xf32, #tpu.memory_space<vmem_shared>> -> memref<10000x128xf32, #tpu.memory_space<vmem_shared>>
        tpu.wait_indirect_dma semaphore(%run_scoped3A : memref<!tpu.dma_semaphore, #tpu.memory_space<semaphore_mem>>) src(%arg11 : memref<128x128xf32, #tpu.memory_space<vmem>>) dst(%dma_wait3A_97 : memref<10000x128xf32, #tpu.memory_space<vmem_shared>>)
        tpu.yield
      }) : () -> ()
      %add3A_77 = arith.constant 2 : i32
      %add3A_78 = arith.addi %mul3A_74, %add3A_77 : i32
      %lt3A_79 = arith.cmpi slt, %add3A_78, %select_n3A : i32
      %convert_element_type3A_80 = arith.extui %lt3A_79 : i1 to i32
      %cond3A_81 = arith.constant 0 : i32
      %cond3A_82 = arith.cmpi ne, %convert_element_type3A_80, %cond3A_81 : i32
      scf.if %cond3A_82 {
        %add3A_92 = arith.constant 2 : i32
        %add3A_93 = arith.addi %mul3A_74, %add3A_92 : i32
        %scan3A_94 = arith.constant 0 : i32
        %scan3A_95 = arith.constant 0 : i32
        %scan3A_96 = arith.constant 8 : i32
        %scan3A_97 = arith.addi %scan3A_95, %scan3A_96 : i32
        %scan3A_98 = arith.constant 1 : i32
        scf.for %scan3A_103 = %scan3A_95 to %scan3A_97 step %scan3A_98  : i32 {
          %mul3A_104 = arith.constant 16 : i32
          %mul3A_105 = arith.muli %scan3A_103, %mul3A_104 : i32
          %get3A = arith.index_cast %add3A_93 : i32 to index
          %get3A_106 = arith.index_cast %mul3A_105 : i32 to index
          %get3A_107 = tpu.vector_load %arg6[%get3A, %get3A_106] {strides = array<i32>} : memref<80x128xi32, #tpu.memory_space<vmem>>, vector<1x16xi32>,
          %get3A_108 = vector.shape_cast %get3A_107 : vector<1x16xi32> to vector<16xi32>
          %and3A_109 = arith.constant 65535 : i32
          %and3A_110 = vector.broadcast %and3A_109 : i32 to vector<16xi32>
          %and3A_111 = arith.andi %get3A_108, %and3A_110 : vector<16xi32>
          %mul3A_112 = arith.constant 16 : i32
          %mul3A_113 = arith.muli %scan3A_103, %mul3A_112 : i32
          %swap3A = arith.index_cast %mul3A_113 : i32 to index
          %swap3A_114 = tpu.vector_load %arg7[%swap3A] {strides = array<i32>} : memref<128xi32, #tpu.memory_space<vmem>>, vector<16xi32>,
          %swap3A_115 = vector.shape_cast %swap3A_114 : vector<16xi32> to vector<16xi32>
          %swap3A_116 = vector.shape_cast %and3A_111 : vector<16xi32> to vector<16xi32>
          tpu.vector_store %arg7[%swap3A], %swap3A_116 {strides = array<i32>} : memref<128xi32, #tpu.memory_space<vmem>>, vector<16xi32>,
          %shift_right_arithmetic3A = arith.constant 16 : i32
          %shift_right_arithmetic3A_117 = vector.broadcast %shift_right_arithmetic3A : i32 to vector<16xi32>
          %shift_right_arithmetic3A_118 = arith.shrsi %get3A_108, %shift_right_arithmetic3A_117 : vector<16xi32>
          %mul3A_119 = arith.constant 16 : i32
          %mul3A_120 = arith.muli %scan3A_103, %mul3A_119 : i32
          %swap3A_121 = arith.index_cast %mul3A_120 : i32 to index
          %swap3A_122 = tpu.vector_load %arg8[%swap3A_121] {strides = array<i32>} : memref<128xi32, #tpu.memory_space<vmem>>, vector<16xi32>,
          %swap3A_123 = vector.shape_cast %swap3A_122 : vector<16xi32> to vector<16xi32>
          %swap3A_124 = vector.shape_cast %shift_right_arithmetic3A_118 : vector<16xi32> to vector<16xi32>
          tpu.vector_store %arg8[%swap3A_121], %swap3A_124 {strides = array<i32>} : memref<128xi32, #tpu.memory_space<vmem>>, vector<16xi32>,
        }
        %scan3A_99 = arith.constant 8 : i32
        %dma_start3A_100 = arith.constant 0 : i32
        %dma_start3A_101 = arith.constant 0 : i32
        %dma_start3A_102 = tpu.memref_slice %arg2[%dma_start3A_100, %dma_start3A_101] : memref<10000x128xf32, #tpu.memory_space<hbm>> -> memref<10000x128xf32, #tpu.memory_space<hbm>>
        tpu.enqueue_indirect_dma source(%dma_start3A_102 : memref<10000x128xf32, #tpu.memory_space<hbm>>) target(%arg11 : memref<128x128xf32, #tpu.memory_space<vmem>>) offsets(%arg7 : memref<128xi32, #tpu.memory_space<vmem>>) semaphore(%arg14 : memref<!tpu.dma_semaphore, #tpu.memory_space<semaphore_mem>>)
      } else {
      }
      %dma_wait3A_83 = arith.constant 0 : i32
      %dma_wait3A_84 = arith.constant 0 : i32
      %dma_wait3A_85 = tpu.memref_slice %arg2[%dma_wait3A_83, %dma_wait3A_84] : memref<10000x128xf32, #tpu.memory_space<hbm>> -> memref<10000x128xf32, #tpu.memory_space<hbm>>
      tpu.wait_indirect_dma semaphore(%arg15 : memref<!tpu.dma_semaphore, #tpu.memory_space<semaphore_mem>>) src(%dma_wait3A_85 : memref<10000x128xf32, #tpu.memory_space<hbm>>) dst(%arg12 : memref<128x128xf32, #tpu.memory_space<vmem>>)
      "tpu.region"() ({
        %run_scoped3A = tpu.sem_alloc : memref<!tpu.dma_semaphore, #tpu.memory_space<semaphore_mem>>
        %dma_start3A_92 = arith.constant 0 : i32
        %dma_start3A_93 = arith.constant 0 : i32
        %dma_start3A_94 = tpu.memref_slice %arg13[%dma_start3A_92, %dma_start3A_93] : memref<10000x128xf32, #tpu.memory_space<vmem_shared>> -> memref<10000x128xf32, #tpu.memory_space<vmem_shared>>
        tpu.enqueue_indirect_dma source(%arg12 : memref<128x128xf32, #tpu.memory_space<vmem>>) target(%dma_start3A_94 : memref<10000x128xf32, #tpu.memory_space<vmem_shared>>) offsets(%arg10 : memref<128xi32, #tpu.memory_space<vmem>>) semaphore(%run_scoped3A : memref<!tpu.dma_semaphore, #tpu.memory_space<semaphore_mem>>) {add = true}
        %dma_wait3A_95 = arith.constant 0 : i32
        %dma_wait3A_96 = arith.constant 0 : i32
        %dma_wait3A_97 = tpu.memref_slice %arg13[%dma_wait3A_95, %dma_wait3A_96] : memref<10000x128xf32, #tpu.memory_space<vmem_shared>> -> memref<10000x128xf32, #tpu.memory_space<vmem_shared>>
        tpu.wait_indirect_dma semaphore(%run_scoped3A : memref<!tpu.dma_semaphore, #tpu.memory_space<semaphore_mem>>) src(%arg12 : memref<128x128xf32, #tpu.memory_space<vmem>>) dst(%dma_wait3A_97 : memref<10000x128xf32, #tpu.memory_space<vmem_shared>>)
        tpu.yield
      }) : () -> ()
      %add3A_86 = arith.constant 3 : i32
      %add3A_87 = arith.addi %mul3A_74, %add3A_86 : i32
      %lt3A_88 = arith.cmpi slt, %add3A_87, %select_n3A : i32
      %convert_element_type3A_89 = arith.extui %lt3A_88 : i1 to i32
      %cond3A_90 = arith.constant 0 : i32
      %cond3A_91 = arith.cmpi ne, %convert_element_type3A_89, %cond3A_90 : i32
      scf.if %cond3A_91 {
        %add3A_92 = arith.constant 3 : i32
        %add3A_93 = arith.addi %mul3A_74, %add3A_92 : i32
        %scan3A_94 = arith.constant 0 : i32
        %scan3A_95 = arith.constant 0 : i32
        %scan3A_96 = arith.constant 8 : i32
        %scan3A_97 = arith.addi %scan3A_95, %scan3A_96 : i32
        %scan3A_98 = arith.constant 1 : i32
        scf.for %scan3A_103 = %scan3A_95 to %scan3A_97 step %scan3A_98  : i32 {
          %mul3A_104 = arith.constant 16 : i32
          %mul3A_105 = arith.muli %scan3A_103, %mul3A_104 : i32
          %get3A = arith.index_cast %add3A_93 : i32 to index
          %get3A_106 = arith.index_cast %mul3A_105 : i32 to index
          %get3A_107 = tpu.vector_load %arg6[%get3A, %get3A_106] {strides = array<i32>} : memref<80x128xi32, #tpu.memory_space<vmem>>, vector<1x16xi32>,
          %get3A_108 = vector.shape_cast %get3A_107 : vector<1x16xi32> to vector<16xi32>
          %and3A_109 = arith.constant 65535 : i32
          %and3A_110 = vector.broadcast %and3A_109 : i32 to vector<16xi32>
          %and3A_111 = arith.andi %get3A_108, %and3A_110 : vector<16xi32>
          %mul3A_112 = arith.constant 16 : i32
          %mul3A_113 = arith.muli %scan3A_103, %mul3A_112 : i32
          %swap3A = arith.index_cast %mul3A_113 : i32 to index
          %swap3A_114 = tpu.vector_load %arg9[%swap3A] {strides = array<i32>} : memref<128xi32, #tpu.memory_space<vmem>>, vector<16xi32>,
          %swap3A_115 = vector.shape_cast %swap3A_114 : vector<16xi32> to vector<16xi32>
          %swap3A_116 = vector.shape_cast %and3A_111 : vector<16xi32> to vector<16xi32>
          tpu.vector_store %arg9[%swap3A], %swap3A_116 {strides = array<i32>} : memref<128xi32, #tpu.memory_space<vmem>>, vector<16xi32>,
          %shift_right_arithmetic3A = arith.constant 16 : i32
          %shift_right_arithmetic3A_117 = vector.broadcast %shift_right_arithmetic3A : i32 to vector<16xi32>
          %shift_right_arithmetic3A_118 = arith.shrsi %get3A_108, %shift_right_arithmetic3A_117 : vector<16xi32>
          %mul3A_119 = arith.constant 16 : i32
          %mul3A_120 = arith.muli %scan3A_103, %mul3A_119 : i32
          %swap3A_121 = arith.index_cast %mul3A_120 : i32 to index
          %swap3A_122 = tpu.vector_load %arg10[%swap3A_121] {strides = array<i32>} : memref<128xi32, #tpu.memory_space<vmem>>, vector<16xi32>,
          %swap3A_123 = vector.shape_cast %swap3A_122 : vector<16xi32> to vector<16xi32>
          %swap3A_124 = vector.shape_cast %shift_right_arithmetic3A_118 : vector<16xi32> to vector<16xi32>
          tpu.vector_store %arg10[%swap3A_121], %swap3A_124 {strides = array<i32>} : memref<128xi32, #tpu.memory_space<vmem>>, vector<16xi32>,
        }
        %scan3A_99 = arith.constant 8 : i32
        %dma_start3A_100 = arith.constant 0 : i32
        %dma_start3A_101 = arith.constant 0 : i32
        %dma_start3A_102 = tpu.memref_slice %arg2[%dma_start3A_100, %dma_start3A_101] : memref<10000x128xf32, #tpu.memory_space<hbm>> -> memref<10000x128xf32, #tpu.memory_space<hbm>>
        tpu.enqueue_indirect_dma source(%dma_start3A_102 : memref<10000x128xf32, #tpu.memory_space<hbm>>) target(%arg12 : memref<128x128xf32, #tpu.memory_space<vmem>>) offsets(%arg9 : memref<128xi32, #tpu.memory_space<vmem>>) semaphore(%arg15 : memref<!tpu.dma_semaphore, #tpu.memory_space<semaphore_mem>>)
      } else {
      }
    }
    %while3A_61 = arith.constant 1 : i32
    scf.for %while3A_72 = %while3A_59 to %while3A_55 step %while3A_61  : i32 {
      %mul3A_73 = arith.constant 2 : i32
      %mul3A_74 = arith.muli %mul3A_73, %while3A_72 : i32
      %dma_wait3A = arith.constant 0 : i32
      %dma_wait3A_75 = arith.constant 0 : i32
      %dma_wait3A_76 = tpu.memref_slice %arg2[%dma_wait3A, %dma_wait3A_75] : memref<10000x128xf32, #tpu.memory_space<hbm>> -> memref<10000x128xf32, #tpu.memory_space<hbm>>
      tpu.wait_indirect_dma semaphore(%arg14 : memref<!tpu.dma_semaphore, #tpu.memory_space<semaphore_mem>>) src(%dma_wait3A_76 : memref<10000x128xf32, #tpu.memory_space<hbm>>) dst(%arg11 : memref<128x128xf32, #tpu.memory_space<vmem>>)
      "tpu.region"() ({
        %run_scoped3A = tpu.sem_alloc : memref<!tpu.dma_semaphore, #tpu.memory_space<semaphore_mem>>
        %dma_start3A_92 = arith.constant 0 : i32
        %dma_start3A_93 = arith.constant 0 : i32
        %dma_start3A_94 = tpu.memref_slice %arg13[%dma_start3A_92, %dma_start3A_93] : memref<10000x128xf32, #tpu.memory_space<vmem_shared>> -> memref<10000x128xf32, #tpu.memory_space<vmem_shared>>
        tpu.enqueue_indirect_dma source(%arg11 : memref<128x128xf32, #tpu.memory_space<vmem>>) target(%dma_start3A_94 : memref<10000x128xf32, #tpu.memory_space<vmem_shared>>) offsets(%arg8 : memref<128xi32, #tpu.memory_space<vmem>>) semaphore(%run_scoped3A : memref<!tpu.dma_semaphore, #tpu.memory_space<semaphore_mem>>) {add = true}
        %dma_wait3A_95 = arith.constant 0 : i32
        %dma_wait3A_96 = arith.constant 0 : i32
        %dma_wait3A_97 = tpu.memref_slice %arg13[%dma_wait3A_95, %dma_wait3A_96] : memref<10000x128xf32, #tpu.memory_space<vmem_shared>> -> memref<10000x128xf32, #tpu.memory_space<vmem_shared>>
        tpu.wait_indirect_dma semaphore(%run_scoped3A : memref<!tpu.dma_semaphore, #tpu.memory_space<semaphore_mem>>) src(%arg11 : memref<128x128xf32, #tpu.memory_space<vmem>>) dst(%dma_wait3A_97 : memref<10000x128xf32, #tpu.memory_space<vmem_shared>>)
        tpu.yield
      }) : () -> ()
      %add3A_77 = arith.constant 2 : i32
      %add3A_78 = arith.addi %mul3A_74, %add3A_77 : i32
      %lt3A_79 = arith.cmpi slt, %add3A_78, %select_n3A : i32
      %convert_element_type3A_80 = arith.extui %lt3A_79 : i1 to i32
      %cond3A_81 = arith.constant 0 : i32
      %cond3A_82 = arith.cmpi ne, %convert_element_type3A_80, %cond3A_81 : i32
      scf.if %cond3A_82 {
        %add3A_92 = arith.constant 2 : i32
        %add3A_93 = arith.addi %mul3A_74, %add3A_92 : i32
        %scan3A_94 = arith.constant 0 : i32
        %scan3A_95 = arith.constant 0 : i32
        %scan3A_96 = arith.constant 8 : i32
        %scan3A_97 = arith.addi %scan3A_95, %scan3A_96 : i32
        %scan3A_98 = arith.constant 1 : i32
        scf.for %scan3A_103 = %scan3A_95 to %scan3A_97 step %scan3A_98  : i32 {
          %mul3A_104 = arith.constant 16 : i32
          %mul3A_105 = arith.muli %scan3A_103, %mul3A_104 : i32
          %get3A = arith.index_cast %add3A_93 : i32 to index
          %get3A_106 = arith.index_cast %mul3A_105 : i32 to index
          %get3A_107 = tpu.vector_load %arg6[%get3A, %get3A_106] {strides = array<i32>} : memref<80x128xi32, #tpu.memory_space<vmem>>, vector<1x16xi32>,
          %get3A_108 = vector.shape_cast %get3A_107 : vector<1x16xi32> to vector<16xi32>
          %and3A_109 = arith.constant 65535 : i32
          %and3A_110 = vector.broadcast %and3A_109 : i32 to vector<16xi32>
          %and3A_111 = arith.andi %get3A_108, %and3A_110 : vector<16xi32>
          %mul3A_112 = arith.constant 16 : i32
          %mul3A_113 = arith.muli %scan3A_103, %mul3A_112 : i32
          %swap3A = arith.index_cast %mul3A_113 : i32 to index
          %swap3A_114 = tpu.vector_load %arg7[%swap3A] {strides = array<i32>} : memref<128xi32, #tpu.memory_space<vmem>>, vector<16xi32>,
          %swap3A_115 = vector.shape_cast %swap3A_114 : vector<16xi32> to vector<16xi32>
          %swap3A_116 = vector.shape_cast %and3A_111 : vector<16xi32> to vector<16xi32>
          tpu.vector_store %arg7[%swap3A], %swap3A_116 {strides = array<i32>} : memref<128xi32, #tpu.memory_space<vmem>>, vector<16xi32>,
          %shift_right_arithmetic3A = arith.constant 16 : i32
          %shift_right_arithmetic3A_117 = vector.broadcast %shift_right_arithmetic3A : i32 to vector<16xi32>
          %shift_right_arithmetic3A_118 = arith.shrsi %get3A_108, %shift_right_arithmetic3A_117 : vector<16xi32>
          %mul3A_119 = arith.constant 16 : i32
          %mul3A_120 = arith.muli %scan3A_103, %mul3A_119 : i32
          %swap3A_121 = arith.index_cast %mul3A_120 : i32 to index
          %swap3A_122 = tpu.vector_load %arg8[%swap3A_121] {strides = array<i32>} : memref<128xi32, #tpu.memory_space<vmem>>, vector<16xi32>,
          %swap3A_123 = vector.shape_cast %swap3A_122 : vector<16xi32> to vector<16xi32>
          %swap3A_124 = vector.shape_cast %shift_right_arithmetic3A_118 : vector<16xi32> to vector<16xi32>
          tpu.vector_store %arg8[%swap3A_121], %swap3A_124 {strides = array<i32>} : memref<128xi32, #tpu.memory_space<vmem>>, vector<16xi32>,
        }
        %scan3A_99 = arith.constant 8 : i32
        %dma_start3A_100 = arith.constant 0 : i32
        %dma_start3A_101 = arith.constant 0 : i32
        %dma_start3A_102 = tpu.memref_slice %arg2[%dma_start3A_100, %dma_start3A_101] : memref<10000x128xf32, #tpu.memory_space<hbm>> -> memref<10000x128xf32, #tpu.memory_space<hbm>>
        tpu.enqueue_indirect_dma source(%dma_start3A_102 : memref<10000x128xf32, #tpu.memory_space<hbm>>) target(%arg11 : memref<128x128xf32, #tpu.memory_space<vmem>>) offsets(%arg7 : memref<128xi32, #tpu.memory_space<vmem>>) semaphore(%arg14 : memref<!tpu.dma_semaphore, #tpu.memory_space<semaphore_mem>>)
      } else {
      }
      %dma_wait3A_83 = arith.constant 0 : i32
      %dma_wait3A_84 = arith.constant 0 : i32
      %dma_wait3A_85 = tpu.memref_slice %arg2[%dma_wait3A_83, %dma_wait3A_84] : memref<10000x128xf32, #tpu.memory_space<hbm>> -> memref<10000x128xf32, #tpu.memory_space<hbm>>
      tpu.wait_indirect_dma semaphore(%arg15 : memref<!tpu.dma_semaphore, #tpu.memory_space<semaphore_mem>>) src(%dma_wait3A_85 : memref<10000x128xf32, #tpu.memory_space<hbm>>) dst(%arg12 : memref<128x128xf32, #tpu.memory_space<vmem>>)
      "tpu.region"() ({
        %run_scoped3A = tpu.sem_alloc : memref<!tpu.dma_semaphore, #tpu.memory_space<semaphore_mem>>
        %dma_start3A_92 = arith.constant 0 : i32
        %dma_start3A_93 = arith.constant 0 : i32
        %dma_start3A_94 = tpu.memref_slice %arg13[%dma_start3A_92, %dma_start3A_93] : memref<10000x128xf32, #tpu.memory_space<vmem_shared>> -> memref<10000x128xf32, #tpu.memory_space<vmem_shared>>
        tpu.enqueue_indirect_dma source(%arg12 : memref<128x128xf32, #tpu.memory_space<vmem>>) target(%dma_start3A_94 : memref<10000x128xf32, #tpu.memory_space<vmem_shared>>) offsets(%arg10 : memref<128xi32, #tpu.memory_space<vmem>>) semaphore(%run_scoped3A : memref<!tpu.dma_semaphore, #tpu.memory_space<semaphore_mem>>) {add = true}
        %dma_wait3A_95 = arith.constant 0 : i32
        %dma_wait3A_96 = arith.constant 0 : i32
        %dma_wait3A_97 = tpu.memref_slice %arg13[%dma_wait3A_95, %dma_wait3A_96] : memref<10000x128xf32, #tpu.memory_space<vmem_shared>> -> memref<10000x128xf32, #tpu.memory_space<vmem_shared>>
        tpu.wait_indirect_dma semaphore(%run_scoped3A : memref<!tpu.dma_semaphore, #tpu.memory_space<semaphore_mem>>) src(%arg12 : memref<128x128xf32, #tpu.memory_space<vmem>>) dst(%dma_wait3A_97 : memref<10000x128xf32, #tpu.memory_space<vmem_shared>>)
        tpu.yield
      }) : () -> ()
      %add3A_86 = arith.constant 3 : i32
      %add3A_87 = arith.addi %mul3A_74, %add3A_86 : i32
      %lt3A_88 = arith.cmpi slt, %add3A_87, %select_n3A : i32
      %convert_element_type3A_89 = arith.extui %lt3A_88 : i1 to i32
      %cond3A_90 = arith.constant 0 : i32
      %cond3A_91 = arith.cmpi ne, %convert_element_type3A_89, %cond3A_90 : i32
      scf.if %cond3A_91 {
        %add3A_92 = arith.constant 3 : i32
        %add3A_93 = arith.addi %mul3A_74, %add3A_92 : i32
        %scan3A_94 = arith.constant 0 : i32
        %scan3A_95 = arith.constant 0 : i32
        %scan3A_96 = arith.constant 8 : i32
        %scan3A_97 = arith.addi %scan3A_95, %scan3A_96 : i32
        %scan3A_98 = arith.constant 1 : i32
        scf.for %scan3A_103 = %scan3A_95 to %scan3A_97 step %scan3A_98  : i32 {
          %mul3A_104 = arith.constant 16 : i32
          %mul3A_105 = arith.muli %scan3A_103, %mul3A_104 : i32
          %get3A = arith.index_cast %add3A_93 : i32 to index
          %get3A_106 = arith.index_cast %mul3A_105 : i32 to index
          %get3A_107 = tpu.vector_load %arg6[%get3A, %get3A_106] {strides = array<i32>} : memref<80x128xi32, #tpu.memory_space<vmem>>, vector<1x16xi32>,
          %get3A_108 = vector.shape_cast %get3A_107 : vector<1x16xi32> to vector<16xi32>
          %and3A_109 = arith.constant 65535 : i32
          %and3A_110 = vector.broadcast %and3A_109 : i32 to vector<16xi32>
          %and3A_111 = arith.andi %get3A_108, %and3A_110 : vector<16xi32>
          %mul3A_112 = arith.constant 16 : i32
          %mul3A_113 = arith.muli %scan3A_103, %mul3A_112 : i32
          %swap3A = arith.index_cast %mul3A_113 : i32 to index
          %swap3A_114 = tpu.vector_load %arg9[%swap3A] {strides = array<i32>} : memref<128xi32, #tpu.memory_space<vmem>>, vector<16xi32>,
          %swap3A_115 = vector.shape_cast %swap3A_114 : vector<16xi32> to vector<16xi32>
          %swap3A_116 = vector.shape_cast %and3A_111 : vector<16xi32> to vector<16xi32>
          tpu.vector_store %arg9[%swap3A], %swap3A_116 {strides = array<i32>} : memref<128xi32, #tpu.memory_space<vmem>>, vector<16xi32>,
          %shift_right_arithmetic3A = arith.constant 16 : i32
          %shift_right_arithmetic3A_117 = vector.broadcast %shift_right_arithmetic3A : i32 to vector<16xi32>
          %shift_right_arithmetic3A_118 = arith.shrsi %get3A_108, %shift_right_arithmetic3A_117 : vector<16xi32>
          %mul3A_119 = arith.constant 16 : i32
          %mul3A_120 = arith.muli %scan3A_103, %mul3A_119 : i32
          %swap3A_121 = arith.index_cast %mul3A_120 : i32 to index
          %swap3A_122 = tpu.vector_load %arg10[%swap3A_121] {strides = array<i32>} : memref<128xi32, #tpu.memory_space<vmem>>, vector<16xi32>,
          %swap3A_123 = vector.shape_cast %swap3A_122 : vector<16xi32> to vector<16xi32>
          %swap3A_124 = vector.shape_cast %shift_right_arithmetic3A_118 : vector<16xi32> to vector<16xi32>
          tpu.vector_store %arg10[%swap3A_121], %swap3A_124 {strides = array<i32>} : memref<128xi32, #tpu.memory_space<vmem>>, vector<16xi32>,
        }
        %scan3A_99 = arith.constant 8 : i32
        %dma_start3A_100 = arith.constant 0 : i32
        %dma_start3A_101 = arith.constant 0 : i32
        %dma_start3A_102 = tpu.memref_slice %arg2[%dma_start3A_100, %dma_start3A_101] : memref<10000x128xf32, #tpu.memory_space<hbm>> -> memref<10000x128xf32, #tpu.memory_space<hbm>>
        tpu.enqueue_indirect_dma source(%dma_start3A_102 : memref<10000x128xf32, #tpu.memory_space<hbm>>) target(%arg12 : memref<128x128xf32, #tpu.memory_space<vmem>>) offsets(%arg9 : memref<128xi32, #tpu.memory_space<vmem>>) semaphore(%arg15 : memref<!tpu.dma_semaphore, #tpu.memory_space<semaphore_mem>>)
      } else {
      }
    }
    %barrier3A_62 = arith.constant 0 : index
    tpu.barrier barrier_id(%barrier3A_62)
    %mul3A_63 = arith.constant 624 : i32
    %mul3A_64 = arith.muli %arg1, %mul3A_63 : i32
    %mul3A_65 = arith.constant 624 : i32
    %mul3A_66 = arith.muli %arg1, %mul3A_65 : i32
    "tpu.region"() ({
      %run_scoped3A = tpu.sem_alloc : memref<!tpu.dma_semaphore, #tpu.memory_space<semaphore_mem>>
      %dma_start3A_72 = arith.constant 0 : i32
      %dma_start3A_73 = arith.constant 0 : i32
      %dma_start3A_74 = tpu.memref_slice %arg5[%arg0, %dma_start3A_72, %dma_start3A_73] : memref<2x10000x128xf32, #tpu.memory_space<hbm>> -> memref<1x10000x128xf32, #tpu.memory_space<hbm>>
      %dma_start3A_75 = tpu.memref_squeeze %dma_start3A_74 : memref<1x10000x128xf32, #tpu.memory_space<hbm>> -> memref<10000x128xf32, #tpu.memory_space<hbm>>
      %dma_start3A_76 = arith.constant 0 : i32
      %dma_start3A_77 = tpu.memref_slice %dma_start3A_75[%mul3A_66, %dma_start3A_76] : memref<10000x128xf32, #tpu.memory_space<hbm>> -> memref<624x128xf32, #tpu.memory_space<hbm>>
      %dma_start3A_78 = arith.constant 0 : i32
      %dma_start3A_79 = tpu.memref_slice %arg13[%mul3A_64, %dma_start3A_78] : memref<10000x128xf32, #tpu.memory_space<vmem_shared>> -> memref<624x128xf32, #tpu.memory_space<vmem_shared>>
      tpu.enqueue_dma source(%dma_start3A_79 : memref<624x128xf32, #tpu.memory_space<vmem_shared>>) target(%dma_start3A_77 : memref<624x128xf32, #tpu.memory_space<hbm>>) target_semaphore(%run_scoped3A : memref<!tpu.dma_semaphore, #tpu.memory_space<semaphore_mem>>)
      %dma_wait3A = arith.constant 0 : i32
      %dma_wait3A_80 = arith.constant 0 : i32
      %dma_wait3A_81 = tpu.memref_slice %arg5[%arg0, %dma_wait3A, %dma_wait3A_80] : memref<2x10000x128xf32, #tpu.memory_space<hbm>> -> memref<1x10000x128xf32, #tpu.memory_space<hbm>>
      %dma_wait3A_82 = tpu.memref_squeeze %dma_wait3A_81 : memref<1x10000x128xf32, #tpu.memory_space<hbm>> -> memref<10000x128xf32, #tpu.memory_space<hbm>>
      %dma_wait3A_83 = arith.constant 0 : i32
      %dma_wait3A_84 = tpu.memref_slice %dma_wait3A_82[%mul3A_66, %dma_wait3A_83] : memref<10000x128xf32, #tpu.memory_space<hbm>> -> memref<624x128xf32, #tpu.memory_space<hbm>>
      %dma_wait3A_85 = arith.constant 0 : i32
      %dma_wait3A_86 = tpu.memref_slice %arg13[%mul3A_64, %dma_wait3A_85] : memref<10000x128xf32, #tpu.memory_space<vmem_shared>> -> memref<624x128xf32, #tpu.memory_space<vmem_shared>>
      tpu.wait_dma2 semaphore(%run_scoped3A : memref<!tpu.dma_semaphore, #tpu.memory_space<semaphore_mem>>) src(%dma_wait3A_86 : memref<624x128xf32, #tpu.memory_space<vmem_shared>>) dst(%dma_wait3A_84 : memref<624x128xf32, #tpu.memory_space<hbm>>)
      tpu.yield
    }) : () -> ()
    %eq3A_67 = arith.constant 0 : i32
    %eq3A_68 = arith.cmpi eq, %arg1, %eq3A_67 : i32
    %convert_element_type3A_69 = arith.extui %eq3A_68 : i1 to i32
    %cond3A_70 = arith.constant 0 : i32
    %cond3A_71 = arith.cmpi ne, %convert_element_type3A_69, %cond3A_70 : i32
    scf.if %cond3A_71 {
      "tpu.region"() ({
        %run_scoped3A = tpu.sem_alloc : memref<!tpu.dma_semaphore, #tpu.memory_space<semaphore_mem>>
        %dma_start3A_72 = arith.constant 0 : i32
        %dma_start3A_73 = arith.constant 0 : i32
        %dma_start3A_74 = tpu.memref_slice %arg5[%arg0, %dma_start3A_72, %dma_start3A_73] : memref<2x10000x128xf32, #tpu.memory_space<hbm>> -> memref<1x10000x128xf32, #tpu.memory_space<hbm>>
        %dma_start3A_75 = tpu.memref_squeeze %dma_start3A_74 : memref<1x10000x128xf32, #tpu.memory_space<hbm>> -> memref<10000x128xf32, #tpu.memory_space<hbm>>
        %dma_start3A_76 = arith.constant 9984 : i32
        %dma_start3A_77 = arith.constant 0 : i32
        %dma_start3A_78 = tpu.memref_slice %dma_start3A_75[%dma_start3A_76, %dma_start3A_77] : memref<10000x128xf32, #tpu.memory_space<hbm>> -> memref<16x128xf32, #tpu.memory_space<hbm>>
        %dma_start3A_79 = arith.constant 9984 : i32
        %dma_start3A_80 = arith.constant 0 : i32
        %dma_start3A_81 = tpu.memref_slice %arg13[%dma_start3A_79, %dma_start3A_80] : memref<10000x128xf32, #tpu.memory_space<vmem_shared>> -> memref<16x128xf32, #tpu.memory_space<vmem_shared>>
        tpu.enqueue_dma source(%dma_start3A_81 : memref<16x128xf32, #tpu.memory_space<vmem_shared>>) target(%dma_start3A_78 : memref<16x128xf32, #tpu.memory_space<hbm>>) target_semaphore(%run_scoped3A : memref<!tpu.dma_semaphore, #tpu.memory_space<semaphore_mem>>)
        %dma_wait3A = arith.constant 0 : i32
        %dma_wait3A_82 = arith.constant 0 : i32
        %dma_wait3A_83 = tpu.memref_slice %arg5[%arg0, %dma_wait3A, %dma_wait3A_82] : memref<2x10000x128xf32, #tpu.memory_space<hbm>> -> memref<1x10000x128xf32, #tpu.memory_space<hbm>>
        %dma_wait3A_84 = tpu.memref_squeeze %dma_wait3A_83 : memref<1x10000x128xf32, #tpu.memory_space<hbm>> -> memref<10000x128xf32, #tpu.memory_space<hbm>>
        %dma_wait3A_85 = arith.constant 9984 : i32
        %dma_wait3A_86 = arith.constant 0 : i32
        %dma_wait3A_87 = tpu.memref_slice %dma_wait3A_84[%dma_wait3A_85, %dma_wait3A_86] : memref<10000x128xf32, #tpu.memory_space<hbm>> -> memref<16x128xf32, #tpu.memory_space<hbm>>
        %dma_wait3A_88 = arith.constant 9984 : i32
        %dma_wait3A_89 = arith.constant 0 : i32
        %dma_wait3A_90 = tpu.memref_slice %arg13[%dma_wait3A_88, %dma_wait3A_89] : memref<10000x128xf32, #tpu.memory_space<vmem_shared>> -> memref<16x128xf32, #tpu.memory_space<vmem_shared>>
        tpu.wait_dma2 semaphore(%run_scoped3A : memref<!tpu.dma_semaphore, #tpu.memory_space<semaphore_mem>>) src(%dma_wait3A_90 : memref<16x128xf32, #tpu.memory_space<vmem_shared>>) dst(%dma_wait3A_87 : memref<16x128xf32, #tpu.memory_space<hbm>>)
        tpu.yield
      }) : () -> ()
    } else {
    }
    return
  }
}

module attributes {stable_mosaic.version = 14 : i64} {
  func.func @_tc_mm_body(%arg0: i32, %arg1: memref<2000x128xf32, #tpu.memory_space<vmem>>, %arg2: memref<2000x1xf32, #tpu.memory_space<vmem>>, %arg3: memref<128x128xf32, #tpu.memory_space<vmem>>, %arg4: memref<2000x128xf32, #tpu.memory_space<vmem>>) attributes {dimension_semantics = [#tpu.dimension_semantics<arbitrary>], iteration_bounds = array<i64: 5>, scalar_prefetch = 0 : i64, scratch_operands = 0 : i64, tpu.core_type = #tpu.core_type<tc>, window_params = [{transform_indices = @transform_0, window_bounds = array<i64: 2000, 128>}, {transform_indices = @transform_1, window_bounds = array<i64: 2000, 1>}, {pipeline_mode = #tpu.pipeline_mode<synchronous>, transform_indices = @transform_2, window_bounds = array<i64: 128, 128>}, {transform_indices = @transform_3, window_bounds = array<i64: 2000, 128>}]} {
    %get3A = arith.constant 0 : index
    %get3A_0 = arith.constant 0 : index
    %get3A_1 = vector.load %arg1[%get3A, %get3A_0] : memref<2000x128xf32, #tpu.memory_space<vmem>>, vector<2000x128xf32>
    %get3A_2 = arith.constant 0 : index
    %get3A_3 = arith.constant 0 : index
    %get3A_4 = vector.load %arg2[%get3A_2, %get3A_3] : memref<2000x1xf32, #tpu.memory_space<vmem>>, vector<2000x1xf32>
    %mul3A = vector.broadcast %get3A_4 : vector<2000x1xf32> to vector<2000x128xf32>
    %mul3A_5 = arith.mulf %get3A_1, %mul3A : vector<2000x128xf32>
    %get3A_6 = arith.constant 0 : index
    %get3A_7 = arith.constant 0 : index
    %get3A_8 = vector.load %arg3[%get3A_6, %get3A_7] : memref<128x128xf32, #tpu.memory_space<vmem>>, vector<128x128xf32>
    %dot_general3A = arith.constant dense<0.000000e+00> : vector<2000x128xf32>
    %dot_general3A_9 = tpu.matmul %mul3A_5, %get3A_8, %dot_general3A {dimension_numbers = #tpu.dot_dimension_numbers<[1], [0], [0], [1], [0, 0, 1, 1], [], []>, transpose_lhs_hint = false} : vector<2000x128xf32>, vector<128x128xf32>, vector<2000x128xf32> -> vector<2000x128xf32>
    %swap3A = arith.constant 0 : index
    %swap3A_10 = arith.constant 0 : index
    %swap3A_11 = vector.load %arg4[%swap3A, %swap3A_10] : memref<2000x128xf32, #tpu.memory_space<vmem>>, vector<2000x128xf32>
    tpu.vector_store %arg4[%swap3A, %swap3A_10], %dot_general3A_9 {strides = array<i32>} : memref<2000x128xf32, #tpu.memory_space<vmem>>, vector<2000x128xf32>,
    return
  }
  func.func @transform_0(%arg0: i32) -> (i32, i32) {
    %c0_i32 = arith.constant 0 : i32
    %c0_i32_0 = arith.constant 0 : i32
    return %arg0, %c0_i32 : i32, i32
  }
  func.func @transform_1(%arg0: i32) -> (i32, i32) {
    %c0_i32 = arith.constant 0 : i32
    %c0_i32_0 = arith.constant 0 : i32
    return %arg0, %c0_i32 : i32, i32
  }
  func.func @transform_2(%arg0: i32) -> (i32, i32) {
    %c0_i32 = arith.constant 0 : i32
    %c0_i32_0 = arith.constant 0 : i32
    %c0_i32_1 = arith.constant 0 : i32
    return %c0_i32, %c0_i32_0 : i32, i32
  }
  func.func @transform_3(%arg0: i32) -> (i32, i32) {
    %c0_i32 = arith.constant 0 : i32
    %c0_i32_0 = arith.constant 0 : i32
    return %arg0, %c0_i32 : i32, i32
  }
}

module attributes {stable_mosaic.version = 14 : i64} {
  func.func @_tc_mid_body(%arg0: i32, %arg1: memref<2x2000x128xf32, #tpu.memory_space<vmem>>, %arg2: memref<2000x1xf32, #tpu.memory_space<vmem>>, %arg3: memref<1x128xf32, #tpu.memory_space<vmem>>, %arg4: memref<1x128xf32, #tpu.memory_space<vmem>>, %arg5: memref<2000x1xf32, #tpu.memory_space<vmem>>, %arg6: memref<128x128xf32, #tpu.memory_space<vmem>>, %arg7: memref<2000x128xf32, #tpu.memory_space<vmem>>) attributes {dimension_semantics = [#tpu.dimension_semantics<arbitrary>], iteration_bounds = array<i64: 5>, scalar_prefetch = 0 : i64, scratch_operands = 0 : i64, tpu.core_type = #tpu.core_type<tc>, window_params = [{transform_indices = @transform_0, window_bounds = array<i64: 2, 2000, 128>}, {transform_indices = @transform_1, window_bounds = array<i64: 2000, 1>}, {pipeline_mode = #tpu.pipeline_mode<synchronous>, transform_indices = @transform_2, window_bounds = array<i64: 1, 128>}, {pipeline_mode = #tpu.pipeline_mode<synchronous>, transform_indices = @transform_3, window_bounds = array<i64: 1, 128>}, {transform_indices = @transform_4, window_bounds = array<i64: 2000, 1>}, {pipeline_mode = #tpu.pipeline_mode<synchronous>, transform_indices = @transform_5, window_bounds = array<i64: 128, 128>}, {transform_indices = @transform_6, window_bounds = array<i64: 2000, 128>}]} {
    %get3A = arith.constant 0 : index
    %get3A_0 = arith.constant 0 : index
    %get3A_1 = arith.constant 0 : index
    %get3A_2 = vector.load %arg1[%get3A, %get3A_0, %get3A_1] : memref<2x2000x128xf32, #tpu.memory_space<vmem>>, vector<1x2000x128xf32>
    %get3A_3 = vector.shape_cast %get3A_2 : vector<1x2000x128xf32> to vector<2000x128xf32>
    %get3A_4 = arith.constant 1 : index
    %get3A_5 = arith.constant 0 : index
    %get3A_6 = arith.constant 0 : index
    %get3A_7 = vector.load %arg1[%get3A_4, %get3A_5, %get3A_6] : memref<2x2000x128xf32, #tpu.memory_space<vmem>>, vector<1x2000x128xf32>
    %get3A_8 = vector.shape_cast %get3A_7 : vector<1x2000x128xf32> to vector<2000x128xf32>
    %add3A = arith.addf %get3A_3, %get3A_8 : vector<2000x128xf32>
    %get3A_9 = arith.constant 0 : index
    %get3A_10 = arith.constant 0 : index
    %get3A_11 = vector.load %arg2[%get3A_9, %get3A_10] : memref<2000x1xf32, #tpu.memory_space<vmem>>, vector<2000x1xf32>
    %mul3A = vector.broadcast %get3A_11 : vector<2000x1xf32> to vector<2000x128xf32>
    %mul3A_12 = arith.mulf %add3A, %mul3A : vector<2000x128xf32>
    %get3A_13 = arith.constant 0 : index
    %get3A_14 = arith.constant 0 : index
    %get3A_15 = vector.load %arg3[%get3A_13, %get3A_14] : memref<1x128xf32, #tpu.memory_space<vmem>>, vector<1x128xf32>
    %add3A_16 = vector.broadcast %get3A_15 : vector<1x128xf32> to vector<2000x128xf32>
    %add3A_17 = arith.addf %mul3A_12, %add3A_16 : vector<2000x128xf32>
    %max3A = arith.constant 0.000000e+00 : f32
    %max3A_18 = vector.broadcast %max3A : f32 to vector<2000x128xf32>
    %max3A_19 = arith.maximumf %add3A_17, %max3A_18 : vector<2000x128xf32>
    %get3A_20 = arith.constant 0 : index
    %get3A_21 = arith.constant 0 : index
    %get3A_22 = vector.load %arg4[%get3A_20, %get3A_21] : memref<1x128xf32, #tpu.memory_space<vmem>>, vector<1x128xf32>
    %min3A = arith.constant 0.000000e+00 : f32
    %min3A_23 = vector.broadcast %min3A : f32 to vector<2000x128xf32>
    %min3A_24 = arith.minimumf %add3A_17, %min3A_23 : vector<2000x128xf32>
    %mul3A_25 = vector.broadcast %get3A_22 : vector<1x128xf32> to vector<2000x128xf32>
    %mul3A_26 = arith.mulf %mul3A_25, %min3A_24 : vector<2000x128xf32>
    %add3A_27 = arith.addf %max3A_19, %mul3A_26 : vector<2000x128xf32>
    %get3A_28 = arith.constant 0 : index
    %get3A_29 = arith.constant 0 : index
    %get3A_30 = vector.load %arg5[%get3A_28, %get3A_29] : memref<2000x1xf32, #tpu.memory_space<vmem>>, vector<2000x1xf32>
    %mul3A_31 = vector.broadcast %get3A_30 : vector<2000x1xf32> to vector<2000x128xf32>
    %mul3A_32 = arith.mulf %add3A_27, %mul3A_31 : vector<2000x128xf32>
    %get3A_33 = arith.constant 0 : index
    %get3A_34 = arith.constant 0 : index
    %get3A_35 = vector.load %arg6[%get3A_33, %get3A_34] : memref<128x128xf32, #tpu.memory_space<vmem>>, vector<128x128xf32>
    %dot_general3A = arith.constant dense<0.000000e+00> : vector<2000x128xf32>
    %dot_general3A_36 = tpu.matmul %mul3A_32, %get3A_35, %dot_general3A {dimension_numbers = #tpu.dot_dimension_numbers<[1], [0], [0], [1], [0, 0, 1, 1], [], []>, transpose_lhs_hint = false} : vector<2000x128xf32>, vector<128x128xf32>, vector<2000x128xf32> -> vector<2000x128xf32>
    %swap3A = arith.constant 0 : index
    %swap3A_37 = arith.constant 0 : index
    %swap3A_38 = vector.load %arg7[%swap3A, %swap3A_37] : memref<2000x128xf32, #tpu.memory_space<vmem>>, vector<2000x128xf32>
    tpu.vector_store %arg7[%swap3A, %swap3A_37], %dot_general3A_36 {strides = array<i32>} : memref<2000x128xf32, #tpu.memory_space<vmem>>, vector<2000x128xf32>,
    return
  }
  func.func @transform_0(%arg0: i32) -> (i32, i32, i32) {
    %c0_i32 = arith.constant 0 : i32
    %c0_i32_0 = arith.constant 0 : i32
    %c0_i32_1 = arith.constant 0 : i32
    return %c0_i32, %arg0, %c0_i32_0 : i32, i32, i32
  }
  func.func @transform_1(%arg0: i32) -> (i32, i32) {
    %c0_i32 = arith.constant 0 : i32
    %c0_i32_0 = arith.constant 0 : i32
    return %arg0, %c0_i32 : i32, i32
  }
  func.func @transform_2(%arg0: i32) -> (i32, i32) {
    %c0_i32 = arith.constant 0 : i32
    %c0_i32_0 = arith.constant 0 : i32
    %c0_i32_1 = arith.constant 0 : i32
    return %c0_i32, %c0_i32_0 : i32, i32
  }
  func.func @transform_3(%arg0: i32) -> (i32, i32) {
    %c0_i32 = arith.constant 0 : i32
    %c0_i32_0 = arith.constant 0 : i32
    %c0_i32_1 = arith.constant 0 : i32
    return %c0_i32, %c0_i32_0 : i32, i32
  }
  func.func @transform_4(%arg0: i32) -> (i32, i32) {
    %c0_i32 = arith.constant 0 : i32
    %c0_i32_0 = arith.constant 0 : i32
    return %arg0, %c0_i32 : i32, i32
  }
  func.func @transform_5(%arg0: i32) -> (i32, i32) {
    %c0_i32 = arith.constant 0 : i32
    %c0_i32_0 = arith.constant 0 : i32
    %c0_i32_1 = arith.constant 0 : i32
    return %c0_i32, %c0_i32_0 : i32, i32
  }
  func.func @transform_6(%arg0: i32) -> (i32, i32) {
    %c0_i32 = arith.constant 0 : i32
    %c0_i32_0 = arith.constant 0 : i32
    return %arg0, %c0_i32 : i32, i32
  }
}

module attributes {stable_mosaic.version = 14 : i64} {
  func.func @_tc_out_body(%arg0: i32, %arg1: memref<2x2000x128xf32, #tpu.memory_space<vmem>>, %arg2: memref<2000x1xf32, #tpu.memory_space<vmem>>, %arg3: memref<1x128xf32, #tpu.memory_space<vmem>>, %arg4: memref<1x128xf32, #tpu.memory_space<vmem>>, %arg5: memref<2000x128xf32, #tpu.memory_space<vmem>>) attributes {dimension_semantics = [#tpu.dimension_semantics<arbitrary>], iteration_bounds = array<i64: 5>, scalar_prefetch = 0 : i64, scratch_operands = 0 : i64, tpu.core_type = #tpu.core_type<tc>, window_params = [{transform_indices = @transform_0, window_bounds = array<i64: 2, 2000, 128>}, {transform_indices = @transform_1, window_bounds = array<i64: 2000, 1>}, {pipeline_mode = #tpu.pipeline_mode<synchronous>, transform_indices = @transform_2, window_bounds = array<i64: 1, 128>}, {pipeline_mode = #tpu.pipeline_mode<synchronous>, transform_indices = @transform_3, window_bounds = array<i64: 1, 128>}, {transform_indices = @transform_4, window_bounds = array<i64: 2000, 128>}]} {
    %get3A = arith.constant 0 : index
    %get3A_0 = arith.constant 0 : index
    %get3A_1 = arith.constant 0 : index
    %get3A_2 = vector.load %arg1[%get3A, %get3A_0, %get3A_1] : memref<2x2000x128xf32, #tpu.memory_space<vmem>>, vector<1x2000x128xf32>
    %get3A_3 = vector.shape_cast %get3A_2 : vector<1x2000x128xf32> to vector<2000x128xf32>
    %get3A_4 = arith.constant 1 : index
    %get3A_5 = arith.constant 0 : index
    %get3A_6 = arith.constant 0 : index
    %get3A_7 = vector.load %arg1[%get3A_4, %get3A_5, %get3A_6] : memref<2x2000x128xf32, #tpu.memory_space<vmem>>, vector<1x2000x128xf32>
    %get3A_8 = vector.shape_cast %get3A_7 : vector<1x2000x128xf32> to vector<2000x128xf32>
    %add3A = arith.addf %get3A_3, %get3A_8 : vector<2000x128xf32>
    %get3A_9 = arith.constant 0 : index
    %get3A_10 = arith.constant 0 : index
    %get3A_11 = vector.load %arg2[%get3A_9, %get3A_10] : memref<2000x1xf32, #tpu.memory_space<vmem>>, vector<2000x1xf32>
    %mul3A = vector.broadcast %get3A_11 : vector<2000x1xf32> to vector<2000x128xf32>
    %mul3A_12 = arith.mulf %add3A, %mul3A : vector<2000x128xf32>
    %get3A_13 = arith.constant 0 : index
    %get3A_14 = arith.constant 0 : index
    %get3A_15 = vector.load %arg3[%get3A_13, %get3A_14] : memref<1x128xf32, #tpu.memory_space<vmem>>, vector<1x128xf32>
    %add3A_16 = vector.broadcast %get3A_15 : vector<1x128xf32> to vector<2000x128xf32>
    %add3A_17 = arith.addf %mul3A_12, %add3A_16 : vector<2000x128xf32>
    %max3A = arith.constant 0.000000e+00 : f32
    %max3A_18 = vector.broadcast %max3A : f32 to vector<2000x128xf32>
    %max3A_19 = arith.maximumf %add3A_17, %max3A_18 : vector<2000x128xf32>
    %get3A_20 = arith.constant 0 : index
    %get3A_21 = arith.constant 0 : index
    %get3A_22 = vector.load %arg4[%get3A_20, %get3A_21] : memref<1x128xf32, #tpu.memory_space<vmem>>, vector<1x128xf32>
    %min3A = arith.constant 0.000000e+00 : f32
    %min3A_23 = vector.broadcast %min3A : f32 to vector<2000x128xf32>
    %min3A_24 = arith.minimumf %add3A_17, %min3A_23 : vector<2000x128xf32>
    %mul3A_25 = vector.broadcast %get3A_22 : vector<1x128xf32> to vector<2000x128xf32>
    %mul3A_26 = arith.mulf %mul3A_25, %min3A_24 : vector<2000x128xf32>
    %add3A_27 = arith.addf %max3A_19, %mul3A_26 : vector<2000x128xf32>
    %swap3A = arith.constant 0 : index
    %swap3A_28 = arith.constant 0 : index
    %swap3A_29 = vector.load %arg5[%swap3A, %swap3A_28] : memref<2000x128xf32, #tpu.memory_space<vmem>>, vector<2000x128xf32>
    tpu.vector_store %arg5[%swap3A, %swap3A_28], %add3A_27 {strides = array<i32>} : memref<2000x128xf32, #tpu.memory_space<vmem>>, vector<2000x128xf32>,
    return
  }
  func.func @transform_0(%arg0: i32) -> (i32, i32, i32) {
    %c0_i32 = arith.constant 0 : i32
    %c0_i32_0 = arith.constant 0 : i32
    %c0_i32_1 = arith.constant 0 : i32
    return %c0_i32, %arg0, %c0_i32_0 : i32, i32, i32
  }
  func.func @transform_1(%arg0: i32) -> (i32, i32) {
    %c0_i32 = arith.constant 0 : i32
    %c0_i32_0 = arith.constant 0 : i32
    return %arg0, %c0_i32 : i32, i32
  }
  func.func @transform_2(%arg0: i32) -> (i32, i32) {
    %c0_i32 = arith.constant 0 : i32
    %c0_i32_0 = arith.constant 0 : i32
    %c0_i32_1 = arith.constant 0 : i32
    return %c0_i32, %c0_i32_0 : i32, i32
  }
  func.func @transform_3(%arg0: i32) -> (i32, i32) {
    %c0_i32 = arith.constant 0 : i32
    %c0_i32_0 = arith.constant 0 : i32
    %c0_i32_1 = arith.constant 0 : i32
    return %c0_i32, %c0_i32_0 : i32, i32
  }
  func.func @transform_4(%arg0: i32) -> (i32, i32) {
    %c0_i32 = arith.constant 0 : i32
    %c0_i32_0 = arith.constant 0 : i32
    return %arg0, %c0_i32 : i32, i32
  }
}

</mosaic_0001>

<sc_bundles>
// kernel: kernel.11.cloned.1.call-start
scs
__scs_entry_jumppad:
0x0: {  	(pc) =	sbr.rel $0x88, $3  }
0x1: {  	(tag) =	ssettag $0x0;
	lr =	simm.s32 $0x1  }
0x2: {  	[smem:$0x3F99] =	sst lr;
	_ =	strace $0xD0000000  }
0x3: {  	_ = 	snop  }
0x4: {  	_ = 	snop  }
0x5: {  	_ = 	snop  }
0x6: {  	_ = 	snop  }
0x7: {  	_ = 	snop  }
__scs_overlays_trampoline_lowered:
0x8: {  	[smem:$0x3FA8] =	sst s0  }
0x9: {  	[smem:$0x3FA9] =	sst s1  }
0xa: {  	[smem:$0x3FAA] =	sst s2  }
0xb: {  	[smem:$0x3FAB] =	sst s3  }
0xc: {  	[smem:$0x3FAC] =	sst s4  }
0xd: {  	[smem:$0x3FAD] =	sst s5  }
0xe: {  	[smem:$0x3FAE] =	sst s6  }
0xf: {  	[smem:$0x3FAF] =	sst s7  }
0x10: {  	[smem:$0x3FB0] =	sst s8  }
0x11: {  	[smem:$0x3FB1] =	sst s9;
	s0 =	simm.s32 @!p0 $0x0  }
0x12: {  	s1 =	sld [smem:$0x3F97];
	s0 =	simm.s32 @p0 $0x1  }
0x13: {  	[smem:$0x3FB2] =	sst s0;
	s0 =	simm.s32 @!p1 $0x0  }
0x14: {  	s2 =	sld [smem:$0x3F96];
	s0 =	simm.s32 @p1 $0x1  }
0x15: {  	[smem:$0x3FB3] =	sst s0;
	s0 =	simm.s32 @!p2 $0x0  }
0x16: {  	s3 =	sld [smem:$0x3FDB];
	s0 =	simm.s32 @p2 $0x1  }
0x17: {  	s4 =	simm.s32 $0x1BF5;
	[smem:$0x3FB5] =	sst s0  }
0x18: {  	s0 =	sld [smem:$0x3F98];
	_ =	swait.ge [sflag:s4], $0x0  }
0x19: {  	s7 =	sld [smem:$0x3F99]  }
0x1a: {  	s8 =	sadd.s32 $0xFFFFE003, lr  }
0x1b: {  	s9 =	sadd.s32 $0xFFFFFEF7, lr;
	s5 =	simm.s32 $0xFFFFFFFF;
	p2 =	slt.u32 s8, $0xFFFFF086  }
0x1c: {  	p1 =	slt.u32 s9, $0xF7A;
	s5 =	simm.s32 @!p2 $0x0  }
0x1d: {  	s5 =	simm.s32 @p1 $0x1;
	p0 =	seq.s32 s7, s2  }
0x1e: {  	s7 =	smul.u32 @!p0 $0xF7A, s2;
	p2 =	seq.s32 @!p0 s5, $0x0  }
0x1f: {  	s9 =	smul.u32 $0xF7A, s1;
	s8 =	simm.s32 @!p0 $0x1BF5;
	p2 =	por !p2, p0  }
0x20: {  	[sflag:s8] =	ssyncset.s32 @!p0 $0xFFFFF086;
	s6 =	sadd.s32 @!p0 s3, s7;
	s7 =	simm.s32 @!p0 $0x108  }
0x21: {  	s3 =	sadd.s32 s3, s9;
	s6 =	sadd.s32 @!p0 $0x88, s6;
	s7 =	simm.s32 @p2 $0x1082  }
0x22: {  	[simem:s7], [sflag:s8] =	dma.local @!p0 [hbm:s6], $0xF7A  }
0x23: {  	s9 =	sor.u32 $0xD0000000, s2;
	s6 =	simm.s32 $0x108;
	_ =	swait.ge @!p0 [sflag:s8], $0x0  }
0x24: {  	s3 =	sadd.s32 $0x88, s3;
	s6 =	simm.s32 @!p1 $0x1082;
	[sflag:s4] =	ssyncset.s32 $0xFFFFF086  }
0x25: {  	[simem:s6], [sflag:s4] =	dma.local [hbm:s3], $0xF7A  }
0x26: {  	[smem:$0x3F99] =	sst s1;
	(tag) =	ssettag s2;
	_ =	strace s9  }
0x27: {  	s1 =	sld [smem:$0x3FA9]  }
0x28: {  	s2 =	sld [smem:$0x3FAA]  }
0x29: {  	s4 =	sld [smem:$0x3FAC]  }
0x2a: {  	p0 =	seq.s32 s5, $0x0;
	s5 =	sld [smem:$0x3FAD]  }
0x2b: {  	s6 =	sld [smem:$0x3FAE]  }
0x2c: {  	s7 =	sld [smem:$0x3FAF]  }
0x2d: {  	s3 =	simm.s32 $0x108;
	s8 =	sld [smem:$0x3FB0]  }
0x2e: {  	s3 =	simm.s32 @!p0 $0x1082;
	s9 =	sld [smem:$0x3FB1]  }
0x2f: {  	lr =	sadd.s32 s0, s3;
	s0 =	sld [smem:$0x3FA8]  }
0x30: {  	s3 =	sld [smem:$0x3FAB]  }
0x31: {  	[smem:$0x3FB4] =	sst s10  }
0x32: {  	s10 =	sld [smem:$0x3FB2];
	_ =	sdelay $0x3  }
0x33: {  	p0 =	seq.s32 s10, $0x1;
	s10 =	sld [smem:$0x3FB4];
	_ =	sdelay $0x3  }
0x34: {  	[smem:$0x3FB4] =	sst s10  }
0x35: {  	s10 =	sld [smem:$0x3FB3];
	_ =	sdelay $0x3  }
0x36: {  	p1 =	seq.s32 s10, $0x1;
	s10 =	sld [smem:$0x3FB4];
	_ =	sdelay $0x3  }
0x37: {  	[smem:$0x3FB4] =	sst s10  }
0x38: {  	s10 =	sld [smem:$0x3FB5]  }
0x39: {  	_ = 	snop;
	(pc) =	sbr.ind lr, $3  }
0x3a: {  	_ = 	snop  }
0x3b: {  	_ = 	snop  }
0x3c: {  	p2 =	seq.s32 s10, $0x1;
	s10 =	sld [smem:$0x3FB4]  }
0x3d: {  	_ =	shalt  }
0x3e: {  	_ =	shalt  }
0x3f: {  	_ =	shalt  }
0x40: {  	_ =	shalt  }
0x41: {  	_ =	shalt  }
0x42: {  	_ =	shalt  }
0x43: {  	_ =	shalt  }
0x44: {  	_ =	shalt  }
0x45: {  	_ =	shalt  }
0x46: {  	_ =	shalt  }
0x47: {  	_ =	shalt  }
0x48: {  	_ =	shalt  }
0x49: {  	_ =	shalt  }
0x4a: {  	_ =	shalt  }
0x4b: {  	_ =	shalt  }
0x4c: {  	_ =	shalt  }
0x4d: {  	_ =	shalt  }
0x4e: {  	_ =	shalt  }
0x4f: {  	_ =	shalt  }
0x50: {  	_ =	shalt  }
0x51: {  	_ =	shalt  }
0x52: {  	_ =	shalt  }
0x53: {  	_ =	shalt  }
0x54: {  	_ =	shalt  }
0x55: {  	_ =	shalt  }
0x56: {  	_ =	shalt  }
0x57: {  	_ =	shalt  }
0x58: {  	_ =	shalt  }
0x59: {  	_ =	shalt  }
0x5a: {  	_ =	shalt  }
0x5b: {  	_ =	shalt  }
0x5c: {  	_ =	shalt  }
0x5d: {  	_ =	shalt  }
0x5e: {  	_ =	shalt  }
0x5f: {  	_ =	shalt  }
0x60: {  	_ =	shalt  }
0x61: {  	_ =	shalt  }
0x62: {  	_ =	shalt  }
0x63: {  	_ =	shalt  }
0x64: {  	_ =	shalt  }
0x65: {  	_ =	shalt  }
0x66: {  	_ =	shalt  }
0x67: {  	_ =	shalt  }
0x68: {  	_ =	shalt  }
0x69: {  	_ =	shalt  }
0x6a: {  	_ =	shalt  }
0x6b: {  	_ =	shalt  }
0x6c: {  	_ =	shalt  }
0x6d: {  	_ =	shalt  }
0x6e: {  	_ =	shalt  }
0x6f: {  	_ =	shalt  }
0x70: {  	_ =	shalt  }
0x71: {  	_ =	shalt  }
0x72: {  	_ =	shalt  }
0x73: {  	_ =	shalt  }
0x74: {  	_ =	shalt  }
0x75: {  	_ =	shalt  }
0x76: {  	_ =	shalt  }
0x77: {  	_ =	shalt  }
0x78: {  	_ =	shalt  }
0x79: {  	_ =	shalt  }
0x7a: {  	_ =	shalt  }
0x7b: {  	_ =	shalt  }
0x7c: {  	_ =	shalt  }
0x7d: {  	_ =	shalt  }
0x7e: {  	_ =	shalt  }
0x7f: {  	_ =	shalt  }
0x80: {  	_ =	shalt  }
0x81: {  	_ =	shalt  }
0x82: {  	_ =	shalt  }
0x83: {  	_ =	shalt  }
0x84: {  	_ =	shalt  }
0x85: {  	_ =	shalt  }
0x86: {  	_ =	shalt  }
0x87: {  	_ =	shalt  }
.Lfunc_end0:
.L_simem_size_0:
called_computation.1_lowered:
.L_overlay_start_0:
0x88: {  	s2 =	sld [smem:$0x3FD9]  }
0x89: {  	s3 =	sld [smem:$0x3FFE];
	_ =	sdelay $0x1  }
0x8a: {  	s1 =	srdreg.scid  }
0x8b: {  	s0 =	sand.u32 $0x1, s1  }
0x8c: {  	s17 =	sshll.u32 s0, $0xA;
	s2 =	sadd.s32 s3, s2  }
0x8d: {  	s2 =	sadd.s32 s2, s17  }
0x8e: {  	[smem:$0x3FC0] =	sst s2  }
0x8f: {  	_ = 	snop  }
0x90: {  	s2 =	sld [smem:$0x3FD0];
	(tm) =	ssettm $0x1  }
0x91: {  	s18 =	sld [smem:$0x3FFB];
	_ =	sdelay $0x3  }
0x92: {  	_ =	strace s18  }
0x93: {  	s3 =	sld [smem:$0x3FFC];
	_ =	sdelay $0x3  }
0x94: {  	_ =	strace s3  }
0x95: {  	s3 =	sld [smem:$0x3FFD];
	_ =	sdelay $0x3  }
0x96: {  	_ =	strace s3  }
0x97: {  	_ =	strace $0x8FFFFFFF  }
0x98: {  	s19 =	sld [smem:$0x3FDB];
	_ =	sdelay $0x1  }
0x99: {  	s4 =	simm.s32 $_scs_section_size  }
0x9a: {  	s5 =	simm.s32 $_size__tile_overlayer_lowered;
	s6 =	simm.s32 $_tile_overlayer_lowered  }
0x9b: {  	s22 =	simm.s32 $0x1BFF;
	s21 =	sshll.u32 s6, $0x1;
	s3 =	sadd.s32 s4, s19  }
0x9c: {  	s7 =	simm.s32 $0x0;
	s20 =	sshll.u32 s5, $0x1;
	s5 =	sadd.s32 s21, s3  }
0x9d: {  	[timem:s7], [sflag:s22] =	dma.local [hbm:s5], s20  }
0x9e: {  	_ =	swait.ge [sflag:s22], s20  }
0x9f: {  	s4 =	ssub.s32 $0x0, s20;
	[sflag:s22] =	ssyncset.done $0x0  }
0xa0: {  	[sflag:s22] =	ssyncadd.s32 s4;
	_ =	sdelay $0x1  }
0xa1: {  	s23 =	simm.s32 $0x1B8B  }
0xa2: {  	_ =	swait.ge [sflag:s23], $0x1  }
0xa3: {  	[sflag:s23] =	ssyncset.done $0x0  }
0xa4: {  	s25 =	simm.s32 $0x1B8E;
	s24 =	sld [smem:$0x3FFE];
	[sflag:s23] =	ssyncadd.s32 $0xFFFFFFFF  }
0xa5: {  	s26 =	simm.s32 $execute0_lowered;
	[smem:$0x3FD2] =	sst s25  }
0xa6: {  	s5 =	sshll.u32 s26, $0x1;
	_ =	strace $0x80000049;
	[dreg:$0x1] =	wrdreg $0xFFFFFFFF  }
0xa7: {  	s28 =	simm.s32 $_size_execute0_lowered;
	s3 =	sadd.s32 s3, s5;
	[dreg:$0x0] =	wrdreg $0x0  }
0xa8: {  	s5 =	sshll.u32 s28, $0x1;
	[dreg:$0x2] =	wrdreg s3  }
0xa9: {  	[dreg:$0x3] =	wrdreg s5  }
0xaa: {  	[dreg:$0x4] =	wrdreg $0xC0  }
0xab: {  	_ =	task [dreg:s7], $0x5FFFF  }
0xac: {  	[dreg:$0x1] =	wrdreg $0xFFFFFFFF  }
0xad: {  	[dreg:$0x0] =	wrdreg $0x60  }
0xae: {  	[dreg:$0x2] =	wrdreg s2  }
0xaf: {  	[dreg:$0x3] =	wrdreg s24  }
0xb0: {  	[dreg:$0x4] =	wrdreg $0xAA000  }
0xb1: {  	[dreg:$0x5] =	wrdreg $0x9  }
0xb2: {  	_ =	task.clear_ibuf [dreg:s7], $0x6FFFF;
	_ =	strace $0x90000049  }
0xb3: {  	s29 =	simm.s32 $0x9;
	_ =	strace $0x8000004B  }
0xb4: {  	_ =	swait.ge [sflag:s29], $0x1  }
0xb5: {  	[sflag:s29] =	ssyncadd.s32 $0xFFFFFFFF  }
0xb6: {  	_ =	strace $0x9000004B  }
0xb7: {  	_ =	sfence  }
0xb8: {  	s30 =	sld [smem:$0x0];
	_ =	sdelay $0x2  }
0xb9: {  	s31 =	sshll.u32 s1, $0xD;
	s1 =	sshrl.u32 s1, $0x2  }
0xba: {  	s3 =	sand.u32 $0x4000, s31;
	s1 =	sadd.s32 s1, s30  }
0xbb: {  	s0 =	sor.u32 s3, s0;
	s1 =	sshll.u32 s1, $0x11  }
0xbc: {  	s0 =	sor.u32 s1, s0  }
0xbd: {  	s0 =	sadd.s32 $0x8F2B, s0  }
0xbe: {  	[sflag:s0] =	ssyncadd.remote.s32 $0x1  }
0xbf: {  	_ =	sfence.sel $0xFFFF  }
0xc0: {  	[dreg:$0x0] =	wrdreg $0xFFFFFFFF;
	(pc) =	sbr.abs _section_cstart, $3  }
0xc1: {  	[dreg:$0x1] =	wrdreg $0xFFFFFFFF  }
0xc2: {  	_ =	task.clear_ibuf [dreg:s7], $0x2FFFF;
	_ =	strace $0x9FFFFFFF  }
0xc3: {  	(tm) =	ssettm $0x7FFFFFFF  }
tec
execute0_lowered:
.L_overlay_start_1:
0x0: {  	(tag) =	ssettag $0x1  }
0x1: {  	s1 =	srdreg.scid;
	s0 =	rddreg [dreg:$0x0]  }
0x2: {  	s13 =	stileid.u32;
	s9 =	rddreg [dreg:$0x1];
	s3 =	simm.s32 $0x0  }
0x3: {  	s17 =	simm.s32 $0x80;
	s19 =	simm.s32 $0x2A00;
	s21 =	simm.s32 $0x6A00  }
0x4: {  	s22 =	simm.s32 $0x1;
	s23 =	simm.s32 $0x2880;
	s24 =	simm.s32 $0x2  }
0x5: {  	s25 =	simm.s32 $0x2980;
	s1 =	sand.u32 $0x1, s1;
	s4 =	smul.u32 $0x2700, s13  }
0x6: {  	s2 =	sshll.u32 s13, $0x1;
	[smem:$0x7FF] =	sst s3;
	s30 =	smul.u32 $0x4E000, s13  }
0x7: {  	s15 =	sshll.u32 s13, $0x6;
	p1 =	sne.s32 s13, $0x0;
	s5 =	sor.u32 s1, s2  }
0x8: {  	s2 =	rddreg [dreg:$0x2];
	s7 =	smul.u32 $0x27100, s1;
	_ =	strace $0x8000004A  }
0x9: {  	s1 =	ssub.s32 $0x2, s1;
	s13 =	sor.u32 $0x1C03, s15;
	s15 =	simm.s32 $0x3  }
0xa: {  	s6 =	smul.u32 $0x500, s5;
	s8 =	sadd.s32 s4, s9;
	s10 =	sshrl.u32 s1, $0x1  }
0xb: {  	p0 =	seq.s32 s5, $0x1F;
	s5 =	simm.s32 $0x14;
	s31 =	sshrl.u32 s30, $0x2  }
0xc: {  	s16 =	sadd.s32 $0x138000, s2;
	s11 =	sadd.s32 s7, s9;
	s1 =	ssub.s32 s1, s10  }
0xd: {  	s5 =	simm.s32 @!p0 $0x50;
	s7 =	sadd.s32 $0xDB00, s9;
	s14 =	sadd.s32 s31, s2  }
0xe: {  	s8 =	sadd.s32 $0xDE00, s8;
	s16 =	sshrl.u32 @!p1 s16, $0x3;
	s6 =	sadd.s32 s6, s9  }
0xf: {  	s9 =	sadd.s32 $0x34E00, s9;
	s10 =	sshrl.u32 s5, $0x1;
	s11 =	sadd.s32 $0x35000, s11  }
0x10: {  	s12 =	smax.u32 s1, $0x1;
	s14 =	sshrl.u32 s14, $0x3;
	s6 =	sadd.s32 $0x4000, s6  }
.LBB2_1:
0x11: {  	s1 =	simm.s32 @p0 $0x0  }
0x12: {  	[tilespmem:s1], [sflag:$0x3] =	stream.linear.gather @p0 [hbm4b:s7+s1], $0xA00, $0x38;
	[tilespmem:$0x1E280] =	vst v63  }
0x13: {  	s1 =	simm.s32 @p0 $0x3  }
0x14: {  	_ =	swait.ge @p0 [sflag:s1], $0xA00  }
0x15: {  	[sflag:s1] =	ssyncset.done @p0 $0x0  }
0x16: {  	[sflag:s1] =	ssyncadd.s32 @p0 $0xFFFFF600;
	s1 =	simm.s32 @!p0 $0x0  }
0x17: {  	[tilespmem:s1], [sflag:$0x3] =	stream.linear.gather @!p0 [hbm4b:s6+s1], $0x2800, $0x38;
	[tilespmem:$0x1E280] =	vst v63  }
0x18: {  	s1 =	simm.s32 @!p0 $0x3  }
0x19: {  	_ =	swait.ge @!p0 [sflag:s1], $0x2800  }
0x1a: {  	[sflag:s1] =	ssyncset.done @!p0 $0x0  }
0x1b: {  	[sflag:s1] =	ssyncadd.s32 @!p0 $0xFFFFD800  }
0x1c: {  	[spmem:s14], [sflag:s13] =	dma.local [hbm:s8], $0x2700  }
0x1d: {  	_ =	swait.ge [sflag:s15], $0x2700  }
0x1e: {  	[sflag:s15] =	ssyncset.done $0x0  }
0x1f: {  	s26 =	simm.s32 @!p1 $0x3;
	[sflag:s15] =	ssyncadd.s32 $0xFFFFD900  }
0x20: {  	[spmem:s16], [sflag:s13] =	dma.local @!p1 [hbm:s9], $0x100  }
0x21: {  	_ =	swait.ge @!p1 [sflag:s26], $0x100  }
0x22: {  	[sflag:s26] =	ssyncset.done @!p1 $0x0  }
0x23: {  	[sflag:s26] =	ssyncadd.s32 @!p1 $0xFFFFFF00  }
0x24: {  	[bflag:$0x0] =	sbarrier.arrive $0xFFFF  }
0x25: {  	v0 =	vld [tilespmem:$0x0];
	_ =	sdelay $0x1  }
0x26: {  	v1 =	vld [tilespmem:$0x10];
	_ =	sdelay $0x1  }
0x27: {  	v2 =	vld [tilespmem:$0x20]  }
0x28: {  	v3 =	vand.u32 $0xFFFF, v0  }
0x29: {  	v22 =	vld [tilespmem:$0x30];
	v0 =	vshra.s32 v0, $0x10;
	[tilespmem:$0x2800] =	vst v3  }
0x2a: {  	v23 =	vand.u32 $0xFFFF, v1;
	[tilespmem:$0x2880] =	vst v0  }
0x2b: {  	v25 =	vld [tilespmem:$0x40];
	v24 =	vshra.s32 v1, $0x10;
	[tilespmem:$0x2810] =	vst v23  }
0x2c: {  	v26 =	vand.u32 $0xFFFF, v2;
	[tilespmem:$0x2890] =	vst v24  }
0x2d: {  	v28 =	vld [tilespmem:$0x50];
	v27 =	vshra.s32 v2, $0x10;
	[tilespmem:$0x2820] =	vst v26  }
0x2e: {  	v29 =	vand.u32 $0xFFFF, v22;
	[tilespmem:$0x28A0] =	vst v27  }
0x2f: {  	v31 =	vld [tilespmem:$0x60];
	v30 =	vshra.s32 v22, $0x10;
	[tilespmem:$0x2830] =	vst v29  }
0x30: {  	v32 =	vand.u32 $0xFFFF, v25;
	[tilespmem:$0x28B0] =	vst v30  }
0x31: {  	v34 =	vld [tilespmem:$0x70];
	v33 =	vshra.s32 v25, $0x10;
	[tilespmem:$0x2840] =	vst v32  }
0x32: {  	v35 =	vand.u32 $0xFFFF, v28;
	[tilespmem:$0x28C0] =	vst v33  }
0x33: {  	v36 =	vshra.s32 v28, $0x10;
	[tilespmem:$0x2850] =	vst v35  }
0x34: {  	v37 =	vand.u32 $0xFFFF, v31;
	[tilespmem:$0x28D0] =	vst v36  }
0x35: {  	v38 =	vshra.s32 v31, $0x10;
	[tilespmem:$0x2860] =	vst v37  }
0x36: {  	v39 =	vand.u32 $0xFFFF, v34;
	[tilespmem:$0x28E0] =	vst v38  }
0x37: {  	v40 =	vshra.s32 v34, $0x10;
	[tilespmem:$0x2870] =	vst v39  }
0x38: {  	s18 =	simm.s32 $0x2800;
	[tilespmem:$0x28F0] =	vst v40  }
0x39: {  	[tilespmem:s19], [sflag:$0x1] =	stream.indirect.gather [hbm4b:s0+s17], $0x80, s18, s17, $0xb8;
	[tilespmem:$0x1E280] =	vst v63  }
0x3a: {  	v41 =	vld [tilespmem:$0x80];
	_ =	sdelay $0x1  }
0x3b: {  	v42 =	vld [tilespmem:$0x90];
	_ =	sdelay $0x1  }
0x3c: {  	v43 =	vld [tilespmem:$0xA0]  }
0x3d: {  	v44 =	vand.u32 $0xFFFF, v41  }
0x3e: {  	v45 =	vld [tilespmem:$0xB0];
	v0 =	vshra.s32 v41, $0x10;
	[tilespmem:$0x2900] =	vst v44  }
0x3f: {  	v46 =	vand.u32 $0xFFFF, v42;
	[tilespmem:$0x2980] =	vst v0  }
0x40: {  	v48 =	vld [tilespmem:$0xC0];
	v47 =	vshra.s32 v42, $0x10;
	[tilespmem:$0x2910] =	vst v46  }
0x41: {  	v49 =	vand.u32 $0xFFFF, v43;
	[tilespmem:$0x2990] =	vst v47  }
0x42: {  	v51 =	vld [tilespmem:$0xD0];
	v50 =	vshra.s32 v43, $0x10;
	[tilespmem:$0x2920] =	vst v49  }
0x43: {  	v52 =	vand.u32 $0xFFFF, v45;
	[tilespmem:$0x29A0] =	vst v50  }
0x44: {  	v54 =	vld [tilespmem:$0xE0];
	v53 =	vshra.s32 v45, $0x10;
	[tilespmem:$0x2930] =	vst v52  }
0x45: {  	v55 =	vand.u32 $0xFFFF, v48;
	[tilespmem:$0x29B0] =	vst v53  }
0x46: {  	v57 =	vld [tilespmem:$0xF0];
	v56 =	vshra.s32 v48, $0x10;
	[tilespmem:$0x2940] =	vst v55  }
0x47: {  	v58 =	vand.u32 $0xFFFF, v51;
	[tilespmem:$0x29C0] =	vst v56  }
0x48: {  	v59 =	vshra.s32 v51, $0x10;
	[tilespmem:$0x2950] =	vst v58  }
0x49: {  	v60 =	vand.u32 $0xFFFF, v54;
	[tilespmem:$0x29D0] =	vst v59  }
0x4a: {  	v61 =	vshra.s32 v54, $0x10;
	[tilespmem:$0x2960] =	vst v60  }
0x4b: {  	v62 =	vand.u32 $0xFFFF, v57;
	[tilespmem:$0x29E0] =	vst v61  }
0x4c: {  	v63 =	vshra.s32 v57, $0x10;
	[tilespmem:$0x2970] =	vst v62  }
0x4d: {  	s20 =	simm.s32 $0x2900;
	[tilespmem:$0x29F0] =	vst v63  }
0x4e: {  	[tilespmem:s21], [sflag:$0x2] =	stream.indirect.gather [hbm4b:s0+s17], $0x80, s20, s17, $0xb8;
	[tilespmem:$0x1E280] =	vst v63  }
0x4f: {  	_ =	swait.ge [sflag:s22], $0x4000  }
0x50: {  	[sflag:s22] =	ssyncset.done $0x0  }
0x51: {  	[sflag:s22] =	ssyncadd.s32 $0xFFFFC000  }
0x52: {  	[spmem:s2] =	stream.indirect.scatter.add.f32 [tilespmem:s19], [sflag:$0x3], $0x80, s23, s17, $0xb8;
	[tilespmem:$0x1E280] =	vst v63  }
0x53: {  	_ =	swait.ge [sflag:s15], $0x4000  }
0x54: {  	[sflag:s15] =	ssyncset.done $0x0  }
0x55: {  	s28 =	simm.s32 $0x1F0;
	p2 =	sle.u32 s5, $0x2;
	[sflag:s15] =	ssyncadd.s32 $0xFFFFC000  }
0x56: {  	v0 =	vld @!p2 [tilespmem:s28+$0xFFFFFF10];
	_ =	sdelay $0x4  }
0x57: {  	v1 =	vand.u32 @!p2 $0xFFFF, v0  }
0x58: {  	v0 =	vshra.s32 @!p2 v0, $0x10;
	[tilespmem:$0x2800] =	vst @!p2 v1  }
0x59: {  	[tilespmem:$0x2880] =	vst @!p2 v0  }
0x5a: {  	v0 =	vld @!p2 [tilespmem:s28+$0xFFFFFF20];
	_ =	sdelay $0x4  }
0x5b: {  	v1 =	vand.u32 @!p2 $0xFFFF, v0  }
0x5c: {  	v0 =	vshra.s32 @!p2 v0, $0x10;
	[tilespmem:$0x2810] =	vst @!p2 v1  }
0x5d: {  	[tilespmem:$0x2890] =	vst @!p2 v0  }
0x5e: {  	v0 =	vld @!p2 [tilespmem:s28+$0xFFFFFF30];
	_ =	sdelay $0x4  }
0x5f: {  	v1 =	vand.u32 @!p2 $0xFFFF, v0  }
0x60: {  	v0 =	vshra.s32 @!p2 v0, $0x10;
	[tilespmem:$0x2820] =	vst @!p2 v1  }
0x61: {  	[tilespmem:$0x28A0] =	vst @!p2 v0  }
0x62: {  	v0 =	vld @!p2 [tilespmem:s28+$0xFFFFFF40];
	_ =	sdelay $0x4  }
0x63: {  	v1 =	vand.u32 @!p2 $0xFFFF, v0  }
0x64: {  	v0 =	vshra.s32 @!p2 v0, $0x10;
	[tilespmem:$0x2830] =	vst @!p2 v1  }
0x65: {  	[tilespmem:$0x28B0] =	vst @!p2 v0  }
0x66: {  	v0 =	vld @!p2 [tilespmem:s28+$0xFFFFFF50];
	_ =	sdelay $0x4  }
0x67: {  	v1 =	vand.u32 @!p2 $0xFFFF, v0  }
0x68: {  	v0 =	vshra.s32 @!p2 v0, $0x10;
	[tilespmem:$0x2840] =	vst @!p2 v1  }
0x69: {  	[tilespmem:$0x28C0] =	vst @!p2 v0  }
0x6a: {  	v0 =	vld @!p2 [tilespmem:s28+$0xFFFFFF60];
	_ =	sdelay $0x4  }
0x6b: {  	v1 =	vand.u32 @!p2 $0xFFFF, v0  }
0x6c: {  	v0 =	vshra.s32 @!p2 v0, $0x10;
	[tilespmem:$0x2850] =	vst @!p2 v1  }
0x6d: {  	[tilespmem:$0x28D0] =	vst @!p2 v0  }
0x6e: {  	v0 =	vld @!p2 [tilespmem:s28+$0xFFFFFF70];
	_ =	sdelay $0x4  }
0x6f: {  	v1 =	vand.u32 @!p2 $0xFFFF, v0  }
0x70: {  	v0 =	vshra.s32 @!p2 v0, $0x10;
	[tilespmem:$0x2860] =	vst @!p2 v1  }
0x71: {  	[tilespmem:$0x28E0] =	vst @!p2 v0  }
0x72: {  	v0 =	vld @!p2 [tilespmem:s28+$0xFFFFFF80];
	_ =	sdelay $0x4  }
0x73: {  	v1 =	vand.u32 @!p2 $0xFFFF, v0  }
0x74: {  	v0 =	vshra.s32 @!p2 v0, $0x10;
	[tilespmem:$0x2870] =	vst @!p2 v1  }
0x75: {  	s1 =	simm.s32 @!p2 $0x80;
	s18 =	simm.s32 @!p2 $0x2800;
	s20 =	simm.s32 @!p2 $0x2A00;
	[tilespmem:$0x28F0] =	vst @!p2 v0  }
0x76: {  	[tilespmem:s20], [sflag:$0x1] =	stream.indirect.gather @!p2 [hbm4b:s0+s1], $0x80, s18, s1, $0xb8;
	[tilespmem:$0x1E280] =	vst v63  }
0x77: {  	_ =	swait.ge [sflag:s24], $0x4000  }
0x78: {  	[sflag:s24] =	ssyncset.done $0x0  }
0x79: {  	[sflag:s24] =	ssyncadd.s32 $0xFFFFC000  }
0x7a: {  	[spmem:s2] =	stream.indirect.scatter.add.f32 [tilespmem:s21], [sflag:$0x3], $0x80, s25, s17, $0xb8;
	[tilespmem:$0x1E280] =	vst v63  }
0x7b: {  	_ =	swait.ge [sflag:s15], $0x4000  }
0x7c: {  	[sflag:s15] =	ssyncset.done $0x0  }
0x7d: {  	p3 =	sle.u32 s5, $0x3;
	[sflag:s15] =	ssyncadd.s32 $0xFFFFC000  }
0x7e: {  	v0 =	vld @!p3 [tilespmem:s28+$0xFFFFFF90];
	_ =	sdelay $0x4  }
0x7f: {  	v1 =	vand.u32 @!p3 $0xFFFF, v0  }
0x80: {  	v0 =	vshra.s32 @!p3 v0, $0x10;
	[tilespmem:$0x2900] =	vst @!p3 v1  }
0x81: {  	[tilespmem:$0x2980] =	vst @!p3 v0  }
0x82: {  	v0 =	vld @!p3 [tilespmem:s28+$0xFFFFFFA0];
	_ =	sdelay $0x4  }
0x83: {  	v1 =	vand.u32 @!p3 $0xFFFF, v0  }
0x84: {  	v0 =	vshra.s32 @!p3 v0, $0x10;
	[tilespmem:$0x2910] =	vst @!p3 v1  }
0x85: {  	[tilespmem:$0x2990] =	vst @!p3 v0  }
0x86: {  	v0 =	vld @!p3 [tilespmem:s28+$0xFFFFFFB0];
	_ =	sdelay $0x4  }
0x87: {  	v1 =	vand.u32 @!p3 $0xFFFF, v0  }
0x88: {  	v0 =	vshra.s32 @!p3 v0, $0x10;
	[tilespmem:$0x2920] =	vst @!p3 v1  }
0x89: {  	[tilespmem:$0x29A0] =	vst @!p3 v0  }
0x8a: {  	v0 =	vld @!p3 [tilespmem:s28+$0xFFFFFFC0];
	_ =	sdelay $0x4  }
0x8b: {  	v1 =	vand.u32 @!p3 $0xFFFF, v0  }
0x8c: {  	v0 =	vshra.s32 @!p3 v0, $0x10;
	[tilespmem:$0x2930] =	vst @!p3 v1  }
0x8d: {  	[tilespmem:$0x29B0] =	vst @!p3 v0  }
0x8e: {  	v0 =	vld @!p3 [tilespmem:s28+$0xFFFFFFD0];
	_ =	sdelay $0x4  }
0x8f: {  	v1 =	vand.u32 @!p3 $0xFFFF, v0  }
0x90: {  	v0 =	vshra.s32 @!p3 v0, $0x10;
	[tilespmem:$0x2940] =	vst @!p3 v1  }
0x91: {  	[tilespmem:$0x29C0] =	vst @!p3 v0  }
0x92: {  	v0 =	vld @!p3 [tilespmem:s28+$0xFFFFFFE0]  }
0x93: {  	s29 =	sadd.s32 $0xFFFFFFFF, s10  }
0x94: {  	p2 =	sne.s32 s29, $0x0  }
.Ltmp0:
0x95: {  	_ = 	snop;
	(pc) =	sbr.rel @!p2 .LBB2_3-.Ltmp0, $4  }
0x96: {  	_ = 	snop  }
0x97: {  	v1 =	vand.u32 @!p3 $0xFFFF, v0  }
0x98: {  	s30 =	simm.s32 $0x3;
	s31 =	simm.s32 $0x1F0;
	v0 =	vshra.s32 @!p3 v0, $0x10;
	[tilespmem:$0x2950] =	vst @!p3 v1  }
0x99: {  	s1 =	simm.s32 @!p3 $0x80;
	s18 =	simm.s32 @!p3 $0x2900;
	s20 =	simm.s32 @!p3 $0x6A00;
	[tilespmem:$0x29D0] =	vst @!p3 v0  }
.LBB2_2:
0x9a: {  	s29 =	sadd.s32 $0xFFFFFFFF, s29;
	v0 =	vld @!p3 [tilespmem:s28+$0xFFFFFFF0];
	s30 =	sadd.s32 $0x2, s30;
	s31 =	sadd.s32 $0x100, s31  }
0x9b: {  	p2 =	sne.s32 s29, $0x0;
	_ =	sdelay $0x3  }
0x9c: {  	v1 =	vand.u32 @!p3 $0xFFFF, v0;
	v0 =	vshra.s32 @!p3 v0, $0x10  }
0x9d: {  	[tilespmem:$0x2960] =	vst @!p3 v1  }
0x9e: {  	[tilespmem:$0x29E0] =	vst @!p3 v0  }
0x9f: {  	v0 =	vld @!p3 [tilespmem:s28+$0x0];
	s28 =	smov.u32 s31;
	_ =	sdelay $0x4  }
0xa0: {  	v1 =	vand.u32 @!p3 $0xFFFF, v0;
	v0 =	vshra.s32 @!p3 v0, $0x10  }
0xa1: {  	[tilespmem:$0x2970] =	vst @!p3 v1  }
0xa2: {  	[tilespmem:$0x29F0] =	vst @!p3 v0  }
0xa3: {  	[tilespmem:s20], [sflag:$0x2] =	stream.indirect.gather @!p3 [hbm4b:s0+s1], $0x80, s18, s1, $0xb8;
	[tilespmem:$0x1E280] =	vst v63  }
0xa4: {  	_ =	swait.ge [sflag:s22], $0x4000  }
0xa5: {  	[sflag:s22] =	ssyncset.done $0x0  }
0xa6: {  	[sflag:s22] =	ssyncadd.s32 $0xFFFFC000  }
0xa7: {  	[spmem:s2] =	stream.indirect.scatter.add.f32 [tilespmem:s19], [sflag:$0x3], $0x80, s23, s17, $0xb8;
	[tilespmem:$0x1E280] =	vst v63  }
0xa8: {  	_ =	swait.ge [sflag:s15], $0x4000  }
0xa9: {  	s1 =	sadd.s32 $0xFFFFFFFF, s30;
	[sflag:s15] =	ssyncset.done $0x0  }
0xaa: {  	p3 =	sge.u32 s1, s5;
	[sflag:s15] =	ssyncadd.s32 $0xFFFFC000  }
0xab: {  	v0 =	vld @!p3 [tilespmem:s31+$0xFFFFFF10];
	_ =	sdelay $0x4  }
0xac: {  	v1 =	vand.u32 @!p3 $0xFFFF, v0;
	v0 =	vshra.s32 @!p3 v0, $0x10  }
0xad: {  	[tilespmem:$0x2800] =	vst @!p3 v1  }
0xae: {  	[tilespmem:$0x2880] =	vst @!p3 v0  }
0xaf: {  	v0 =	vld @!p3 [tilespmem:s31+$0xFFFFFF20];
	_ =	sdelay $0x4  }
0xb0: {  	v1 =	vand.u32 @!p3 $0xFFFF, v0;
	v0 =	vshra.s32 @!p3 v0, $0x10  }
0xb1: {  	[tilespmem:$0x2810] =	vst @!p3 v1  }
0xb2: {  	[tilespmem:$0x2890] =	vst @!p3 v0  }
0xb3: {  	v0 =	vld @!p3 [tilespmem:s31+$0xFFFFFF30];
	_ =	sdelay $0x4  }
0xb4: {  	v1 =	vand.u32 @!p3 $0xFFFF, v0;
	v0 =	vshra.s32 @!p3 v0, $0x10  }
0xb5: {  	[tilespmem:$0x2820] =	vst @!p3 v1  }
0xb6: {  	[tilespmem:$0x28A0] =	vst @!p3 v0  }
0xb7: {  	v0 =	vld @!p3 [tilespmem:s31+$0xFFFFFF40];
	_ =	sdelay $0x4  }
0xb8: {  	v1 =	vand.u32 @!p3 $0xFFFF, v0;
	v0 =	vshra.s32 @!p3 v0, $0x10  }
0xb9: {  	[tilespmem:$0x2830] =	vst @!p3 v1  }
0xba: {  	[tilespmem:$0x28B0] =	vst @!p3 v0  }
0xbb: {  	v0 =	vld @!p3 [tilespmem:s31+$0xFFFFFF50];
	_ =	sdelay $0x4  }
0xbc: {  	v1 =	vand.u32 @!p3 $0xFFFF, v0;
	v0 =	vshra.s32 @!p3 v0, $0x10  }
0xbd: {  	[tilespmem:$0x2840] =	vst @!p3 v1  }
0xbe: {  	[tilespmem:$0x28C0] =	vst @!p3 v0  }
0xbf: {  	v0 =	vld @!p3 [tilespmem:s31+$0xFFFFFF60];
	_ =	sdelay $0x4  }
0xc0: {  	v1 =	vand.u32 @!p3 $0xFFFF, v0;
	v0 =	vshra.s32 @!p3 v0, $0x10  }
0xc1: {  	[tilespmem:$0x2850] =	vst @!p3 v1  }
0xc2: {  	[tilespmem:$0x28D0] =	vst @!p3 v0  }
0xc3: {  	v0 =	vld @!p3 [tilespmem:s31+$0xFFFFFF70];
	_ =	sdelay $0x4  }
0xc4: {  	v1 =	vand.u32 @!p3 $0xFFFF, v0;
	v0 =	vshra.s32 @!p3 v0, $0x10  }
0xc5: {  	[tilespmem:$0x2860] =	vst @!p3 v1  }
0xc6: {  	s1 =	simm.s32 @!p3 $0x80;
	s18 =	simm.s32 @!p3 $0x2800;
	s20 =	simm.s32 @!p3 $0x2A00;
	[tilespmem:$0x28E0] =	vst @!p3 v0  }
0xc7: {  	v0 =	vld @!p3 [tilespmem:s31+$0xFFFFFF80];
	_ =	sdelay $0x4  }
0xc8: {  	v1 =	vand.u32 @!p3 $0xFFFF, v0;
	v0 =	vshra.s32 @!p3 v0, $0x10  }
0xc9: {  	[tilespmem:$0x2870] =	vst @!p3 v1  }
0xca: {  	[tilespmem:$0x28F0] =	vst @!p3 v0  }
0xcb: {  	[tilespmem:s20], [sflag:$0x1] =	stream.indirect.gather @!p3 [hbm4b:s0+s1], $0x80, s18, s1, $0xb8;
	[tilespmem:$0x1E280] =	vst v63  }
0xcc: {  	_ =	swait.ge [sflag:s24], $0x4000  }
0xcd: {  	[sflag:s24] =	ssyncset.done $0x0  }
0xce: {  	[sflag:s24] =	ssyncadd.s32 $0xFFFFC000  }
0xcf: {  	[spmem:s2] =	stream.indirect.scatter.add.f32 [tilespmem:s21], [sflag:$0x3], $0x80, s25, s17, $0xb8;
	[tilespmem:$0x1E280] =	vst v63  }
0xd0: {  	_ =	swait.ge [sflag:s15], $0x4000  }
0xd1: {  	[sflag:s15] =	ssyncset.done $0x0  }
0xd2: {  	p3 =	sge.u32 s30, s5;
	[sflag:s15] =	ssyncadd.s32 $0xFFFFC000  }
0xd3: {  	v0 =	vld @!p3 [tilespmem:s31+$0xFFFFFF90];
	_ =	sdelay $0x4  }
0xd4: {  	v1 =	vand.u32 @!p3 $0xFFFF, v0;
	v0 =	vshra.s32 @!p3 v0, $0x10  }
0xd5: {  	[tilespmem:$0x2900] =	vst @!p3 v1  }
0xd6: {  	[tilespmem:$0x2980] =	vst @!p3 v0  }
0xd7: {  	v0 =	vld @!p3 [tilespmem:s31+$0xFFFFFFA0];
	_ =	sdelay $0x4  }
0xd8: {  	v1 =	vand.u32 @!p3 $0xFFFF, v0;
	v0 =	vshra.s32 @!p3 v0, $0x10  }
0xd9: {  	[tilespmem:$0x2910] =	vst @!p3 v1  }
0xda: {  	[tilespmem:$0x2990] =	vst @!p3 v0  }
0xdb: {  	v0 =	vld @!p3 [tilespmem:s31+$0xFFFFFFB0];
	_ =	sdelay $0x4  }
0xdc: {  	v1 =	vand.u32 @!p3 $0xFFFF, v0;
	v0 =	vshra.s32 @!p3 v0, $0x10  }
0xdd: {  	[tilespmem:$0x2920] =	vst @!p3 v1  }
0xde: {  	[tilespmem:$0x29A0] =	vst @!p3 v0  }
0xdf: {  	v0 =	vld @!p3 [tilespmem:s31+$0xFFFFFFC0];
	_ =	sdelay $0x4  }
0xe0: {  	v1 =	vand.u32 @!p3 $0xFFFF, v0;
	v0 =	vshra.s32 @!p3 v0, $0x10  }
0xe1: {  	[tilespmem:$0x2930] =	vst @!p3 v1  }
0xe2: {  	[tilespmem:$0x29B0] =	vst @!p3 v0  }
0xe3: {  	v0 =	vld @!p3 [tilespmem:s31+$0xFFFFFFD0];
	_ =	sdelay $0x4  }
0xe4: {  	v1 =	vand.u32 @!p3 $0xFFFF, v0;
	v0 =	vshra.s32 @!p3 v0, $0x10  }
0xe5: {  	[tilespmem:$0x2940] =	vst @!p3 v1  }
0xe6: {  	[tilespmem:$0x29C0] =	vst @!p3 v0  }
0xe7: {  	v0 =	vld @!p3 [tilespmem:s31+$0xFFFFFFE0];
	_ =	sdelay $0x2  }
.Ltmp1:
0xe8: {  	(pc) =	sbr.rel @p2 .LBB2_2-.Ltmp1, $4  }
0xe9: {  	_ = 	snop  }
0xea: {  	v1 =	vand.u32 @!p3 $0xFFFF, v0;
	v0 =	vshra.s32 @!p3 v0, $0x10  }
0xeb: {  	[tilespmem:$0x2950] =	vst @!p3 v1  }
0xec: {  	s1 =	simm.s32 @!p3 $0x80;
	s18 =	simm.s32 @!p3 $0x2900;
	s20 =	simm.s32 @!p3 $0x6A00;
	[tilespmem:$0x29D0] =	vst @!p3 v0  }
.LBB2_3:
0xed: {  	v0 =	vld @!p3 [tilespmem:s28+$0xFFFFFFF0];
	_ =	sdelay $0x4  }
0xee: {  	v1 =	vand.u32 @!p3 $0xFFFF, v0  }
0xef: {  	v0 =	vshra.s32 @!p3 v0, $0x10;
	[tilespmem:$0x2960] =	vst @!p3 v1  }
0xf0: {  	[tilespmem:$0x29E0] =	vst @!p3 v0  }
0xf1: {  	v0 =	vld @!p3 [tilespmem:s28+$0x0];
	_ =	sdelay $0x4  }
0xf2: {  	v1 =	vand.u32 @!p3 $0xFFFF, v0  }
0xf3: {  	v0 =	vshra.s32 @!p3 v0, $0x10;
	[tilespmem:$0x2970] =	vst @!p3 v1  }
0xf4: {  	[tilespmem:$0x29F0] =	vst @!p3 v0  }
0xf5: {  	[tilespmem:s20], [sflag:$0x2] =	stream.indirect.gather @!p3 [hbm4b:s0+s1], $0x80, s18, s1, $0xb8;
	[tilespmem:$0x1E280] =	vst v63  }
0xf6: {  	s31 =	sadd.s32 s4, s11;
	[bflag:$0x0] =	sbarrier.arrive $0xFFFF  }
0xf7: {  	[hbm:s31], [sflag:s13] =	dma.local [spmem:s14], $0x2700  }
0xf8: {  	s3 =	sadd.s32 $0x1, s3;
	_ =	swait.ge [sflag:s15], $0x2700  }
0xf9: {  	p2 =	sne.s32 s3, s12;
	[sflag:s15] =	ssyncset.done $0x0  }
.Ltmp2:
0xfa: {  	s1 =	sadd.s32 @!p1 $0x27000, s11;
	[sflag:s15] =	ssyncadd.s32 $0xFFFFD900;
	(pc) =	sbr.rel @p2 .LBB2_1-.Ltmp2, $4  }
0xfb: {  	[hbm:s1], [sflag:s13] =	dma.local @!p1 [spmem:s16], $0x100  }
0xfc: {  	_ =	swait.ge @!p1 [sflag:s26], $0x100  }
0xfd: {  	[sflag:s26] =	ssyncset.done @!p1 $0x0  }
0xfe: {  	[sflag:s26] =	ssyncadd.s32 @!p1 $0xFFFFFF00  }
0xff: {  	_ =	sfence.sel $0x180000  }
0x100: {  	[bflag:$0x0] =	sbarrier.arrive $0xFFFF  }
0x101: {  	_ =	strace $0x9000004A  }
0x102: {  	[bflag:$0x2] =	sbarrier.arrive $0xFFFF  }
0x103: {  	s0 =	rddreg [dreg:$0x3]  }
0x104: {  	s0 =	sadd.s32 @!p1 $0x100000, s0  }
0x105: {  	[sflag:s0] =	ssyncadd.tile.s32 @!p1 $0x1;
	_ =	shalt  }
.Lfunc_end2:
_tile_overlayer_lowered:
.L_overlay_start_2:
0x106: {  	(tag) =	ssettag $0x2  }
0x107: {  	s0 =	rddreg [dreg:$0x0];
	s2 =	stileid.u32  }
0x108: {  	s1 =	rddreg [dreg:$0x1];
	p0 =	sne.s32 s2, $0x0  }
0x109: {  	s3 =	rddreg [dreg:$0x2];
	[bflag:$0x3] =	sbarrier.arrive $0xFFFF;
	s2 =	simm.s32 @!p0 $0x1C03  }
0x10a: {  	[timem:s3], [sflag:s2] =	dma.local @!p0 [hbm:s0], s1  }
0x10b: {  	s0 =	simm.s32 @!p0 $0x3  }
0x10c: {  	_ =	swait.ge @!p0 [sflag:s0], s1  }
0x10d: {  	s1 =	ssub.s32 @!p0 $0x0, s1;
	[sflag:s0] =	ssyncset.done @!p0 $0x0  }
0x10e: {  	[sflag:s0] =	ssyncadd.s32 @!p0 s1  }
0x10f: {  	[bflag:$0x3] =	sbarrier.arrive $0xFFFF  }
0x110: {  	_ =	shalt  }

// kernel: kernel.14.cloned.1.call-start
scs
__scs_entry_jumppad:
0x0: {  	(pc) =	sbr.rel $0x88, $3  }
0x1: {  	(tag) =	ssettag $0x0;
	lr =	simm.s32 $0x1  }
0x2: {  	[smem:$0x3F99] =	sst lr;
	_ =	strace $0xD0000000  }
0x3: {  	_ = 	snop  }
0x4: {  	_ = 	snop  }
0x5: {  	_ = 	snop  }
0x6: {  	_ = 	snop  }
0x7: {  	_ = 	snop  }
__scs_overlays_trampoline_lowered:
0x8: {  	[smem:$0x3FA8] =	sst s0  }
0x9: {  	[smem:$0x3FA9] =	sst s1  }
0xa: {  	[smem:$0x3FAA] =	sst s2  }
0xb: {  	[smem:$0x3FAB] =	sst s3  }
0xc: {  	[smem:$0x3FAC] =	sst s4  }
0xd: {  	[smem:$0x3FAD] =	sst s5  }
0xe: {  	[smem:$0x3FAE] =	sst s6  }
0xf: {  	[smem:$0x3FAF] =	sst s7  }
0x10: {  	[smem:$0x3FB0] =	sst s8  }
0x11: {  	[smem:$0x3FB1] =	sst s9;
	s0 =	simm.s32 @!p0 $0x0  }
0x12: {  	s1 =	sld [smem:$0x3F97];
	s0 =	simm.s32 @p0 $0x1  }
0x13: {  	[smem:$0x3FB2] =	sst s0;
	s0 =	simm.s32 @!p1 $0x0  }
0x14: {  	s2 =	sld [smem:$0x3F96];
	s0 =	simm.s32 @p1 $0x1  }
0x15: {  	[smem:$0x3FB3] =	sst s0;
	s0 =	simm.s32 @!p2 $0x0  }
0x16: {  	s3 =	sld [smem:$0x3FDB];
	s0 =	simm.s32 @p2 $0x1  }
0x17: {  	s4 =	simm.s32 $0x1BF5;
	[smem:$0x3FB5] =	sst s0  }
0x18: {  	s0 =	sld [smem:$0x3F98];
	_ =	swait.ge [sflag:s4], $0x0  }
0x19: {  	s7 =	sld [smem:$0x3F99]  }
0x1a: {  	s8 =	sadd.s32 $0xFFFFE003, lr  }
0x1b: {  	s9 =	sadd.s32 $0xFFFFFEF7, lr;
	s5 =	simm.s32 $0xFFFFFFFF;
	p2 =	slt.u32 s8, $0xFFFFF086  }
0x1c: {  	p1 =	slt.u32 s9, $0xF7A;
	s5 =	simm.s32 @!p2 $0x0  }
0x1d: {  	s5 =	simm.s32 @p1 $0x1;
	p0 =	seq.s32 s7, s2  }
0x1e: {  	s7 =	smul.u32 @!p0 $0xF7A, s2;
	p2 =	seq.s32 @!p0 s5, $0x0  }
0x1f: {  	s9 =	smul.u32 $0xF7A, s1;
	s8 =	simm.s32 @!p0 $0x1BF5;
	p2 =	por !p2, p0  }
0x20: {  	[sflag:s8] =	ssyncset.s32 @!p0 $0xFFFFF086;
	s6 =	sadd.s32 @!p0 s3, s7;
	s7 =	simm.s32 @!p0 $0x108  }
0x21: {  	s3 =	sadd.s32 s3, s9;
	s6 =	sadd.s32 @!p0 $0x88, s6;
	s7 =	simm.s32 @p2 $0x1082  }
0x22: {  	[simem:s7], [sflag:s8] =	dma.local @!p0 [hbm:s6], $0xF7A  }
0x23: {  	s9 =	sor.u32 $0xD0000000, s2;
	s6 =	simm.s32 $0x108;
	_ =	swait.ge @!p0 [sflag:s8], $0x0  }
0x24: {  	s3 =	sadd.s32 $0x88, s3;
	s6 =	simm.s32 @!p1 $0x1082;
	[sflag:s4] =	ssyncset.s32 $0xFFFFF086  }
0x25: {  	[simem:s6], [sflag:s4] =	dma.local [hbm:s3], $0xF7A  }
0x26: {  	[smem:$0x3F99] =	sst s1;
	(tag) =	ssettag s2;
	_ =	strace s9  }
0x27: {  	s1 =	sld [smem:$0x3FA9]  }
0x28: {  	s2 =	sld [smem:$0x3FAA]  }
0x29: {  	s4 =	sld [smem:$0x3FAC]  }
0x2a: {  	p0 =	seq.s32 s5, $0x0;
	s5 =	sld [smem:$0x3FAD]  }
0x2b: {  	s6 =	sld [smem:$0x3FAE]  }
0x2c: {  	s7 =	sld [smem:$0x3FAF]  }
0x2d: {  	s3 =	simm.s32 $0x108;
	s8 =	sld [smem:$0x3FB0]  }
0x2e: {  	s3 =	simm.s32 @!p0 $0x1082;
	s9 =	sld [smem:$0x3FB1]  }
0x2f: {  	lr =	sadd.s32 s0, s3;
	s0 =	sld [smem:$0x3FA8]  }
0x30: {  	s3 =	sld [smem:$0x3FAB]  }
0x31: {  	[smem:$0x3FB4] =	sst s10  }
0x32: {  	s10 =	sld [smem:$0x3FB2];
	_ =	sdelay $0x3  }
0x33: {  	p0 =	seq.s32 s10, $0x1;
	s10 =	sld [smem:$0x3FB4];
	_ =	sdelay $0x3  }
0x34: {  	[smem:$0x3FB4] =	sst s10  }
0x35: {  	s10 =	sld [smem:$0x3FB3];
	_ =	sdelay $0x3  }
0x36: {  	p1 =	seq.s32 s10, $0x1;
	s10 =	sld [smem:$0x3FB4];
	_ =	sdelay $0x3  }
0x37: {  	[smem:$0x3FB4] =	sst s10  }
0x38: {  	s10 =	sld [smem:$0x3FB5]  }
0x39: {  	_ = 	snop;
	(pc) =	sbr.ind lr, $3  }
0x3a: {  	_ = 	snop  }
0x3b: {  	_ = 	snop  }
0x3c: {  	p2 =	seq.s32 s10, $0x1;
	s10 =	sld [smem:$0x3FB4]  }
0x3d: {  	_ =	shalt  }
0x3e: {  	_ =	shalt  }
0x3f: {  	_ =	shalt  }
0x40: {  	_ =	shalt  }
0x41: {  	_ =	shalt  }
0x42: {  	_ =	shalt  }
0x43: {  	_ =	shalt  }
0x44: {  	_ =	shalt  }
0x45: {  	_ =	shalt  }
0x46: {  	_ =	shalt  }
0x47: {  	_ =	shalt  }
0x48: {  	_ =	shalt  }
0x49: {  	_ =	shalt  }
0x4a: {  	_ =	shalt  }
0x4b: {  	_ =	shalt  }
0x4c: {  	_ =	shalt  }
0x4d: {  	_ =	shalt  }
0x4e: {  	_ =	shalt  }
0x4f: {  	_ =	shalt  }
0x50: {  	_ =	shalt  }
0x51: {  	_ =	shalt  }
0x52: {  	_ =	shalt  }
0x53: {  	_ =	shalt  }
0x54: {  	_ =	shalt  }
0x55: {  	_ =	shalt  }
0x56: {  	_ =	shalt  }
0x57: {  	_ =	shalt  }
0x58: {  	_ =	shalt  }
0x59: {  	_ =	shalt  }
0x5a: {  	_ =	shalt  }
0x5b: {  	_ =	shalt  }
0x5c: {  	_ =	shalt  }
0x5d: {  	_ =	shalt  }
0x5e: {  	_ =	shalt  }
0x5f: {  	_ =	shalt  }
0x60: {  	_ =	shalt  }
0x61: {  	_ =	shalt  }
0x62: {  	_ =	shalt  }
0x63: {  	_ =	shalt  }
0x64: {  	_ =	shalt  }
0x65: {  	_ =	shalt  }
0x66: {  	_ =	shalt  }
0x67: {  	_ =	shalt  }
0x68: {  	_ =	shalt  }
0x69: {  	_ =	shalt  }
0x6a: {  	_ =	shalt  }
0x6b: {  	_ =	shalt  }
0x6c: {  	_ =	shalt  }
0x6d: {  	_ =	shalt  }
0x6e: {  	_ =	shalt  }
0x6f: {  	_ =	shalt  }
0x70: {  	_ =	shalt  }
0x71: {  	_ =	shalt  }
0x72: {  	_ =	shalt  }
0x73: {  	_ =	shalt  }
0x74: {  	_ =	shalt  }
0x75: {  	_ =	shalt  }
0x76: {  	_ =	shalt  }
0x77: {  	_ =	shalt  }
0x78: {  	_ =	shalt  }
0x79: {  	_ =	shalt  }
0x7a: {  	_ =	shalt  }
0x7b: {  	_ =	shalt  }
0x7c: {  	_ =	shalt  }
0x7d: {  	_ =	shalt  }
0x7e: {  	_ =	shalt  }
0x7f: {  	_ =	shalt  }
0x80: {  	_ =	shalt  }
0x81: {  	_ =	shalt  }
0x82: {  	_ =	shalt  }
0x83: {  	_ =	shalt  }
0x84: {  	_ =	shalt  }
0x85: {  	_ =	shalt  }
0x86: {  	_ =	shalt  }
0x87: {  	_ =	shalt  }
.Lfunc_end0:
.L_simem_size_0:
called_computation.2_lowered:
.L_overlay_start_0:
0x88: {  	s2 =	sld [smem:$0x3FD9]  }
0x89: {  	s3 =	sld [smem:$0x3FFE];
	_ =	sdelay $0x1  }
0x8a: {  	s1 =	srdreg.scid  }
0x8b: {  	s0 =	sand.u32 $0x1, s1  }
0x8c: {  	s17 =	sshll.u32 s0, $0xA;
	s2 =	sadd.s32 s3, s2  }
0x8d: {  	s2 =	sadd.s32 s2, s17  }
0x8e: {  	[smem:$0x3FC0] =	sst s2  }
0x8f: {  	_ = 	snop  }
0x90: {  	s2 =	sld [smem:$0x3FD0];
	(tm) =	ssettm $0x1  }
0x91: {  	s18 =	sld [smem:$0x3FFB];
	_ =	sdelay $0x3  }
0x92: {  	_ =	strace s18  }
0x93: {  	s3 =	sld [smem:$0x3FFC];
	_ =	sdelay $0x3  }
0x94: {  	_ =	strace s3  }
0x95: {  	s3 =	sld [smem:$0x3FFD];
	_ =	sdelay $0x3  }
0x96: {  	_ =	strace s3  }
0x97: {  	_ =	strace $0x8FFFFFFF  }
0x98: {  	s19 =	sld [smem:$0x3FDB];
	_ =	sdelay $0x1  }
0x99: {  	s4 =	simm.s32 $_scs_section_size  }
0x9a: {  	s5 =	simm.s32 $_size__tile_overlayer_lowered;
	s6 =	simm.s32 $_tile_overlayer_lowered  }
0x9b: {  	s22 =	simm.s32 $0x1BFF;
	s21 =	sshll.u32 s6, $0x1;
	s3 =	sadd.s32 s4, s19  }
0x9c: {  	s7 =	simm.s32 $0x0;
	s20 =	sshll.u32 s5, $0x1;
	s5 =	sadd.s32 s21, s3  }
0x9d: {  	[timem:s7], [sflag:s22] =	dma.local [hbm:s5], s20  }
0x9e: {  	_ =	swait.ge [sflag:s22], s20  }
0x9f: {  	s4 =	ssub.s32 $0x0, s20;
	[sflag:s22] =	ssyncset.done $0x0  }
0xa0: {  	[sflag:s22] =	ssyncadd.s32 s4;
	_ =	sdelay $0x1  }
0xa1: {  	s23 =	simm.s32 $0x1B8B  }
0xa2: {  	_ =	swait.ge [sflag:s23], $0x1  }
0xa3: {  	[sflag:s23] =	ssyncset.done $0x0  }
0xa4: {  	s25 =	simm.s32 $0x1B8E;
	s24 =	sld [smem:$0x3FFE];
	[sflag:s23] =	ssyncadd.s32 $0xFFFFFFFF  }
0xa5: {  	s26 =	simm.s32 $execute0_lowered;
	[smem:$0x3FD2] =	sst s25  }
0xa6: {  	s5 =	sshll.u32 s26, $0x1;
	_ =	strace $0x8000004C;
	[dreg:$0x1] =	wrdreg $0xFFFFFFFF  }
0xa7: {  	s28 =	simm.s32 $_size_execute0_lowered;
	s3 =	sadd.s32 s3, s5;
	[dreg:$0x0] =	wrdreg $0x0  }
0xa8: {  	s5 =	sshll.u32 s28, $0x1;
	[dreg:$0x2] =	wrdreg s3  }
0xa9: {  	[dreg:$0x3] =	wrdreg s5  }
0xaa: {  	[dreg:$0x4] =	wrdreg $0xC0  }
0xab: {  	_ =	task [dreg:s7], $0x5FFFF  }
0xac: {  	[dreg:$0x1] =	wrdreg $0xFFFFFFFF  }
0xad: {  	[dreg:$0x0] =	wrdreg $0x60  }
0xae: {  	[dreg:$0x2] =	wrdreg s2  }
0xaf: {  	[dreg:$0x3] =	wrdreg s24  }
0xb0: {  	[dreg:$0x4] =	wrdreg $0xAA000  }
0xb1: {  	[dreg:$0x5] =	wrdreg $0x9  }
0xb2: {  	_ =	task.clear_ibuf [dreg:s7], $0x6FFFF;
	_ =	strace $0x9000004C  }
0xb3: {  	s29 =	simm.s32 $0x9;
	_ =	strace $0x8000004E  }
0xb4: {  	_ =	swait.ge [sflag:s29], $0x1  }
0xb5: {  	[sflag:s29] =	ssyncadd.s32 $0xFFFFFFFF  }
0xb6: {  	_ =	strace $0x9000004E  }
0xb7: {  	_ =	sfence  }
0xb8: {  	s30 =	sld [smem:$0x0];
	_ =	sdelay $0x2  }
0xb9: {  	s31 =	sshll.u32 s1, $0xD;
	s1 =	sshrl.u32 s1, $0x2  }
0xba: {  	s3 =	sand.u32 $0x4000, s31;
	s1 =	sadd.s32 s1, s30  }
0xbb: {  	s0 =	sor.u32 s3, s0;
	s1 =	sshll.u32 s1, $0x11  }
0xbc: {  	s0 =	sor.u32 s1, s0  }
0xbd: {  	s0 =	sadd.s32 $0x8F2B, s0  }
0xbe: {  	[sflag:s0] =	ssyncadd.remote.s32 $0x1  }
0xbf: {  	_ =	sfence.sel $0xFFFF  }
0xc0: {  	[dreg:$0x0] =	wrdreg $0xFFFFFFFF;
	(pc) =	sbr.abs _section_cstart, $3  }
0xc1: {  	[dreg:$0x1] =	wrdreg $0xFFFFFFFF  }
0xc2: {  	_ =	task.clear_ibuf [dreg:s7], $0x2FFFF;
	_ =	strace $0x9FFFFFFF  }
0xc3: {  	(tm) =	ssettm $0x7FFFFFFF  }
tec
execute0_lowered:
.L_overlay_start_1:
0x0: {  	(tag) =	ssettag $0x1  }
0x1: {  	s1 =	srdreg.scid;
	s0 =	rddreg [dreg:$0x0]  }
0x2: {  	s13 =	stileid.u32;
	s9 =	rddreg [dreg:$0x1];
	s3 =	simm.s32 $0x0  }
0x3: {  	s17 =	simm.s32 $0x80;
	s19 =	simm.s32 $0x2A00;
	s21 =	simm.s32 $0x6A00  }
0x4: {  	s22 =	simm.s32 $0x1;
	s23 =	simm.s32 $0x2880;
	s24 =	simm.s32 $0x2  }
0x5: {  	s25 =	simm.s32 $0x2980;
	s1 =	sand.u32 $0x1, s1;
	s4 =	smul.u32 $0x2700, s13  }
0x6: {  	s2 =	sshll.u32 s13, $0x1;
	[smem:$0x7FF] =	sst s3;
	s30 =	smul.u32 $0x4E000, s13  }
0x7: {  	s15 =	sshll.u32 s13, $0x6;
	p1 =	sne.s32 s13, $0x0;
	s5 =	sor.u32 s1, s2  }
0x8: {  	s2 =	rddreg [dreg:$0x2];
	s7 =	smul.u32 $0x27100, s1;
	_ =	strace $0x8000004D  }
0x9: {  	s1 =	ssub.s32 $0x2, s1;
	s13 =	sor.u32 $0x1C03, s15;
	s15 =	simm.s32 $0x3  }
0xa: {  	s6 =	smul.u32 $0x500, s5;
	s8 =	sadd.s32 s4, s9;
	s10 =	sshrl.u32 s1, $0x1  }
0xb: {  	p0 =	seq.s32 s5, $0x1F;
	s5 =	simm.s32 $0x14;
	s31 =	sshrl.u32 s30, $0x2  }
0xc: {  	s16 =	sadd.s32 $0x138000, s2;
	s11 =	sadd.s32 s7, s9;
	s1 =	ssub.s32 s1, s10  }
0xd: {  	s5 =	simm.s32 @!p0 $0x50;
	s7 =	sadd.s32 $0xDB00, s9;
	s14 =	sadd.s32 s31, s2  }
0xe: {  	s8 =	sadd.s32 $0xDE00, s8;
	s16 =	sshrl.u32 @!p1 s16, $0x3;
	s6 =	sadd.s32 s6, s9  }
0xf: {  	s9 =	sadd.s32 $0x34E00, s9;
	s10 =	sshrl.u32 s5, $0x1;
	s11 =	sadd.s32 $0x35000, s11  }
0x10: {  	s12 =	smax.u32 s1, $0x1;
	s14 =	sshrl.u32 s14, $0x3;
	s6 =	sadd.s32 $0x4000, s6  }
.LBB2_1:
0x11: {  	s1 =	simm.s32 @p0 $0x0  }
0x12: {  	[tilespmem:s1], [sflag:$0x3] =	stream.linear.gather @p0 [hbm4b:s7+s1], $0xA00, $0x38;
	[tilespmem:$0x1E280] =	vst v63  }
0x13: {  	s1 =	simm.s32 @p0 $0x3  }
0x14: {  	_ =	swait.ge @p0 [sflag:s1], $0xA00  }
0x15: {  	[sflag:s1] =	ssyncset.done @p0 $0x0  }
0x16: {  	[sflag:s1] =	ssyncadd.s32 @p0 $0xFFFFF600;
	s1 =	simm.s32 @!p0 $0x0  }
0x17: {  	[tilespmem:s1], [sflag:$0x3] =	stream.linear.gather @!p0 [hbm4b:s6+s1], $0x2800, $0x38;
	[tilespmem:$0x1E280] =	vst v63  }
0x18: {  	s1 =	simm.s32 @!p0 $0x3  }
0x19: {  	_ =	swait.ge @!p0 [sflag:s1], $0x2800  }
0x1a: {  	[sflag:s1] =	ssyncset.done @!p0 $0x0  }
0x1b: {  	[sflag:s1] =	ssyncadd.s32 @!p0 $0xFFFFD800  }
0x1c: {  	[spmem:s14], [sflag:s13] =	dma.local [hbm:s8], $0x2700  }
0x1d: {  	_ =	swait.ge [sflag:s15], $0x2700  }
0x1e: {  	[sflag:s15] =	ssyncset.done $0x0  }
0x1f: {  	s26 =	simm.s32 @!p1 $0x3;
	[sflag:s15] =	ssyncadd.s32 $0xFFFFD900  }
0x20: {  	[spmem:s16], [sflag:s13] =	dma.local @!p1 [hbm:s9], $0x100  }
0x21: {  	_ =	swait.ge @!p1 [sflag:s26], $0x100  }
0x22: {  	[sflag:s26] =	ssyncset.done @!p1 $0x0  }
0x23: {  	[sflag:s26] =	ssyncadd.s32 @!p1 $0xFFFFFF00  }
0x24: {  	[bflag:$0x0] =	sbarrier.arrive $0xFFFF  }
0x25: {  	v0 =	vld [tilespmem:$0x0];
	_ =	sdelay $0x1  }
0x26: {  	v1 =	vld [tilespmem:$0x10];
	_ =	sdelay $0x1  }
0x27: {  	v2 =	vld [tilespmem:$0x20]  }
0x28: {  	v3 =	vand.u32 $0xFFFF, v0  }
0x29: {  	v22 =	vld [tilespmem:$0x30];
	v0 =	vshra.s32 v0, $0x10;
	[tilespmem:$0x2800] =	vst v3  }
0x2a: {  	v23 =	vand.u32 $0xFFFF, v1;
	[tilespmem:$0x2880] =	vst v0  }
0x2b: {  	v25 =	vld [tilespmem:$0x40];
	v24 =	vshra.s32 v1, $0x10;
	[tilespmem:$0x2810] =	vst v23  }
0x2c: {  	v26 =	vand.u32 $0xFFFF, v2;
	[tilespmem:$0x2890] =	vst v24  }
0x2d: {  	v28 =	vld [tilespmem:$0x50];
	v27 =	vshra.s32 v2, $0x10;
	[tilespmem:$0x2820] =	vst v26  }
0x2e: {  	v29 =	vand.u32 $0xFFFF, v22;
	[tilespmem:$0x28A0] =	vst v27  }
0x2f: {  	v31 =	vld [tilespmem:$0x60];
	v30 =	vshra.s32 v22, $0x10;
	[tilespmem:$0x2830] =	vst v29  }
0x30: {  	v32 =	vand.u32 $0xFFFF, v25;
	[tilespmem:$0x28B0] =	vst v30  }
0x31: {  	v34 =	vld [tilespmem:$0x70];
	v33 =	vshra.s32 v25, $0x10;
	[tilespmem:$0x2840] =	vst v32  }
0x32: {  	v35 =	vand.u32 $0xFFFF, v28;
	[tilespmem:$0x28C0] =	vst v33  }
0x33: {  	v36 =	vshra.s32 v28, $0x10;
	[tilespmem:$0x2850] =	vst v35  }
0x34: {  	v37 =	vand.u32 $0xFFFF, v31;
	[tilespmem:$0x28D0] =	vst v36  }
0x35: {  	v38 =	vshra.s32 v31, $0x10;
	[tilespmem:$0x2860] =	vst v37  }
0x36: {  	v39 =	vand.u32 $0xFFFF, v34;
	[tilespmem:$0x28E0] =	vst v38  }
0x37: {  	v40 =	vshra.s32 v34, $0x10;
	[tilespmem:$0x2870] =	vst v39  }
0x38: {  	s18 =	simm.s32 $0x2800;
	[tilespmem:$0x28F0] =	vst v40  }
0x39: {  	[tilespmem:s19], [sflag:$0x1] =	stream.indirect.gather [hbm4b:s0+s17], $0x80, s18, s17, $0xb8;
	[tilespmem:$0x1E280] =	vst v63  }
0x3a: {  	v41 =	vld [tilespmem:$0x80];
	_ =	sdelay $0x1  }
0x3b: {  	v42 =	vld [tilespmem:$0x90];
	_ =	sdelay $0x1  }
0x3c: {  	v43 =	vld [tilespmem:$0xA0]  }
0x3d: {  	v44 =	vand.u32 $0xFFFF, v41  }
0x3e: {  	v45 =	vld [tilespmem:$0xB0];
	v0 =	vshra.s32 v41, $0x10;
	[tilespmem:$0x2900] =	vst v44  }
0x3f: {  	v46 =	vand.u32 $0xFFFF, v42;
	[tilespmem:$0x2980] =	vst v0  }
0x40: {  	v48 =	vld [tilespmem:$0xC0];
	v47 =	vshra.s32 v42, $0x10;
	[tilespmem:$0x2910] =	vst v46  }
0x41: {  	v49 =	vand.u32 $0xFFFF, v43;
	[tilespmem:$0x2990] =	vst v47  }
0x42: {  	v51 =	vld [tilespmem:$0xD0];
	v50 =	vshra.s32 v43, $0x10;
	[tilespmem:$0x2920] =	vst v49  }
0x43: {  	v52 =	vand.u32 $0xFFFF, v45;
	[tilespmem:$0x29A0] =	vst v50  }
0x44: {  	v54 =	vld [tilespmem:$0xE0];
	v53 =	vshra.s32 v45, $0x10;
	[tilespmem:$0x2930] =	vst v52  }
0x45: {  	v55 =	vand.u32 $0xFFFF, v48;
	[tilespmem:$0x29B0] =	vst v53  }
0x46: {  	v57 =	vld [tilespmem:$0xF0];
	v56 =	vshra.s32 v48, $0x10;
	[tilespmem:$0x2940] =	vst v55  }
0x47: {  	v58 =	vand.u32 $0xFFFF, v51;
	[tilespmem:$0x29C0] =	vst v56  }
0x48: {  	v59 =	vshra.s32 v51, $0x10;
	[tilespmem:$0x2950] =	vst v58  }
0x49: {  	v60 =	vand.u32 $0xFFFF, v54;
	[tilespmem:$0x29D0] =	vst v59  }
0x4a: {  	v61 =	vshra.s32 v54, $0x10;
	[tilespmem:$0x2960] =	vst v60  }
0x4b: {  	v62 =	vand.u32 $0xFFFF, v57;
	[tilespmem:$0x29E0] =	vst v61  }
0x4c: {  	v63 =	vshra.s32 v57, $0x10;
	[tilespmem:$0x2970] =	vst v62  }
0x4d: {  	s20 =	simm.s32 $0x2900;
	[tilespmem:$0x29F0] =	vst v63  }
0x4e: {  	[tilespmem:s21], [sflag:$0x2] =	stream.indirect.gather [hbm4b:s0+s17], $0x80, s20, s17, $0xb8;
	[tilespmem:$0x1E280] =	vst v63  }
0x4f: {  	_ =	swait.ge [sflag:s22], $0x4000  }
0x50: {  	[sflag:s22] =	ssyncset.done $0x0  }
0x51: {  	[sflag:s22] =	ssyncadd.s32 $0xFFFFC000  }
0x52: {  	[spmem:s2] =	stream.indirect.scatter.add.f32 [tilespmem:s19], [sflag:$0x3], $0x80, s23, s17, $0xb8;
	[tilespmem:$0x1E280] =	vst v63  }
0x53: {  	_ =	swait.ge [sflag:s15], $0x4000  }
0x54: {  	[sflag:s15] =	ssyncset.done $0x0  }
0x55: {  	s28 =	simm.s32 $0x1F0;
	p2 =	sle.u32 s5, $0x2;
	[sflag:s15] =	ssyncadd.s32 $0xFFFFC000  }
0x56: {  	v0 =	vld @!p2 [tilespmem:s28+$0xFFFFFF10];
	_ =	sdelay $0x4  }
0x57: {  	v1 =	vand.u32 @!p2 $0xFFFF, v0  }
0x58: {  	v0 =	vshra.s32 @!p2 v0, $0x10;
	[tilespmem:$0x2800] =	vst @!p2 v1  }
0x59: {  	[tilespmem:$0x2880] =	vst @!p2 v0  }
0x5a: {  	v0 =	vld @!p2 [tilespmem:s28+$0xFFFFFF20];
	_ =	sdelay $0x4  }
0x5b: {  	v1 =	vand.u32 @!p2 $0xFFFF, v0  }
0x5c: {  	v0 =	vshra.s32 @!p2 v0, $0x10;
	[tilespmem:$0x2810] =	vst @!p2 v1  }
0x5d: {  	[tilespmem:$0x2890] =	vst @!p2 v0  }
0x5e: {  	v0 =	vld @!p2 [tilespmem:s28+$0xFFFFFF30];
	_ =	sdelay $0x4  }
0x5f: {  	v1 =	vand.u32 @!p2 $0xFFFF, v0  }
0x60: {  	v0 =	vshra.s32 @!p2 v0, $0x10;
	[tilespmem:$0x2820] =	vst @!p2 v1  }
0x61: {  	[tilespmem:$0x28A0] =	vst @!p2 v0  }
0x62: {  	v0 =	vld @!p2 [tilespmem:s28+$0xFFFFFF40];
	_ =	sdelay $0x4  }
0x63: {  	v1 =	vand.u32 @!p2 $0xFFFF, v0  }
0x64: {  	v0 =	vshra.s32 @!p2 v0, $0x10;
	[tilespmem:$0x2830] =	vst @!p2 v1  }
0x65: {  	[tilespmem:$0x28B0] =	vst @!p2 v0  }
0x66: {  	v0 =	vld @!p2 [tilespmem:s28+$0xFFFFFF50];
	_ =	sdelay $0x4  }
0x67: {  	v1 =	vand.u32 @!p2 $0xFFFF, v0  }
0x68: {  	v0 =	vshra.s32 @!p2 v0, $0x10;
	[tilespmem:$0x2840] =	vst @!p2 v1  }
0x69: {  	[tilespmem:$0x28C0] =	vst @!p2 v0  }
0x6a: {  	v0 =	vld @!p2 [tilespmem:s28+$0xFFFFFF60];
	_ =	sdelay $0x4  }
0x6b: {  	v1 =	vand.u32 @!p2 $0xFFFF, v0  }
0x6c: {  	v0 =	vshra.s32 @!p2 v0, $0x10;
	[tilespmem:$0x2850] =	vst @!p2 v1  }
0x6d: {  	[tilespmem:$0x28D0] =	vst @!p2 v0  }
0x6e: {  	v0 =	vld @!p2 [tilespmem:s28+$0xFFFFFF70];
	_ =	sdelay $0x4  }
0x6f: {  	v1 =	vand.u32 @!p2 $0xFFFF, v0  }
0x70: {  	v0 =	vshra.s32 @!p2 v0, $0x10;
	[tilespmem:$0x2860] =	vst @!p2 v1  }
0x71: {  	[tilespmem:$0x28E0] =	vst @!p2 v0  }
0x72: {  	v0 =	vld @!p2 [tilespmem:s28+$0xFFFFFF80];
	_ =	sdelay $0x4  }
0x73: {  	v1 =	vand.u32 @!p2 $0xFFFF, v0  }
0x74: {  	v0 =	vshra.s32 @!p2 v0, $0x10;
	[tilespmem:$0x2870] =	vst @!p2 v1  }
0x75: {  	s1 =	simm.s32 @!p2 $0x80;
	s18 =	simm.s32 @!p2 $0x2800;
	s20 =	simm.s32 @!p2 $0x2A00;
	[tilespmem:$0x28F0] =	vst @!p2 v0  }
0x76: {  	[tilespmem:s20], [sflag:$0x1] =	stream.indirect.gather @!p2 [hbm4b:s0+s1], $0x80, s18, s1, $0xb8;
	[tilespmem:$0x1E280] =	vst v63  }
0x77: {  	_ =	swait.ge [sflag:s24], $0x4000  }
0x78: {  	[sflag:s24] =	ssyncset.done $0x0  }
0x79: {  	[sflag:s24] =	ssyncadd.s32 $0xFFFFC000  }
0x7a: {  	[spmem:s2] =	stream.indirect.scatter.add.f32 [tilespmem:s21], [sflag:$0x3], $0x80, s25, s17, $0xb8;
	[tilespmem:$0x1E280] =	vst v63  }
0x7b: {  	_ =	swait.ge [sflag:s15], $0x4000  }
0x7c: {  	[sflag:s15] =	ssyncset.done $0x0  }
0x7d: {  	p3 =	sle.u32 s5, $0x3;
	[sflag:s15] =	ssyncadd.s32 $0xFFFFC000  }
0x7e: {  	v0 =	vld @!p3 [tilespmem:s28+$0xFFFFFF90];
	_ =	sdelay $0x4  }
0x7f: {  	v1 =	vand.u32 @!p3 $0xFFFF, v0  }
0x80: {  	v0 =	vshra.s32 @!p3 v0, $0x10;
	[tilespmem:$0x2900] =	vst @!p3 v1  }
0x81: {  	[tilespmem:$0x2980] =	vst @!p3 v0  }
0x82: {  	v0 =	vld @!p3 [tilespmem:s28+$0xFFFFFFA0];
	_ =	sdelay $0x4  }
0x83: {  	v1 =	vand.u32 @!p3 $0xFFFF, v0  }
0x84: {  	v0 =	vshra.s32 @!p3 v0, $0x10;
	[tilespmem:$0x2910] =	vst @!p3 v1  }
0x85: {  	[tilespmem:$0x2990] =	vst @!p3 v0  }
0x86: {  	v0 =	vld @!p3 [tilespmem:s28+$0xFFFFFFB0];
	_ =	sdelay $0x4  }
0x87: {  	v1 =	vand.u32 @!p3 $0xFFFF, v0  }
0x88: {  	v0 =	vshra.s32 @!p3 v0, $0x10;
	[tilespmem:$0x2920] =	vst @!p3 v1  }
0x89: {  	[tilespmem:$0x29A0] =	vst @!p3 v0  }
0x8a: {  	v0 =	vld @!p3 [tilespmem:s28+$0xFFFFFFC0];
	_ =	sdelay $0x4  }
0x8b: {  	v1 =	vand.u32 @!p3 $0xFFFF, v0  }
0x8c: {  	v0 =	vshra.s32 @!p3 v0, $0x10;
	[tilespmem:$0x2930] =	vst @!p3 v1  }
0x8d: {  	[tilespmem:$0x29B0] =	vst @!p3 v0  }
0x8e: {  	v0 =	vld @!p3 [tilespmem:s28+$0xFFFFFFD0];
	_ =	sdelay $0x4  }
0x8f: {  	v1 =	vand.u32 @!p3 $0xFFFF, v0  }
0x90: {  	v0 =	vshra.s32 @!p3 v0, $0x10;
	[tilespmem:$0x2940] =	vst @!p3 v1  }
0x91: {  	[tilespmem:$0x29C0] =	vst @!p3 v0  }
0x92: {  	v0 =	vld @!p3 [tilespmem:s28+$0xFFFFFFE0]  }
0x93: {  	s29 =	sadd.s32 $0xFFFFFFFF, s10  }
0x94: {  	p2 =	sne.s32 s29, $0x0  }
.Ltmp0:
0x95: {  	_ = 	snop;
	(pc) =	sbr.rel @!p2 .LBB2_3-.Ltmp0, $4  }
0x96: {  	_ = 	snop  }
0x97: {  	v1 =	vand.u32 @!p3 $0xFFFF, v0  }
0x98: {  	s30 =	simm.s32 $0x3;
	s31 =	simm.s32 $0x1F0;
	v0 =	vshra.s32 @!p3 v0, $0x10;
	[tilespmem:$0x2950] =	vst @!p3 v1  }
0x99: {  	s1 =	simm.s32 @!p3 $0x80;
	s18 =	simm.s32 @!p3 $0x2900;
	s20 =	simm.s32 @!p3 $0x6A00;
	[tilespmem:$0x29D0] =	vst @!p3 v0  }
.LBB2_2:
0x9a: {  	s29 =	sadd.s32 $0xFFFFFFFF, s29;
	v0 =	vld @!p3 [tilespmem:s28+$0xFFFFFFF0];
	s30 =	sadd.s32 $0x2, s30;
	s31 =	sadd.s32 $0x100, s31  }
0x9b: {  	p2 =	sne.s32 s29, $0x0;
	_ =	sdelay $0x3  }
0x9c: {  	v1 =	vand.u32 @!p3 $0xFFFF, v0;
	v0 =	vshra.s32 @!p3 v0, $0x10  }
0x9d: {  	[tilespmem:$0x2960] =	vst @!p3 v1  }
0x9e: {  	[tilespmem:$0x29E0] =	vst @!p3 v0  }
0x9f: {  	v0 =	vld @!p3 [tilespmem:s28+$0x0];
	s28 =	smov.u32 s31;
	_ =	sdelay $0x4  }
0xa0: {  	v1 =	vand.u32 @!p3 $0xFFFF, v0;
	v0 =	vshra.s32 @!p3 v0, $0x10  }
0xa1: {  	[tilespmem:$0x2970] =	vst @!p3 v1  }
0xa2: {  	[tilespmem:$0x29F0] =	vst @!p3 v0  }
0xa3: {  	[tilespmem:s20], [sflag:$0x2] =	stream.indirect.gather @!p3 [hbm4b:s0+s1], $0x80, s18, s1, $0xb8;
	[tilespmem:$0x1E280] =	vst v63  }
0xa4: {  	_ =	swait.ge [sflag:s22], $0x4000  }
0xa5: {  	[sflag:s22] =	ssyncset.done $0x0  }
0xa6: {  	[sflag:s22] =	ssyncadd.s32 $0xFFFFC000  }
0xa7: {  	[spmem:s2] =	stream.indirect.scatter.add.f32 [tilespmem:s19], [sflag:$0x3], $0x80, s23, s17, $0xb8;
	[tilespmem:$0x1E280] =	vst v63  }
0xa8: {  	_ =	swait.ge [sflag:s15], $0x4000  }
0xa9: {  	s1 =	sadd.s32 $0xFFFFFFFF, s30;
	[sflag:s15] =	ssyncset.done $0x0  }
0xaa: {  	p3 =	sge.u32 s1, s5;
	[sflag:s15] =	ssyncadd.s32 $0xFFFFC000  }
0xab: {  	v0 =	vld @!p3 [tilespmem:s31+$0xFFFFFF10];
	_ =	sdelay $0x4  }
0xac: {  	v1 =	vand.u32 @!p3 $0xFFFF, v0;
	v0 =	vshra.s32 @!p3 v0, $0x10  }
0xad: {  	[tilespmem:$0x2800] =	vst @!p3 v1  }
0xae: {  	[tilespmem:$0x2880] =	vst @!p3 v0  }
0xaf: {  	v0 =	vld @!p3 [tilespmem:s31+$0xFFFFFF20];
	_ =	sdelay $0x4  }
0xb0: {  	v1 =	vand.u32 @!p3 $0xFFFF, v0;
	v0 =	vshra.s32 @!p3 v0, $0x10  }
0xb1: {  	[tilespmem:$0x2810] =	vst @!p3 v1  }
0xb2: {  	[tilespmem:$0x2890] =	vst @!p3 v0  }
0xb3: {  	v0 =	vld @!p3 [tilespmem:s31+$0xFFFFFF30];
	_ =	sdelay $0x4  }
0xb4: {  	v1 =	vand.u32 @!p3 $0xFFFF, v0;
	v0 =	vshra.s32 @!p3 v0, $0x10  }
0xb5: {  	[tilespmem:$0x2820] =	vst @!p3 v1  }
0xb6: {  	[tilespmem:$0x28A0] =	vst @!p3 v0  }
0xb7: {  	v0 =	vld @!p3 [tilespmem:s31+$0xFFFFFF40];
	_ =	sdelay $0x4  }
0xb8: {  	v1 =	vand.u32 @!p3 $0xFFFF, v0;
	v0 =	vshra.s32 @!p3 v0, $0x10  }
0xb9: {  	[tilespmem:$0x2830] =	vst @!p3 v1  }
0xba: {  	[tilespmem:$0x28B0] =	vst @!p3 v0  }
0xbb: {  	v0 =	vld @!p3 [tilespmem:s31+$0xFFFFFF50];
	_ =	sdelay $0x4  }
0xbc: {  	v1 =	vand.u32 @!p3 $0xFFFF, v0;
	v0 =	vshra.s32 @!p3 v0, $0x10  }
0xbd: {  	[tilespmem:$0x2840] =	vst @!p3 v1  }
0xbe: {  	[tilespmem:$0x28C0] =	vst @!p3 v0  }
0xbf: {  	v0 =	vld @!p3 [tilespmem:s31+$0xFFFFFF60];
	_ =	sdelay $0x4  }
0xc0: {  	v1 =	vand.u32 @!p3 $0xFFFF, v0;
	v0 =	vshra.s32 @!p3 v0, $0x10  }
0xc1: {  	[tilespmem:$0x2850] =	vst @!p3 v1  }
0xc2: {  	[tilespmem:$0x28D0] =	vst @!p3 v0  }
0xc3: {  	v0 =	vld @!p3 [tilespmem:s31+$0xFFFFFF70];
	_ =	sdelay $0x4  }
0xc4: {  	v1 =	vand.u32 @!p3 $0xFFFF, v0;
	v0 =	vshra.s32 @!p3 v0, $0x10  }
0xc5: {  	[tilespmem:$0x2860] =	vst @!p3 v1  }
0xc6: {  	s1 =	simm.s32 @!p3 $0x80;
	s18 =	simm.s32 @!p3 $0x2800;
	s20 =	simm.s32 @!p3 $0x2A00;
	[tilespmem:$0x28E0] =	vst @!p3 v0  }
0xc7: {  	v0 =	vld @!p3 [tilespmem:s31+$0xFFFFFF80];
	_ =	sdelay $0x4  }
0xc8: {  	v1 =	vand.u32 @!p3 $0xFFFF, v0;
	v0 =	vshra.s32 @!p3 v0, $0x10  }
0xc9: {  	[tilespmem:$0x2870] =	vst @!p3 v1  }
0xca: {  	[tilespmem:$0x28F0] =	vst @!p3 v0  }
0xcb: {  	[tilespmem:s20], [sflag:$0x1] =	stream.indirect.gather @!p3 [hbm4b:s0+s1], $0x80, s18, s1, $0xb8;
	[tilespmem:$0x1E280] =	vst v63  }
0xcc: {  	_ =	swait.ge [sflag:s24], $0x4000  }
0xcd: {  	[sflag:s24] =	ssyncset.done $0x0  }
0xce: {  	[sflag:s24] =	ssyncadd.s32 $0xFFFFC000  }
0xcf: {  	[spmem:s2] =	stream.indirect.scatter.add.f32 [tilespmem:s21], [sflag:$0x3], $0x80, s25, s17, $0xb8;
	[tilespmem:$0x1E280] =	vst v63  }
0xd0: {  	_ =	swait.ge [sflag:s15], $0x4000  }
0xd1: {  	[sflag:s15] =	ssyncset.done $0x0  }
0xd2: {  	p3 =	sge.u32 s30, s5;
	[sflag:s15] =	ssyncadd.s32 $0xFFFFC000  }
0xd3: {  	v0 =	vld @!p3 [tilespmem:s31+$0xFFFFFF90];
	_ =	sdelay $0x4  }
0xd4: {  	v1 =	vand.u32 @!p3 $0xFFFF, v0;
	v0 =	vshra.s32 @!p3 v0, $0x10  }
0xd5: {  	[tilespmem:$0x2900] =	vst @!p3 v1  }
0xd6: {  	[tilespmem:$0x2980] =	vst @!p3 v0  }
0xd7: {  	v0 =	vld @!p3 [tilespmem:s31+$0xFFFFFFA0];
	_ =	sdelay $0x4  }
0xd8: {  	v1 =	vand.u32 @!p3 $0xFFFF, v0;
	v0 =	vshra.s32 @!p3 v0, $0x10  }
0xd9: {  	[tilespmem:$0x2910] =	vst @!p3 v1  }
0xda: {  	[tilespmem:$0x2990] =	vst @!p3 v0  }
0xdb: {  	v0 =	vld @!p3 [tilespmem:s31+$0xFFFFFFB0];
	_ =	sdelay $0x4  }
0xdc: {  	v1 =	vand.u32 @!p3 $0xFFFF, v0;
	v0 =	vshra.s32 @!p3 v0, $0x10  }
0xdd: {  	[tilespmem:$0x2920] =	vst @!p3 v1  }
0xde: {  	[tilespmem:$0x29A0] =	vst @!p3 v0  }
0xdf: {  	v0 =	vld @!p3 [tilespmem:s31+$0xFFFFFFC0];
	_ =	sdelay $0x4  }
0xe0: {  	v1 =	vand.u32 @!p3 $0xFFFF, v0;
	v0 =	vshra.s32 @!p3 v0, $0x10  }
0xe1: {  	[tilespmem:$0x2930] =	vst @!p3 v1  }
0xe2: {  	[tilespmem:$0x29B0] =	vst @!p3 v0  }
0xe3: {  	v0 =	vld @!p3 [tilespmem:s31+$0xFFFFFFD0];
	_ =	sdelay $0x4  }
0xe4: {  	v1 =	vand.u32 @!p3 $0xFFFF, v0;
	v0 =	vshra.s32 @!p3 v0, $0x10  }
0xe5: {  	[tilespmem:$0x2940] =	vst @!p3 v1  }
0xe6: {  	[tilespmem:$0x29C0] =	vst @!p3 v0  }
0xe7: {  	v0 =	vld @!p3 [tilespmem:s31+$0xFFFFFFE0];
	_ =	sdelay $0x2  }
.Ltmp1:
0xe8: {  	(pc) =	sbr.rel @p2 .LBB2_2-.Ltmp1, $4  }
0xe9: {  	_ = 	snop  }
0xea: {  	v1 =	vand.u32 @!p3 $0xFFFF, v0;
	v0 =	vshra.s32 @!p3 v0, $0x10  }
0xeb: {  	[tilespmem:$0x2950] =	vst @!p3 v1  }
0xec: {  	s1 =	simm.s32 @!p3 $0x80;
	s18 =	simm.s32 @!p3 $0x2900;
	s20 =	simm.s32 @!p3 $0x6A00;
	[tilespmem:$0x29D0] =	vst @!p3 v0  }
.LBB2_3:
0xed: {  	v0 =	vld @!p3 [tilespmem:s28+$0xFFFFFFF0];
	_ =	sdelay $0x4  }
0xee: {  	v1 =	vand.u32 @!p3 $0xFFFF, v0  }
0xef: {  	v0 =	vshra.s32 @!p3 v0, $0x10;
	[tilespmem:$0x2960] =	vst @!p3 v1  }
0xf0: {  	[tilespmem:$0x29E0] =	vst @!p3 v0  }
0xf1: {  	v0 =	vld @!p3 [tilespmem:s28+$0x0];
	_ =	sdelay $0x4  }
0xf2: {  	v1 =	vand.u32 @!p3 $0xFFFF, v0  }
0xf3: {  	v0 =	vshra.s32 @!p3 v0, $0x10;
	[tilespmem:$0x2970] =	vst @!p3 v1  }
0xf4: {  	[tilespmem:$0x29F0] =	vst @!p3 v0  }
0xf5: {  	[tilespmem:s20], [sflag:$0x2] =	stream.indirect.gather @!p3 [hbm4b:s0+s1], $0x80, s18, s1, $0xb8;
	[tilespmem:$0x1E280] =	vst v63  }
0xf6: {  	s31 =	sadd.s32 s4, s11;
	[bflag:$0x0] =	sbarrier.arrive $0xFFFF  }
0xf7: {  	[hbm:s31], [sflag:s13] =	dma.local [spmem:s14], $0x2700  }
0xf8: {  	s3 =	sadd.s32 $0x1, s3;
	_ =	swait.ge [sflag:s15], $0x2700  }
0xf9: {  	p2 =	sne.s32 s3, s12;
	[sflag:s15] =	ssyncset.done $0x0  }
.Ltmp2:
0xfa: {  	s1 =	sadd.s32 @!p1 $0x27000, s11;
	[sflag:s15] =	ssyncadd.s32 $0xFFFFD900;
	(pc) =	sbr.rel @p2 .LBB2_1-.Ltmp2, $4  }
0xfb: {  	[hbm:s1], [sflag:s13] =	dma.local @!p1 [spmem:s16], $0x100  }
0xfc: {  	_ =	swait.ge @!p1 [sflag:s26], $0x100  }
0xfd: {  	[sflag:s26] =	ssyncset.done @!p1 $0x0  }
0xfe: {  	[sflag:s26] =	ssyncadd.s32 @!p1 $0xFFFFFF00  }
0xff: {  	_ =	sfence.sel $0x180000  }
0x100: {  	[bflag:$0x0] =	sbarrier.arrive $0xFFFF  }
0x101: {  	_ =	strace $0x9000004D  }
0x102: {  	[bflag:$0x2] =	sbarrier.arrive $0xFFFF  }
0x103: {  	s0 =	rddreg [dreg:$0x3]  }
0x104: {  	s0 =	sadd.s32 @!p1 $0x100000, s0  }
0x105: {  	[sflag:s0] =	ssyncadd.tile.s32 @!p1 $0x1;
	_ =	shalt  }
.Lfunc_end2:
_tile_overlayer_lowered:
.L_overlay_start_2:
0x106: {  	(tag) =	ssettag $0x2  }
0x107: {  	s0 =	rddreg [dreg:$0x0];
	s2 =	stileid.u32  }
0x108: {  	s1 =	rddreg [dreg:$0x1];
	p0 =	sne.s32 s2, $0x0  }
0x109: {  	s3 =	rddreg [dreg:$0x2];
	[bflag:$0x3] =	sbarrier.arrive $0xFFFF;
	s2 =	simm.s32 @!p0 $0x1C03  }
0x10a: {  	[timem:s3], [sflag:s2] =	dma.local @!p0 [hbm:s0], s1  }
0x10b: {  	s0 =	simm.s32 @!p0 $0x3  }
0x10c: {  	_ =	swait.ge @!p0 [sflag:s0], s1  }
0x10d: {  	s1 =	ssub.s32 @!p0 $0x0, s1;
	[sflag:s0] =	ssyncset.done @!p0 $0x0  }
0x10e: {  	[sflag:s0] =	ssyncadd.s32 @!p0 s1  }
0x10f: {  	[bflag:$0x3] =	sbarrier.arrive $0xFFFF  }
0x110: {  	_ =	shalt  }

// kernel: kernel.8.cloned.1.call-start
scs
__scs_entry_jumppad:
0x0: {  	(pc) =	sbr.rel $0x88, $3  }
0x1: {  	(tag) =	ssettag $0x0;
	lr =	simm.s32 $0x1  }
0x2: {  	[smem:$0x3F99] =	sst lr;
	_ =	strace $0xD0000000  }
0x3: {  	_ = 	snop  }
0x4: {  	_ = 	snop  }
0x5: {  	_ = 	snop  }
0x6: {  	_ = 	snop  }
0x7: {  	_ = 	snop  }
__scs_overlays_trampoline_lowered:
0x8: {  	[smem:$0x3FA8] =	sst s0  }
0x9: {  	[smem:$0x3FA9] =	sst s1  }
0xa: {  	[smem:$0x3FAA] =	sst s2  }
0xb: {  	[smem:$0x3FAB] =	sst s3  }
0xc: {  	[smem:$0x3FAC] =	sst s4  }
0xd: {  	[smem:$0x3FAD] =	sst s5  }
0xe: {  	[smem:$0x3FAE] =	sst s6  }
0xf: {  	[smem:$0x3FAF] =	sst s7  }
0x10: {  	[smem:$0x3FB0] =	sst s8  }
0x11: {  	[smem:$0x3FB1] =	sst s9;
	s0 =	simm.s32 @!p0 $0x0  }
0x12: {  	s1 =	sld [smem:$0x3F97];
	s0 =	simm.s32 @p0 $0x1  }
0x13: {  	[smem:$0x3FB2] =	sst s0;
	s0 =	simm.s32 @!p1 $0x0  }
0x14: {  	s2 =	sld [smem:$0x3F96];
	s0 =	simm.s32 @p1 $0x1  }
0x15: {  	[smem:$0x3FB3] =	sst s0;
	s0 =	simm.s32 @!p2 $0x0  }
0x16: {  	s3 =	sld [smem:$0x3FDB];
	s0 =	simm.s32 @p2 $0x1  }
0x17: {  	s4 =	simm.s32 $0x1BF5;
	[smem:$0x3FB5] =	sst s0  }
0x18: {  	s0 =	sld [smem:$0x3F98];
	_ =	swait.ge [sflag:s4], $0x0  }
0x19: {  	s7 =	sld [smem:$0x3F99]  }
0x1a: {  	s8 =	sadd.s32 $0xFFFFE003, lr  }
0x1b: {  	s9 =	sadd.s32 $0xFFFFFEF7, lr;
	s5 =	simm.s32 $0xFFFFFFFF;
	p2 =	slt.u32 s8, $0xFFFFF086  }
0x1c: {  	p1 =	slt.u32 s9, $0xF7A;
	s5 =	simm.s32 @!p2 $0x0  }
0x1d: {  	s5 =	simm.s32 @p1 $0x1;
	p0 =	seq.s32 s7, s2  }
0x1e: {  	s7 =	smul.u32 @!p0 $0xF7A, s2;
	p2 =	seq.s32 @!p0 s5, $0x0  }
0x1f: {  	s9 =	smul.u32 $0xF7A, s1;
	s8 =	simm.s32 @!p0 $0x1BF5;
	p2 =	por !p2, p0  }
0x20: {  	[sflag:s8] =	ssyncset.s32 @!p0 $0xFFFFF086;
	s6 =	sadd.s32 @!p0 s3, s7;
	s7 =	simm.s32 @!p0 $0x108  }
0x21: {  	s3 =	sadd.s32 s3, s9;
	s6 =	sadd.s32 @!p0 $0x88, s6;
	s7 =	simm.s32 @p2 $0x1082  }
0x22: {  	[simem:s7], [sflag:s8] =	dma.local @!p0 [hbm:s6], $0xF7A  }
0x23: {  	s9 =	sor.u32 $0xD0000000, s2;
	s6 =	simm.s32 $0x108;
	_ =	swait.ge @!p0 [sflag:s8], $0x0  }
0x24: {  	s3 =	sadd.s32 $0x88, s3;
	s6 =	simm.s32 @!p1 $0x1082;
	[sflag:s4] =	ssyncset.s32 $0xFFFFF086  }
0x25: {  	[simem:s6], [sflag:s4] =	dma.local [hbm:s3], $0xF7A  }
0x26: {  	[smem:$0x3F99] =	sst s1;
	(tag) =	ssettag s2;
	_ =	strace s9  }
0x27: {  	s1 =	sld [smem:$0x3FA9]  }
0x28: {  	s2 =	sld [smem:$0x3FAA]  }
0x29: {  	s4 =	sld [smem:$0x3FAC]  }
0x2a: {  	p0 =	seq.s32 s5, $0x0;
	s5 =	sld [smem:$0x3FAD]  }
0x2b: {  	s6 =	sld [smem:$0x3FAE]  }
0x2c: {  	s7 =	sld [smem:$0x3FAF]  }
0x2d: {  	s3 =	simm.s32 $0x108;
	s8 =	sld [smem:$0x3FB0]  }
0x2e: {  	s3 =	simm.s32 @!p0 $0x1082;
	s9 =	sld [smem:$0x3FB1]  }
0x2f: {  	lr =	sadd.s32 s0, s3;
	s0 =	sld [smem:$0x3FA8]  }
0x30: {  	s3 =	sld [smem:$0x3FAB]  }
0x31: {  	[smem:$0x3FB4] =	sst s10  }
0x32: {  	s10 =	sld [smem:$0x3FB2];
	_ =	sdelay $0x3  }
0x33: {  	p0 =	seq.s32 s10, $0x1;
	s10 =	sld [smem:$0x3FB4];
	_ =	sdelay $0x3  }
0x34: {  	[smem:$0x3FB4] =	sst s10  }
0x35: {  	s10 =	sld [smem:$0x3FB3];
	_ =	sdelay $0x3  }
0x36: {  	p1 =	seq.s32 s10, $0x1;
	s10 =	sld [smem:$0x3FB4];
	_ =	sdelay $0x3  }
0x37: {  	[smem:$0x3FB4] =	sst s10  }
0x38: {  	s10 =	sld [smem:$0x3FB5]  }
0x39: {  	_ = 	snop;
	(pc) =	sbr.ind lr, $3  }
0x3a: {  	_ = 	snop  }
0x3b: {  	_ = 	snop  }
0x3c: {  	p2 =	seq.s32 s10, $0x1;
	s10 =	sld [smem:$0x3FB4]  }
0x3d: {  	_ =	shalt  }
0x3e: {  	_ =	shalt  }
0x3f: {  	_ =	shalt  }
0x40: {  	_ =	shalt  }
0x41: {  	_ =	shalt  }
0x42: {  	_ =	shalt  }
0x43: {  	_ =	shalt  }
0x44: {  	_ =	shalt  }
0x45: {  	_ =	shalt  }
0x46: {  	_ =	shalt  }
0x47: {  	_ =	shalt  }
0x48: {  	_ =	shalt  }
0x49: {  	_ =	shalt  }
0x4a: {  	_ =	shalt  }
0x4b: {  	_ =	shalt  }
0x4c: {  	_ =	shalt  }
0x4d: {  	_ =	shalt  }
0x4e: {  	_ =	shalt  }
0x4f: {  	_ =	shalt  }
0x50: {  	_ =	shalt  }
0x51: {  	_ =	shalt  }
0x52: {  	_ =	shalt  }
0x53: {  	_ =	shalt  }
0x54: {  	_ =	shalt  }
0x55: {  	_ =	shalt  }
0x56: {  	_ =	shalt  }
0x57: {  	_ =	shalt  }
0x58: {  	_ =	shalt  }
0x59: {  	_ =	shalt  }
0x5a: {  	_ =	shalt  }
0x5b: {  	_ =	shalt  }
0x5c: {  	_ =	shalt  }
0x5d: {  	_ =	shalt  }
0x5e: {  	_ =	shalt  }
0x5f: {  	_ =	shalt  }
0x60: {  	_ =	shalt  }
0x61: {  	_ =	shalt  }
0x62: {  	_ =	shalt  }
0x63: {  	_ =	shalt  }
0x64: {  	_ =	shalt  }
0x65: {  	_ =	shalt  }
0x66: {  	_ =	shalt  }
0x67: {  	_ =	shalt  }
0x68: {  	_ =	shalt  }
0x69: {  	_ =	shalt  }
0x6a: {  	_ =	shalt  }
0x6b: {  	_ =	shalt  }
0x6c: {  	_ =	shalt  }
0x6d: {  	_ =	shalt  }
0x6e: {  	_ =	shalt  }
0x6f: {  	_ =	shalt  }
0x70: {  	_ =	shalt  }
0x71: {  	_ =	shalt  }
0x72: {  	_ =	shalt  }
0x73: {  	_ =	shalt  }
0x74: {  	_ =	shalt  }
0x75: {  	_ =	shalt  }
0x76: {  	_ =	shalt  }
0x77: {  	_ =	shalt  }
0x78: {  	_ =	shalt  }
0x79: {  	_ =	shalt  }
0x7a: {  	_ =	shalt  }
0x7b: {  	_ =	shalt  }
0x7c: {  	_ =	shalt  }
0x7d: {  	_ =	shalt  }
0x7e: {  	_ =	shalt  }
0x7f: {  	_ =	shalt  }
0x80: {  	_ =	shalt  }
0x81: {  	_ =	shalt  }
0x82: {  	_ =	shalt  }
0x83: {  	_ =	shalt  }
0x84: {  	_ =	shalt  }
0x85: {  	_ =	shalt  }
0x86: {  	_ =	shalt  }
0x87: {  	_ =	shalt  }
.Lfunc_end0:
.L_simem_size_0:
called_computation_lowered:
.L_overlay_start_0:
0x88: {  	s2 =	sld [smem:$0x3FD9]  }
0x89: {  	s3 =	sld [smem:$0x3FFE];
	_ =	sdelay $0x1  }
0x8a: {  	s1 =	srdreg.scid  }
0x8b: {  	s0 =	sand.u32 $0x1, s1  }
0x8c: {  	s17 =	sshll.u32 s0, $0xA;
	s2 =	sadd.s32 s3, s2  }
0x8d: {  	s2 =	sadd.s32 s2, s17  }
0x8e: {  	[smem:$0x3FC0] =	sst s2  }
0x8f: {  	_ = 	snop  }
0x90: {  	s2 =	sld [smem:$0x3FD0];
	(tm) =	ssettm $0x1  }
0x91: {  	s18 =	sld [smem:$0x3FFB];
	_ =	sdelay $0x3  }
0x92: {  	_ =	strace s18  }
0x93: {  	s3 =	sld [smem:$0x3FFC];
	_ =	sdelay $0x3  }
0x94: {  	_ =	strace s3  }
0x95: {  	s3 =	sld [smem:$0x3FFD];
	_ =	sdelay $0x3  }
0x96: {  	_ =	strace s3  }
0x97: {  	_ =	strace $0x8FFFFFFF  }
0x98: {  	s19 =	sld [smem:$0x3FDB];
	_ =	sdelay $0x1  }
0x99: {  	s4 =	simm.s32 $_scs_section_size  }
0x9a: {  	s5 =	simm.s32 $_size__tile_overlayer_lowered;
	s6 =	simm.s32 $_tile_overlayer_lowered  }
0x9b: {  	s22 =	simm.s32 $0x1BFF;
	s21 =	sshll.u32 s6, $0x1;
	s3 =	sadd.s32 s4, s19  }
0x9c: {  	s7 =	simm.s32 $0x0;
	s20 =	sshll.u32 s5, $0x1;
	s5 =	sadd.s32 s21, s3  }
0x9d: {  	[timem:s7], [sflag:s22] =	dma.local [hbm:s5], s20  }
0x9e: {  	_ =	swait.ge [sflag:s22], s20  }
0x9f: {  	s4 =	ssub.s32 $0x0, s20;
	[sflag:s22] =	ssyncset.done $0x0  }
0xa0: {  	[sflag:s22] =	ssyncadd.s32 s4;
	_ =	sdelay $0x1  }
0xa1: {  	s23 =	simm.s32 $0x1B8B  }
0xa2: {  	_ =	swait.ge [sflag:s23], $0x1  }
0xa3: {  	[sflag:s23] =	ssyncset.done $0x0  }
0xa4: {  	s25 =	simm.s32 $0x1B8E;
	s24 =	sld [smem:$0x3FFE];
	[sflag:s23] =	ssyncadd.s32 $0xFFFFFFFF  }
0xa5: {  	s26 =	simm.s32 $execute0_lowered;
	[smem:$0x3FD2] =	sst s25  }
0xa6: {  	s5 =	sshll.u32 s26, $0x1;
	_ =	strace $0x80000046;
	[dreg:$0x1] =	wrdreg $0xFFFFFFFF  }
0xa7: {  	s28 =	simm.s32 $_size_execute0_lowered;
	s3 =	sadd.s32 s3, s5;
	[dreg:$0x0] =	wrdreg $0x0  }
0xa8: {  	s5 =	sshll.u32 s28, $0x1;
	[dreg:$0x2] =	wrdreg s3  }
0xa9: {  	[dreg:$0x3] =	wrdreg s5  }
0xaa: {  	[dreg:$0x4] =	wrdreg $0xC0  }
0xab: {  	_ =	task [dreg:s7], $0x5FFFF  }
0xac: {  	[dreg:$0x1] =	wrdreg $0xFFFFFFFF  }
0xad: {  	[dreg:$0x0] =	wrdreg $0x60  }
0xae: {  	[dreg:$0x2] =	wrdreg s2  }
0xaf: {  	[dreg:$0x3] =	wrdreg s24  }
0xb0: {  	[dreg:$0x4] =	wrdreg $0x55800  }
0xb1: {  	[dreg:$0x5] =	wrdreg $0x9  }
0xb2: {  	_ =	task.clear_ibuf [dreg:s7], $0x6FFFF;
	_ =	strace $0x90000046  }
0xb3: {  	s29 =	simm.s32 $0x9;
	_ =	strace $0x80000048  }
0xb4: {  	_ =	swait.ge [sflag:s29], $0x1  }
0xb5: {  	[sflag:s29] =	ssyncadd.s32 $0xFFFFFFFF  }
0xb6: {  	_ =	strace $0x90000048  }
0xb7: {  	_ =	sfence  }
0xb8: {  	s30 =	sld [smem:$0x0];
	_ =	sdelay $0x2  }
0xb9: {  	s31 =	sshll.u32 s1, $0xD;
	s1 =	sshrl.u32 s1, $0x2  }
0xba: {  	s3 =	sand.u32 $0x4000, s31;
	s1 =	sadd.s32 s1, s30  }
0xbb: {  	s0 =	sor.u32 s3, s0;
	s1 =	sshll.u32 s1, $0x11  }
0xbc: {  	s0 =	sor.u32 s1, s0  }
0xbd: {  	s0 =	sadd.s32 $0x8F2B, s0  }
0xbe: {  	[sflag:s0] =	ssyncadd.remote.s32 $0x1  }
0xbf: {  	_ =	sfence.sel $0xFFFF  }
0xc0: {  	[dreg:$0x0] =	wrdreg $0xFFFFFFFF;
	(pc) =	sbr.abs _section_cstart, $3  }
0xc1: {  	[dreg:$0x1] =	wrdreg $0xFFFFFFFF  }
0xc2: {  	_ =	task.clear_ibuf [dreg:s7], $0x2FFFF;
	_ =	strace $0x9FFFFFFF  }
0xc3: {  	(tm) =	ssettm $0x7FFFFFFF  }
tec
execute0_lowered:
.L_overlay_start_1:
0x0: {  	(tag) =	ssettag $0x1  }
0x1: {  	s7 =	rddreg [dreg:$0x0]  }
0x2: {  	s10 =	rddreg [dreg:$0x1]  }
0x3: {  	s1 =	rddreg [dreg:$0x2]  }
0x4: {  	s0 =	rddreg [dreg:$0x3]  }
0x5: {  	s2 =	simm.s32 $0x0;
	s3 =	srdreg.scid;
	s13 =	stileid.u32  }
0x6: {  	s5 =	simm.s32 $0x64;
	s14 =	simm.s32 $0x3400;
	s16 =	simm.s32 $0x80  }
0x7: {  	s17 =	simm.s32 $0x1;
	s18 =	simm.s32 $0x5080;
	s19 =	simm.s32 $0x5300  }
0x8: {  	s20 =	simm.s32 $0x0;
	[smem:$0x7FF] =	sst s2;
	s11 =	smul.u32 $0x5000, s13  }
0x9: {  	s8 =	sand.u32 $0x1, s3;
	s3 =	sadd.s32 $0x2C00, s10;
	s31 =	smul.u32 $0x270, s13  }
0xa: {  	s4 =	sadd.s32 $0x3200, s10;
	p0 =	seq.s32 s13, $0xF;
	s9 =	smul.u32 $0x4E400, s8  }
0xb: {  	_ =	strace $0x80000047;
	s6 =	ssub.s32 $0x2, s8;
	s5 =	simm.s32 @!p0 $0xA0  }
0xc: {  	p1 =	seq.s32 s8, $0x0;
	s12 =	sshrl.u32 s6, $0x1;
	s8 =	sadd.s32 s31, s1  }
0xd: {  	s14 =	simm.s32 @!p1 $0x3A00;
	p1 =	sne.s32 s13, $0x0;
	s13 =	simm.s32 $0x5000  }
0xe: {  	s11 =	sadd.s32 s11, s9;
	s12 =	ssub.s32 s6, s12;
	s9 =	sshrl.u32 s9, $0x3  }
0xf: {  	s14 =	sadd.s32 s14, s10;
	s15 =	sshrl.u32 @!p1 s1, $0x3;
	s30 =	sshrl.u32 s11, $0x3  }
0x10: {  	s11 =	sshrl.u32 s31, $0x3;
	s10 =	smax.u32 s12, $0x1;
	s12 =	sadd.s32 $0x4E0, s14  }
0x11: {  	s6 =	sadd.s32 s7, s30;
	s7 =	sadd.s32 s7, s9;
	s9 =	sadd.s32 $0x2700, s1  }
0x12: {  	s11 =	sadd.s32 s14, s11;
	s14 =	simm.s32 $0x2;
	s7 =	sadd.s32 $0x9600, s7  }
.LBB2_1:
0x13: {  	s21 =	simm.s32 @p0 $0x0  }
0x14: {  	[tilespmem:s21], [sflag:$0x2] =	stream.linear.gather @p0 [hbm4b:s7+s21], $0x3200, $0x38;
	[tilespmem:$0x57F8] =	vst v63  }
0x15: {  	s21 =	simm.s32 @p0 $0x2  }
0x16: {  	_ =	swait.ge @p0 [sflag:s21], $0x3200  }
0x17: {  	[sflag:s21] =	ssyncset.done @p0 $0x0  }
0x18: {  	[sflag:s21] =	ssyncadd.s32 @p0 $0xFFFFCE00;
	s21 =	simm.s32 @!p0 $0x0  }
0x19: {  	[tilespmem:s21], [sflag:$0x2] =	stream.linear.gather @!p0 [hbm4b:s6+s21], $0x5000, $0x38;
	[tilespmem:$0x57F8] =	vst v63  }
0x1a: {  	s21 =	simm.s32 @!p0 $0x2  }
0x1b: {  	_ =	swait.ge @!p0 [sflag:s21], $0x5000  }
0x1c: {  	[sflag:s21] =	ssyncset.done @!p0 $0x0  }
0x1d: {  	[sflag:s21] =	ssyncadd.s32 @!p0 $0xFFFFB000  }
0x1e: {  	[tilespmem:s13], [sflag:$0x2] =	stream.linear.gather [hbm4b:s4+s2], $0x80, $0x38;
	[tilespmem:$0x57F8] =	vst v63  }
0x1f: {  	_ =	swait.ge [sflag:s14], $0x80  }
0x20: {  	[sflag:s14] =	ssyncset.done $0x0  }
0x21: {  	s21 =	simm.s32 @!p1 $0x1C02;
	[sflag:s14] =	ssyncadd.s32 $0xFFFFFF80  }
0x22: {  	[spmem:s15], [sflag:s21] =	dma.local @!p1 [hbm:s3], $0x4F0  }
0x23: {  	p2 =	sne.s32 s5, $0x1;
	s21 =	simm.s32 @!p1 $0x2  }
.Ltmp0:
0x24: {  	_ =	swait.ge @!p1 [sflag:s21], $0x4F0;
	(pc) =	sbr.rel @!p2 .LBB2_3-.Ltmp0, $4  }
0x25: {  	[sflag:s21] =	ssyncset.done @!p1 $0x0  }
0x26: {  	[sflag:s21] =	ssyncadd.s32 @!p1 $0xFFFFFB10  }
0x27: {  	s22 =	simm.s32 $0x0;
	s21 =	sadd.s32 $0xFFFFFFFF, s5;
	[bflag:$0x0] =	sbarrier.arrive $0xFFFF  }
0x28: {  	[spmem:s1] =	stream.indirect.scatter.add.f32 [tilespmem:s13], [sflag:$0x1], $0x1, s2, s16, $0xb8;
	[tilespmem:$0x57F8] =	vst v63  }
.LBB2_2:
0x29: {  	p3 =	sne.s32 s21, $0x1  }
.Ltmp1:
0x2a: {  	_ = 	snop;
	(pc) =	sbr.rel @p3 .LBB2_2-.Ltmp1, $3  }
0x2b: {  	_ = 	snop  }
0x2c: {  	s21 =	sadd.s32 $0xFFFFFFFF, s21;
	s22 =	sadd.s32 $0x80, s22;
	_ =	sdelay $0x1  }
0x2d: {  	[spmem:s1] =	stream.indirect.scatter.add.f32 [tilespmem:s13], [sflag:$0x1], $0x1, s22, s16, $0xb8;
	[tilespmem:$0x57F8] =	vst v63  }
.LBB2_3:
.Ltmp2:
0x2e: {  	(pc) =	sbr.rel @!p2 .LBB2_5-.Ltmp2, $3  }
0x2f: {  	_ =	sdelay $0x1  }
0x30: {  	_ =	swait.ge [sflag:s17], $0x80  }
0x31: {  	s21 =	sadd.s32 $0xFFFFFFFF, s5;
	[sflag:s17] =	ssyncset.done $0x0  }
.LBB2_4:
0x32: {  	p2 =	sne.s32 s21, $0x1;
	s21 =	sadd.s32 $0xFFFFFFFF, s21;
	[sflag:s17] =	ssyncadd.s32 $0xFFFFFF80  }
.Ltmp3:
0x33: {  	(pc) =	sbr.rel @p2 .LBB2_4-.Ltmp3, $3  }
0x34: {  	_ =	sdelay $0x1  }
0x35: {  	_ =	swait.ge [sflag:s17], $0x80  }
0x36: {  	[sflag:s17] =	ssyncset.done $0x0  }
.LBB2_5:
0x37: {  	[sflag:s17] =	ssyncadd.s32 $0xFFFFFF80  }
0x38: {  	[bflag:$0x0] =	sbarrier.arrive $0xFFFF  }
0x39: {  	[tilespmem:s18], [sflag:$0x2] =	stream.linear.gather [spmem:s8], $0x270, $0x38;
	[tilespmem:$0x57F8] =	vst v63  }
0x3a: {  	_ =	swait.ge [sflag:s14], $0x270  }
0x3b: {  	[sflag:s14] =	ssyncset.done $0x0  }
0x3c: {  	s22 =	simm.s32 $0x0;
	[sflag:s14] =	ssyncadd.s32 $0xFFFFFD90  }
0x3d: {  	v0 =	vld [tilespmem:s22+$0x5080];
	_ =	sdelay $0x4  }
0x3e: {  	s21 =	simm.s32 $0x10;
	v0 =	vmax.f32 v0, $1.000000000e+00  }
0x3f: {  	v1 =	vld [tilespmem:s21+$0x5080];
	v2 =	vshra.s32 v0, $0x1;
	v6 =	vmul.f32 $5.000000000e-01, v0  }
0x40: {  	v2 =	vsub.s32 $0x5F3759DF, v2  }
0x41: {  	v0 =	vmul.f32 v2, v6;
	_ =	sdelay $0x1  }
0x42: {  	s23 =	simm.s32 $0x20;
	v3 =	vmul.f32 v2, v0  }
0x43: {  	v0 =	vmax.f32 v1, $1.000000000e+00;
	v1 =	vld [tilespmem:s23+$0x5080]  }
0x44: {  	v4 =	vshra.s32 v0, $0x1;
	v0 =	vmul.f32 $5.000000000e-01, v0;
	v3 =	vsub.f32 $1.500000000e+00, v3  }
0x45: {  	v4 =	vsub.s32 $0x5F3759DF, v4  }
0x46: {  	v5 =	vmul.f32 v4, v0;
	v3 =	vmul.f32 v2, v3;
	_ =	sdelay $0x1  }
0x47: {  	s24 =	simm.s32 $0x30;
	v1 =	vmax.f32 v1, $1.000000000e+00;
	v5 =	vmul.f32 v4, v5;
	v7 =	vmul.f32 v3, v6  }
0x48: {  	v8 =	vld [tilespmem:s24+$0x5080];
	v9 =	vshra.s32 v1, $0x1;
	v2 =	vmul.f32 $5.000000000e-01, v1  }
0x49: {  	v1 =	vsub.f32 $1.500000000e+00, v5;
	v5 =	vmul.f32 v7, v3;
	v7 =	vsub.s32 $0x5F3759DF, v9  }
0x4a: {  	v9 =	vmul.f32 v7, v2  }
0x4b: {  	v4 =	vmul.f32 v4, v1;
	v1 =	vsub.f32 $1.500000000e+00, v5  }
0x4c: {  	v5 =	vmul.f32 v7, v9  }
0x4d: {  	s25 =	simm.s32 $0x40;
	v8 =	vmax.f32 v8, $1.000000000e+00;
	v9 =	vmul.f32 v4, v0;
	v1 =	vmul.f32 v1, v3  }
0x4e: {  	v10 =	vshra.s32 v8, $0x1;
	v3 =	vmul.f32 $5.000000000e-01, v8;
	v8 =	vld [tilespmem:s25+$0x5080];
	v11 =	vsub.f32 $1.500000000e+00, v5  }
0x4f: {  	v9 =	vmul.f32 v9, v4;
	v5 =	vsub.s32 $0x5F3759DF, v10;
	v12 =	vmul.f32 v1, v6  }
0x50: {  	v10 =	vmul.f32 v5, v3  }
0x51: {  	s26 =	simm.s32 $0x140;
	v6 =	vmul.f32 v7, v11;
	v9 =	vsub.f32 $1.500000000e+00, v9;
	v7 =	vmul.f32 v12, v1  }
.LBB2_6:
0x52: {  	s28 =	smov.u32 s24  }
0x53: {  	v11 =	vmax.f32 v8, $1.000000000e+00;
	v10 =	vmul.f32 v5, v10;
	v12 =	vmul.f32 v6, v2;
	s24 =	smov.u32 s25;
	s25 =	sshra.s32 s26, $0x2;
	p2 =	sne.s32 s26, $0x980  }
.Ltmp4:
0x54: {  	v8 =	vld [tilespmem:s25+$0x5080];
	v13 =	vshra.s32 v11, $0x1;
	v9 =	vmul.f32 v9, v4;
	v7 =	vsub.f32 $1.500000000e+00, v7;
	v4 =	vmovc v6;
	(pc) =	sbr.rel @p2 .LBB2_6-.Ltmp4, $4  }
0x55: {  	s26 =	sadd.s32 $0x40, s26;
	v11 =	vmul.f32 $5.000000000e-01, v11;
	v6 =	vsub.f32 $1.500000000e+00, v10;
	v12 =	vmul.f32 v12, v4  }
0x56: {  	v13 =	vsub.s32 $0x5F3759DF, v13;
	v14 =	vmul.f32 v9, v0;
	v15 =	vmul.f32 v7, v1;
	v1 =	vmovc v9;
	v0 =	vmovc v2  }
0x57: {  	v10 =	vmul.f32 v13, v11;
	v2 =	vmovc v3;
	v3 =	vmovc v11;
	v6 =	vmul.f32 v5, v6;
	v5 =	vmov v13  }
0x58: {  	v9 =	vsub.f32 $1.500000000e+00, v12;
	v7 =	vmul.f32 v14, v1;
	[tilespmem:s22+$0x5300] =	vst v15;
	s22 =	smov.u32 s21;
	s21 =	smov.u32 s23;
	s23 =	smov.u32 s28  }
0x59: {  	v8 =	vmax.f32 v8, $1.000000000e+00  }
0x5a: {  	v11 =	vshra.s32 v8, $0x1;
	v8 =	vmul.f32 $5.000000000e-01, v8  }
0x5b: {  	v11 =	vsub.s32 $0x5F3759DF, v11  }
0x5c: {  	v12 =	vmul.f32 v11, v8  }
0x5d: {  	v10 =	vmul.f32 v5, v10  }
0x5e: {  	v12 =	vmul.f32 v11, v12  }
0x5f: {  	v10 =	vsub.f32 $1.500000000e+00, v10  }
0x60: {  	v12 =	vsub.f32 $1.500000000e+00, v12  }
0x61: {  	v50 =	vmul.f32 v5, v10  }
0x62: {  	v51 =	vmul.f32 v6, v2;
	v11 =	vmul.f32 v11, v12  }
0x63: {  	v52 =	vmul.f32 v50, v3  }
0x64: {  	v10 =	vmul.f32 v51, v6;
	v13 =	vmul.f32 v11, v8  }
0x65: {  	v12 =	vmul.f32 v52, v50  }
0x66: {  	v10 =	vsub.f32 $1.500000000e+00, v10;
	v13 =	vmul.f32 v13, v11  }
0x67: {  	v4 =	vmul.f32 v9, v4;
	v53 =	vsub.f32 $1.500000000e+00, v12  }
0x68: {  	v54 =	vmul.f32 v10, v6;
	v55 =	vsub.f32 $1.500000000e+00, v13  }
0x69: {  	v0 =	vmul.f32 v4, v0;
	v5 =	vmul.f32 v53, v50  }
0x6a: {  	v56 =	vmul.f32 v54, v2;
	v57 =	vmul.f32 v55, v11  }
0x6b: {  	v0 =	vmul.f32 v0, v4;
	v58 =	vmul.f32 v5, v3  }
0x6c: {  	v7 =	vsub.f32 $1.500000000e+00, v7;
	v2 =	vmul.f32 v56, v54;
	v8 =	vmul.f32 v57, v8  }
0x6d: {  	v0 =	vsub.f32 $1.500000000e+00, v0;
	v3 =	vmul.f32 v58, v5  }
0x6e: {  	v1 =	vmul.f32 v7, v1;
	v2 =	vsub.f32 $1.500000000e+00, v2;
	v59 =	vmul.f32 v8, v57  }
0x6f: {  	v0 =	vmul.f32 v0, v4;
	v3 =	vsub.f32 $1.500000000e+00, v3  }
0x70: {  	[tilespmem:s22+$0x5300] =	vst v1;
	v60 =	vmul.f32 v2, v54;
	v61 =	vsub.f32 $1.500000000e+00, v59  }
0x71: {  	[tilespmem:s21+$0x5300] =	vst v0;
	v62 =	vmul.f32 v3, v5  }
0x72: {  	[tilespmem:s23+$0x5300] =	vst v60;
	v63 =	vmul.f32 v61, v57  }
0x73: {  	[tilespmem:s24+$0x5300] =	vst v62  }
0x74: {  	[tilespmem:s25+$0x5300] =	vst v63  }
0x75: {  	[hbm4b:s11+s2] =	stream.linear.scatter [tilespmem:s19], [sflag:$0x2], $0x270, $0x38;
	[tilespmem:$0x57F8] =	vst v63  }
0x76: {  	_ =	swait.ge [sflag:s14], $0x270  }
0x77: {  	[sflag:s14] =	ssyncset.done $0x0  }
0x78: {  	s21 =	simm.s32 @!p1 $0x5080;
	[sflag:s14] =	ssyncadd.s32 $0xFFFFFD90  }
0x79: {  	[tilespmem:s21], [sflag:$0x2] =	stream.linear.gather @!p1 [spmem:s9], $0x10, $0x38;
	[tilespmem:$0x57F8] =	vst v63  }
0x7a: {  	s21 =	simm.s32 @!p1 $0x2  }
0x7b: {  	_ =	swait.ge @!p1 [sflag:s21], $0x10  }
0x7c: {  	[sflag:s21] =	ssyncset.done @!p1 $0x0  }
0x7d: {  	[sflag:s21] =	ssyncadd.s32 @!p1 $0xFFFFFFF0  }
0x7e: {  	v0 =	vld @!p1 [tilespmem:$0x5080];
	_ =	sdelay $0x4  }
0x7f: {  	v0 =	vmax.f32 @!p1 v0, $1.000000000e+00  }
0x80: {  	v1 =	vshra.s32 @!p1 v0, $0x1;
	v0 =	vmul.f32 @!p1 $5.000000000e-01, v0  }
0x81: {  	v1 =	vsub.s32 @!p1 $0x5F3759DF, v1  }
0x82: {  	v2 =	vmul.f32 @!p1 v1, v0;
	_ =	sdelay $0x1  }
0x83: {  	v2 =	vmul.f32 @!p1 v1, v2;
	_ =	sdelay $0x1  }
0x84: {  	v2 =	vsub.f32 @!p1 $1.500000000e+00, v2;
	_ =	sdelay $0x1  }
0x85: {  	v1 =	vmul.f32 @!p1 v1, v2;
	_ =	sdelay $0x1  }
0x86: {  	v2 =	vmul.f32 @!p1 v1, v0;
	_ =	sdelay $0x1  }
0x87: {  	v2 =	vmul.f32 @!p1 v2, v1;
	_ =	sdelay $0x1  }
0x88: {  	v2 =	vsub.f32 @!p1 $1.500000000e+00, v2;
	_ =	sdelay $0x1  }
0x89: {  	v1 =	vmul.f32 @!p1 v2, v1;
	_ =	sdelay $0x1  }
0x8a: {  	v0 =	vmul.f32 @!p1 v1, v0;
	_ =	sdelay $0x1  }
0x8b: {  	v0 =	vmul.f32 @!p1 v0, v1;
	_ =	sdelay $0x1  }
0x8c: {  	v0 =	vsub.f32 @!p1 $1.500000000e+00, v0;
	_ =	sdelay $0x1  }
0x8d: {  	s20 =	sadd.s32 $0x1, s20;
	v0 =	vmul.f32 @!p1 v0, v1  }
0x8e: {  	p2 =	sne.s32 s20, s10  }
.Ltmp5:
0x8f: {  	s22 =	simm.s32 @!p1 $0x0;
	s23 =	simm.s32 @!p1 $0x5300;
	[tilespmem:$0x5300] =	vst @!p1 v0;
	(pc) =	sbr.rel @p2 .LBB2_1-.Ltmp5, $4  }
0x90: {  	[hbm4b:s12+s22] =	stream.linear.scatter @!p1 [tilespmem:s23], [sflag:$0x2], $0x10, $0x38;
	[tilespmem:$0x57F8] =	vst v63  }
0x91: {  	_ =	swait.ge @!p1 [sflag:s21], $0x10  }
0x92: {  	[sflag:s21] =	ssyncset.done @!p1 $0x0  }
0x93: {  	[sflag:s21] =	ssyncadd.s32 @!p1 $0xFFFFFFF0  }
0x94: {  	_ =	sfence.sel $0x180000  }
0x95: {  	[bflag:$0x0] =	sbarrier.arrive $0xFFFF  }
0x96: {  	_ =	strace $0x90000047  }
0x97: {  	s0 =	sadd.s32 @!p1 $0x100000, s0;
	[bflag:$0x2] =	sbarrier.arrive $0xFFFF  }
0x98: {  	[sflag:s0] =	ssyncadd.tile.s32 @!p1 $0x1;
	_ =	shalt  }
.Lfunc_end2:
_tile_overlayer_lowered:
.L_overlay_start_2:
0x99: {  	(tag) =	ssettag $0x2  }
0x9a: {  	s0 =	rddreg [dreg:$0x0];
	s2 =	stileid.u32  }
0x9b: {  	s1 =	rddreg [dreg:$0x1];
	p0 =	sne.s32 s2, $0x0  }
0x9c: {  	s3 =	rddreg [dreg:$0x2];
	[bflag:$0x3] =	sbarrier.arrive $0xFFFF;
	s2 =	simm.s32 @!p0 $0x1C02  }
0x9d: {  	[timem:s3], [sflag:s2] =	dma.local @!p0 [hbm:s0], s1  }
0x9e: {  	s0 =	simm.s32 @!p0 $0x2  }
0x9f: {  	_ =	swait.ge @!p0 [sflag:s0], s1  }
0xa0: {  	s1 =	ssub.s32 @!p0 $0x0, s1;
	[sflag:s0] =	ssyncset.done @!p0 $0x0  }
0xa1: {  	[sflag:s0] =	ssyncadd.s32 @!p0 s1  }
0xa2: {  	[bflag:$0x3] =	sbarrier.arrive $0xFFFF  }
0xa3: {  	_ =	shalt  }

</sc_bundles>
